<compile_context>
chip_gen: v7x
topology: tpu7x:2x2x1
jax: 0.10.2.dev20260603
libtpu: 0.0.44.dev20260713+nightly
codegen_flags: <defaults>
</compile_context>

<pallas_src>
import jax
import jax.numpy as jnp
from jax import lax
from jax.experimental import pallas as pl
from jax.experimental.pallas import tpu as pltpu
from jax.experimental.pallas import tpu_sc as plsc

B = 8
N = 20000
L = 16
NCHUNK = N // L
M1 = 1280
NSUPER = M1 // L
MAXDET = 100
KPAD = 112
OSC = 112
NEG = -1e30
ALIVE_TH = -5e29
SCORE_TH = 0.5
NMS_TH = 0.7
SENTINEL = 1e30


def _nms_tile(boxes_hbm, scores_hbm, kb_hbm, ks_hbm, nd_hbm,
              bx, sc, m1, m2, kx1, ky1, kx2, ky2, karea, obox, osc, ndv,
              sem):
    cid = lax.axis_index("c")
    sid = lax.axis_index("s")
    wid = sid * 2 + cid
    iota = lax.broadcasted_iota(jnp.int32, (L,), 0)

    def set1(ref, idx, val):
        g = (idx // L) * L
        lane = idx - g
        v = ref[pl.ds(g, L)]
        ref[pl.ds(g, L)] = jnp.where(iota == lane, jnp.full((L,), val), v)

    def ffs(mask):
        return jnp.min(jnp.where(mask, iota, jnp.int32(L)))

    @pl.when(wid < B)
    def _work():
        b = wid
        pltpu.sync_copy(scores_hbm.at[b], sc)
        boxes_cp = pltpu.async_copy(boxes_hbm.at[b], bx, sem)

        zf = jnp.zeros((L,), jnp.float32)
        big = jnp.full((L,), SENTINEL, jnp.float32)
        negv = jnp.full((L,), NEG, jnp.float32)

        def _init_out(i, _):
            obox[pl.ds(i * L, L)] = zf
            return 0
        lax.fori_loop(0, (MAXDET * 4) // L, _init_out, 0)

        def _init_misc(i, _):
            osc[pl.ds(i * L, L)] = zf
            kx1[pl.ds(i * L, L)] = big
            ky1[pl.ds(i * L, L)] = big
            kx2[pl.ds(i * L, L)] = big
            ky2[pl.ds(i * L, L)] = big
            karea[pl.ds(i * L, L)] = zf
            return 0
        lax.fori_loop(0, KPAD // L, _init_misc, 0)


        def _p1(g, _):
            mvec = negv
            for t in range(L):
                c = g * L + t
                valid = c < NCHUNK
                base = jnp.where(valid, c, 0) * L
                m = jnp.where(valid, jnp.max(sc[pl.ds(base, L)]), NEG)
                mvec = jnp.where(iota == t, jnp.full((L,), m), mvec)
            m1[pl.ds(g * L, L)] = mvec
            return 0
        lax.fori_loop(0, NSUPER, _p1, 0)

        m2vec = negv
        for g in range(NSUPER):
            m = jnp.max(m1[pl.ds(g * L, L)])
            m2vec = jnp.where(iota == (g % L), jnp.full((L,), m), m2vec)
            if g % L == L - 1:
                m2[pl.ds((g // L) * L, L)] = m2vec
                m2vec = negv

        boxes_cp.wait()

        def _pop():
            gm = m2[pl.ds(0, L)]
            for v in range(1, NSUPER // L):
                gm = jnp.maximum(gm, m2[pl.ds(v * L, L)])
            best = jnp.max(gm)
            bestv = jnp.full((L,), best, jnp.float32)
            s_idx = jnp.int32(0)
            found = jnp.int32(0)
            for v in range(NSUPER // L):
                lane = ffs(m2[pl.ds(v * L, L)] == bestv)
                hit = lane < L
                take = jnp.logical_and(hit, found == 0)
                s_idx = jnp.where(take, v * L + lane, s_idx)
                found = jnp.where(hit, jnp.int32(1), found)
            m1v = m1[pl.ds(s_idx * L, L)]
            lane1 = ffs(m1v == bestv)
            c = s_idx * L + lane1
            scv = sc[pl.ds(c * L, L)]
            lane2 = ffs(scv == bestv)
            e = c * L + lane2
            scv_new = jnp.where(iota == lane2, negv, scv)
            mnew = jnp.max(scv_new)
            m1v_new = jnp.where(iota == lane1, jnp.full((L,), mnew), m1v)
            m2new = jnp.max(m1v_new)

            @pl.when(best > SCORE_TH)
            def _inval():
                sc[pl.ds(c * L, L)] = scv_new
                set1(m1, c, mnew)
                set1(m2, s_idx, m2new)

            return best, e

        best0, e0 = _pop()

        def _cond(st):
            return st[1] == 0

        def _body(st):
            k, _, best, e = st
            alive = best > SCORE_TH

            ei = jnp.full((L,), e, jnp.int32)
            zi = jnp.zeros((L,), jnp.int32)
            cxv = plsc.load_gather(bx, [zi, ei])
            cyv = plsc.load_gather(bx, [zi + 1, ei])
            wv = plsc.load_gather(bx, [zi + 2, ei])
            hv = plsc.load_gather(bx, [zi + 3, ei])
            x1 = cxv - 0.5 * wv
            y1 = cyv - 0.5 * hv
            x2 = cxv + 0.5 * wv
            y2 = cyv + 0.5 * hv
            area1 = (x2 - x1) * (y2 - y1)

            nj = (k + L - 1) // L

            def _iou(j, acc):
                ix1 = jnp.maximum(x1, kx1[pl.ds(j * L, L)])
                iy1 = jnp.maximum(y1, ky1[pl.ds(j * L, L)])
                ix2 = jnp.minimum(x2, kx2[pl.ds(j * L, L)])
                iy2 = jnp.minimum(y2, ky2[pl.ds(j * L, L)])
                inter = jnp.maximum(ix2 - ix1, 0.0) * jnp.maximum(iy2 - iy1, 0.0)
                union = area1 + karea[pl.ds(j * L, L)] - inter
                iou = inter / jnp.maximum(union, 1e-9)
                return jnp.maximum(acc, jnp.where(iou > NMS_TH, 1.0, 0.0))

            acc = lax.fori_loop(0, nj, _iou, zf)
            sup = jnp.max(acc) > 0.0
            keep = jnp.logical_and(alive, jnp.logical_not(sup))

            best_n, e_n = _pop()

            @pl.when(keep)
            def _keep():
                set1(kx1, k, jnp.max(x1))
                set1(ky1, k, jnp.max(y1))
                set1(kx2, k, jnp.max(x2))
                set1(ky2, k, jnp.max(y2))
                set1(karea, k, jnp.max(area1))
                set1(osc, k, best)
                og = (k // 4) * L
                oo = (k - (k // 4) * 4) * 4
                ov = obox[pl.ds(og, L)]
                bval = jnp.where(iota == oo, cxv,
                                 jnp.where(iota == oo + 1, cyv,
                                           jnp.where(iota == oo + 2, wv,
                                                     jnp.where(iota == oo + 3,
                                                               hv, ov))))
                obox[pl.ds(og, L)] = bval

            k_new = jnp.where(keep, k + 1, k)
            done = jnp.where(
                jnp.logical_or(jnp.logical_not(alive), k_new >= MAXDET),
                jnp.int32(1), jnp.int32(0))
            return k_new, done, best_n, e_n

        done0 = jnp.where(best0 > SCORE_TH, jnp.int32(0), jnp.int32(1))
        kfin, _, _, _ = lax.while_loop(
            _cond, _body, (jnp.int32(0), done0, best0, e0))

        ndv[...] = jnp.where(iota == 0, kfin, 0)
        pltpu.sync_copy(obox, kb_hbm.at[b])
        pltpu.sync_copy(osc, ks_hbm.at[b])
        pltpu.sync_copy(ndv, nd_hbm.at[b])


def _make_kernel(interpret=False):
    mesh = plsc.VectorSubcoreMesh(core_axis_name="c", subcore_axis_name="s",
                                  num_cores=2, num_subcores=16)
    return pl.kernel(
        _nms_tile,
        out_type=[
            jax.ShapeDtypeStruct((B, MAXDET * 4), jnp.float32),
            jax.ShapeDtypeStruct((B, OSC), jnp.float32),
            jax.ShapeDtypeStruct((B, L), jnp.int32),
        ],
        mesh=mesh,
        scratch_types=[
            pltpu.VMEM((4, N), jnp.float32),
            pltpu.VMEM((N,), jnp.float32),
            pltpu.VMEM((M1,), jnp.float32),
            pltpu.VMEM((NSUPER,), jnp.float32),
            pltpu.VMEM((KPAD,), jnp.float32),
            pltpu.VMEM((KPAD,), jnp.float32),
            pltpu.VMEM((KPAD,), jnp.float32),
            pltpu.VMEM((KPAD,), jnp.float32),
            pltpu.VMEM((KPAD,), jnp.float32),
            pltpu.VMEM((MAXDET * 4,), jnp.float32),
            pltpu.VMEM((OSC,), jnp.float32),
            pltpu.VMEM((L,), jnp.int32),
            pltpu.SemaphoreType.DMA,
        ],
        compiler_params=pltpu.CompilerParams(needs_layout_passes=False),
        interpret=interpret,
    )


def kernel(pred_boxes, scores):
    kb, ks, nd = _make_kernel()(
        jnp.transpose(pred_boxes, (0, 2, 1)), scores)
    return (kb.reshape(B, MAXDET, 4), ks[:, :MAXDET], nd[:, 0])

# --- scband reference (transcript-rebuilt; emitter-appended) ---
"""Pipeline reference for scband-post-processor-59897613910738 (READ-ONLY COPY).

The authoritative reference and input builder live on the scoring server;
editing this copy changes nothing except your own understanding.
"""

import jax, jax.numpy as jnp
import numpy as np

SCORE_THRESHOLD = 0.5
NMS_THRESHOLD = 0.7
MAX_DETECTIONS = 100
NEG_INF = np.float32(-1e30)  # was jnp.float32: eager op breaks mock-TPU import


def box_cxcywh_to_xyxy(b):
    cx, cy, w, h = b[..., 0], b[..., 1], b[..., 2], b[..., 3]
    return jnp.stack([cx - 0.5 * w, cy - 0.5 * h, cx + 0.5 * w, cy + 0.5 * h], axis=-1)


def iou_one_to_many(box, boxes):
    # box: [4] xyxy, boxes: [N,4] xyxy
    x1 = jnp.maximum(box[0], boxes[:, 0])
    y1 = jnp.maximum(box[1], boxes[:, 1])
    x2 = jnp.minimum(box[2], boxes[:, 2])
    y2 = jnp.minimum(box[3], boxes[:, 3])
    inter = jnp.clip(x2 - x1, 0.0) * jnp.clip(y2 - y1, 0.0)
    area1 = (box[2] - box[0]) * (box[3] - box[1])
    area2 = (boxes[:, 2] - boxes[:, 0]) * (boxes[:, 3] - boxes[:, 1])
    union = area1 + area2 - inter
    return inter / jnp.maximum(union, 1e-9)


def nms_single(boxes_cxcywh, scores):
    # score-threshold filter is expressed as masking to NEG_INF (static shapes)
    boxes_xyxy = box_cxcywh_to_xyxy(boxes_cxcywh)
    ws0 = jnp.where(scores > SCORE_THRESHOLD, scores, NEG_INF)

    def step(ws, _):
        idx = jnp.argmax(ws)
        s = ws[idx]
        valid = s > (NEG_INF * 0.5)
        box_xyxy = boxes_xyxy[idx]
        box_orig = boxes_cxcywh[idx]
        iou = iou_one_to_many(box_xyxy, boxes_xyxy)
        suppress = iou > NMS_THRESHOLD
        ws_new = jnp.where(jnp.logical_and(valid, suppress), NEG_INF, ws)
        ws_new = ws_new.at[idx].set(NEG_INF)
        out_box = jnp.where(valid, box_orig, jnp.zeros_like(box_orig))
        out_score = jnp.where(valid, s, 0.0)
        return ws_new, (out_box, out_score, valid.astype(jnp.float32))

    _, (kb, ks, kv) = jax.lax.scan(step, ws0, None, length=MAX_DETECTIONS)
    return kb, ks, kv


def setup_inputs(seed: int = 0) -> dict:
    key = jax.random.key(seed)
    k1, k2 = jax.random.split(key)
    pred_boxes = jax.random.uniform(k1, (8, 20000, 4), dtype=jnp.float32)
    scores = jax.random.uniform(k2, (8, 20000), dtype=jnp.float32)
    return {"pred_boxes": pred_boxes, "scores": scores}


def reference(pred_boxes, scores):
    # Returns padded per-batch results: boxes [B, max_det, 4] (cxcywh, as in the
    # torch module which returns boxes_filtered[keep]), scores [B, max_det],
    # num_detections [B]. Invalid slots are zero-padded.
    kb, ks, kv = jax.vmap(nms_single)(pred_boxes, scores)
    num_detections = jnp.sum(kv, axis=1).astype(jnp.int32)
    return kb, ks, num_detections

if __name__ == "__main__":
    import jax
    _d = setup_inputs()
    print(jax.jit(kernel)(*tuple(_d.values())))

</pallas_src>

<mosaic_0001>
#map = affine_map<(d0, d1) -> (0, 0, 0)>
#map1 = affine_map<(d0, d1) -> (0, 0)>
module attributes {stable_mosaic.version = 14 : i64} {
  func.func @_nms_tile(%arg0: i32, %arg1: i32, %arg2: memref<8x4x20000xf32, #tpu.memory_space<hbm>>, %arg3: memref<8x20000xf32, #tpu.memory_space<hbm>>, %arg4: memref<8x400xf32, #tpu.memory_space<hbm>>, %arg5: memref<8x112xf32, #tpu.memory_space<hbm>>, %arg6: memref<8x16xi32, #tpu.memory_space<hbm>>, %arg7: memref<4x20000xf32, #tpu.memory_space<vmem>>, %arg8: memref<20000xf32, #tpu.memory_space<vmem>>, %arg9: memref<1280xf32, #tpu.memory_space<vmem>>, %arg10: memref<80xf32, #tpu.memory_space<vmem>>, %arg11: memref<112xf32, #tpu.memory_space<vmem>>, %arg12: memref<112xf32, #tpu.memory_space<vmem>>, %arg13: memref<112xf32, #tpu.memory_space<vmem>>, %arg14: memref<112xf32, #tpu.memory_space<vmem>>, %arg15: memref<112xf32, #tpu.memory_space<vmem>>, %arg16: memref<400xf32, #tpu.memory_space<vmem>>, %arg17: memref<112xf32, #tpu.memory_space<vmem>>, %arg18: memref<16xi32, #tpu.memory_space<vmem>>, %arg19: memref<!tpu.dma_semaphore, #tpu.memory_space<semaphore_mem>>) attributes {dimension_semantics = [#tpu.dimension_semantics<core_parallel>, #tpu.dimension_semantics<subcore_parallel>], iteration_bounds = array<i64: 2, 16>, scalar_prefetch = 0 : i64, scratch_operands = 13 : i64, tpu.core_type = #tpu.core_type<sc_vector_subcore>, window_params = [{transform_indices = #map}, {transform_indices = #map1}, {transform_indices = #map1}, {transform_indices = #map1}, {transform_indices = #map1}]} {
    %mul3A = arith.constant 2 : i32
    %mul3A_0 = arith.muli %arg1, %mul3A : i32
    %add3A = arith.addi %mul3A_0, %arg0 : i32
    %iota3A = tpu.iota {dimensions = array<i32: 0>} : vector<16xi32>
    %lt3A = arith.constant 8 : i32
    %lt3A_1 = arith.cmpi slt, %add3A, %lt3A : i32
    %convert_element_type3A = arith.extui %lt3A_1 : i1 to i32
    %cond3A = arith.constant 0 : i32
    %cond3A_2 = arith.cmpi ne, %convert_element_type3A, %cond3A : i32
    scf.if %cond3A_2 {
      "tpu.region"() ({
        %run_scoped3A = tpu.sem_alloc : memref<!tpu.dma_semaphore, #tpu.memory_space<semaphore_mem>>
        %dma_start3A_1137 = arith.constant 0 : i32
        %dma_start3A_1138 = tpu.memref_slice %arg3[%add3A, %dma_start3A_1137] : memref<8x20000xf32, #tpu.memory_space<hbm>> -> memref<1x20000xf32, #tpu.memory_space<hbm>>
        %dma_start3A_1139 = tpu.memref_squeeze %dma_start3A_1138 : memref<1x20000xf32, #tpu.memory_space<hbm>> -> memref<20000xf32, #tpu.memory_space<hbm>>
        %dma_start3A_1140 = arith.constant 0 : i32
        %dma_start3A_1141 = tpu.memref_slice %arg3[%add3A, %dma_start3A_1140] : memref<8x20000xf32, #tpu.memory_space<hbm>> -> memref<1x20000xf32, #tpu.memory_space<hbm>>
        %dma_start3A_1142 = tpu.memref_squeeze %dma_start3A_1141 : memref<1x20000xf32, #tpu.memory_space<hbm>> -> memref<20000xf32, #tpu.memory_space<hbm>>
        tpu.enqueue_dma source(%dma_start3A_1142 : memref<20000xf32, #tpu.memory_space<hbm>>) target(%arg8 : memref<20000xf32, #tpu.memory_space<vmem>>) target_semaphore(%run_scoped3A : memref<!tpu.dma_semaphore, #tpu.memory_space<semaphore_mem>>)
        %dma_wait3A_1143 = arith.constant 0 : i32
        %dma_wait3A_1144 = tpu.memref_slice %arg3[%add3A, %dma_wait3A_1143] : memref<8x20000xf32, #tpu.memory_space<hbm>> -> memref<1x20000xf32, #tpu.memory_space<hbm>>
        %dma_wait3A_1145 = tpu.memref_squeeze %dma_wait3A_1144 : memref<1x20000xf32, #tpu.memory_space<hbm>> -> memref<20000xf32, #tpu.memory_space<hbm>>
        %dma_wait3A_1146 = arith.constant 0 : i32
        %dma_wait3A_1147 = tpu.memref_slice %arg3[%add3A, %dma_wait3A_1146] : memref<8x20000xf32, #tpu.memory_space<hbm>> -> memref<1x20000xf32, #tpu.memory_space<hbm>>
        %dma_wait3A_1148 = tpu.memref_squeeze %dma_wait3A_1147 : memref<1x20000xf32, #tpu.memory_space<hbm>> -> memref<20000xf32, #tpu.memory_space<hbm>>
        tpu.wait_dma2 semaphore(%run_scoped3A : memref<!tpu.dma_semaphore, #tpu.memory_space<semaphore_mem>>) src(%dma_wait3A_1148 : memref<20000xf32, #tpu.memory_space<hbm>>) dst(%arg8 : memref<20000xf32, #tpu.memory_space<vmem>>)
        tpu.yield
      }) : () -> ()
      %dma_start3A = arith.constant 0 : i32
      %dma_start3A_3 = arith.constant 0 : i32
      %dma_start3A_4 = tpu.memref_slice %arg2[%add3A, %dma_start3A, %dma_start3A_3] : memref<8x4x20000xf32, #tpu.memory_space<hbm>> -> memref<1x4x20000xf32, #tpu.memory_space<hbm>>
      %dma_start3A_5 = tpu.memref_squeeze %dma_start3A_4 : memref<1x4x20000xf32, #tpu.memory_space<hbm>> -> memref<4x20000xf32, #tpu.memory_space<hbm>>
      %dma_start3A_6 = arith.constant 0 : i32
      %dma_start3A_7 = arith.constant 0 : i32
      %dma_start3A_8 = tpu.memref_slice %arg2[%add3A, %dma_start3A_6, %dma_start3A_7] : memref<8x4x20000xf32, #tpu.memory_space<hbm>> -> memref<1x4x20000xf32, #tpu.memory_space<hbm>>
      %dma_start3A_9 = tpu.memref_squeeze %dma_start3A_8 : memref<1x4x20000xf32, #tpu.memory_space<hbm>> -> memref<4x20000xf32, #tpu.memory_space<hbm>>
      tpu.enqueue_dma source(%dma_start3A_9 : memref<4x20000xf32, #tpu.memory_space<hbm>>) target(%arg7 : memref<4x20000xf32, #tpu.memory_space<vmem>>) target_semaphore(%arg19 : memref<!tpu.dma_semaphore, #tpu.memory_space<semaphore_mem>>)
      %broadcast_in_dim3A = arith.constant 0.000000e+00 : f32
      %broadcast_in_dim3A_10 = vector.broadcast %broadcast_in_dim3A : f32 to vector<16xf32>
      %broadcast_in_dim3A_11 = arith.constant 1.000000e+30 : f32
      %broadcast_in_dim3A_12 = vector.broadcast %broadcast_in_dim3A_11 : f32 to vector<16xf32>
      %broadcast_in_dim3A_13 = arith.constant -1.000000e+30 : f32
      %broadcast_in_dim3A_14 = vector.broadcast %broadcast_in_dim3A_13 : f32 to vector<16xf32>
      %scan3A = arith.constant 0 : i32
      %scan3A_15 = arith.constant 0 : i32
      %scan3A_16 = arith.constant 25 : i32
      %scan3A_17 = arith.addi %scan3A_15, %scan3A_16 : i32
      %scan3A_18 = arith.constant 1 : i32
      %scan3A_19 = scf.for %scan3A_1137 = %scan3A_15 to %scan3A_17 step %scan3A_18 iter_args(%scan3A_1138 = %scan3A) -> (i32)  : i32 {
        %mul3A_1139 = arith.constant 16 : i32
        %mul3A_1140 = arith.muli %scan3A_1137, %mul3A_1139 : i32
        %swap3A_1141 = arith.index_cast %mul3A_1140 : i32 to index
        %swap3A_1142 = tpu.vector_load %arg16[%swap3A_1141] {strides = array<i32>} : memref<400xf32, #tpu.memory_space<vmem>>, vector<16xf32>,
        tpu.vector_store %arg16[%swap3A_1141], %broadcast_in_dim3A_10 {strides = array<i32>} : memref<400xf32, #tpu.memory_space<vmem>>, vector<16xf32>,
        %scan3A_1143 = arith.constant 0 : i32
        scf.yield %scan3A_1143 : i32
      }
      %scan3A_20 = arith.constant 25 : i32
      %scan3A_21 = arith.constant 0 : i32
      %scan3A_22 = arith.constant 0 : i32
      %scan3A_23 = arith.constant 7 : i32
      %scan3A_24 = arith.addi %scan3A_22, %scan3A_23 : i32
      %scan3A_25 = arith.constant 1 : i32
      %scan3A_26 = scf.for %scan3A_1137 = %scan3A_22 to %scan3A_24 step %scan3A_25 iter_args(%scan3A_1138 = %scan3A_21) -> (i32)  : i32 {
        %mul3A_1139 = arith.constant 16 : i32
        %mul3A_1140 = arith.muli %scan3A_1137, %mul3A_1139 : i32
        %swap3A_1141 = arith.index_cast %mul3A_1140 : i32 to index
        %swap3A_1142 = tpu.vector_load %arg17[%swap3A_1141] {strides = array<i32>} : memref<112xf32, #tpu.memory_space<vmem>>, vector<16xf32>,
        tpu.vector_store %arg17[%swap3A_1141], %broadcast_in_dim3A_10 {strides = array<i32>} : memref<112xf32, #tpu.memory_space<vmem>>, vector<16xf32>,
        %mul3A_1143 = arith.constant 16 : i32
        %mul3A_1144 = arith.muli %scan3A_1137, %mul3A_1143 : i32
        %swap3A_1145 = arith.index_cast %mul3A_1144 : i32 to index
        %swap3A_1146 = tpu.vector_load %arg11[%swap3A_1145] {strides = array<i32>} : memref<112xf32, #tpu.memory_space<vmem>>, vector<16xf32>,
        tpu.vector_store %arg11[%swap3A_1145], %broadcast_in_dim3A_12 {strides = array<i32>} : memref<112xf32, #tpu.memory_space<vmem>>, vector<16xf32>,
        %mul3A_1147 = arith.constant 16 : i32
        %mul3A_1148 = arith.muli %scan3A_1137, %mul3A_1147 : i32
        %swap3A_1149 = arith.index_cast %mul3A_1148 : i32 to index
        %swap3A_1150 = tpu.vector_load %arg12[%swap3A_1149] {strides = array<i32>} : memref<112xf32, #tpu.memory_space<vmem>>, vector<16xf32>,
        tpu.vector_store %arg12[%swap3A_1149], %broadcast_in_dim3A_12 {strides = array<i32>} : memref<112xf32, #tpu.memory_space<vmem>>, vector<16xf32>,
        %mul3A_1151 = arith.constant 16 : i32
        %mul3A_1152 = arith.muli %scan3A_1137, %mul3A_1151 : i32
        %swap3A_1153 = arith.index_cast %mul3A_1152 : i32 to index
        %swap3A_1154 = tpu.vector_load %arg13[%swap3A_1153] {strides = array<i32>} : memref<112xf32, #tpu.memory_space<vmem>>, vector<16xf32>,
        tpu.vector_store %arg13[%swap3A_1153], %broadcast_in_dim3A_12 {strides = array<i32>} : memref<112xf32, #tpu.memory_space<vmem>>, vector<16xf32>,
        %mul3A_1155 = arith.constant 16 : i32
        %mul3A_1156 = arith.muli %scan3A_1137, %mul3A_1155 : i32
        %swap3A_1157 = arith.index_cast %mul3A_1156 : i32 to index
        %swap3A_1158 = tpu.vector_load %arg14[%swap3A_1157] {strides = array<i32>} : memref<112xf32, #tpu.memory_space<vmem>>, vector<16xf32>,
        tpu.vector_store %arg14[%swap3A_1157], %broadcast_in_dim3A_12 {strides = array<i32>} : memref<112xf32, #tpu.memory_space<vmem>>, vector<16xf32>,
        %mul3A_1159 = arith.constant 16 : i32
        %mul3A_1160 = arith.muli %scan3A_1137, %mul3A_1159 : i32
        %swap3A_1161 = arith.index_cast %mul3A_1160 : i32 to index
        %swap3A_1162 = tpu.vector_load %arg15[%swap3A_1161] {strides = array<i32>} : memref<112xf32, #tpu.memory_space<vmem>>, vector<16xf32>,
        tpu.vector_store %arg15[%swap3A_1161], %broadcast_in_dim3A_10 {strides = array<i32>} : memref<112xf32, #tpu.memory_space<vmem>>, vector<16xf32>,
        %scan3A_1163 = arith.constant 0 : i32
        scf.yield %scan3A_1163 : i32
      }
      %scan3A_27 = arith.constant 7 : i32
      %scan3A_28 = arith.constant 0 : i32
      %scan3A_29 = arith.constant 0 : i32
      %scan3A_30 = arith.constant 80 : i32
      %scan3A_31 = arith.addi %scan3A_29, %scan3A_30 : i32
      %scan3A_32 = arith.constant 1 : i32
      %scan3A_33 = scf.for %scan3A_1137 = %scan3A_29 to %scan3A_31 step %scan3A_32 iter_args(%scan3A_1138 = %scan3A_28) -> (i32)  : i32 {
        %mul3A_1139 = arith.constant 16 : i32
        %mul3A_1140 = arith.muli %scan3A_1137, %mul3A_1139 : i32
        %add3A_1141 = arith.constant 0 : i32
        %add3A_1142 = arith.addi %mul3A_1140, %add3A_1141 : i32
        %lt3A_1143 = arith.constant 1250 : i32
        %lt3A_1144 = arith.cmpi slt, %add3A_1142, %lt3A_1143 : i32
        %jit3A_1145 = arith.constant 0 : i32
        %select_n3A_1146 = arith.select %lt3A_1144, %add3A_1142, %jit3A_1145 : i32
        %mul3A_1147 = arith.constant 16 : i32
        %mul3A_1148 = arith.muli %select_n3A_1146, %mul3A_1147 : i32
        %get3A_1149 = arith.index_cast %mul3A_1148 : i32 to index
        %get3A_1150 = tpu.vector_load %arg8[%get3A_1149] {strides = array<i32>} : memref<20000xf32, #tpu.memory_space<vmem>>, vector<16xf32>,
        %reduce_max3A_1151 = arith.constant true
        %reduce_max3A_1152 = vector.broadcast %reduce_max3A_1151 : i1 to vector<16xi1>
        %reduce_max3A_1153 = tpu.scan <max>, %get3A_1150 masked %reduce_max3A_1152 : vector<16xf32>, vector<16xi1> -> vector<16xf32>
        %reduce_max3A_1154 = vector.extract %reduce_max3A_1153[15] : f32 from vector<16xf32>
        %jit3A_1155 = arith.constant -1.000000e+30 : f32
        %select_n3A_1156 = arith.select %lt3A_1144, %reduce_max3A_1154, %jit3A_1155 : f32
        %eq3A_1157 = arith.constant 0 : i32
        %eq3A_1158 = vector.broadcast %eq3A_1157 : i32 to vector<16xi32>
        %eq3A_1159 = arith.cmpi eq, %iota3A, %eq3A_1158 : vector<16xi32>
        %broadcast_in_dim3A_1160 = vector.broadcast %select_n3A_1156 : f32 to vector<16xf32>
        %select_n3A_1161 = arith.select %eq3A_1159, %broadcast_in_dim3A_1160, %broadcast_in_dim3A_14 : vector<16xi1>, vector<16xf32>
        %mul3A_1162 = arith.constant 16 : i32
        %mul3A_1163 = arith.muli %scan3A_1137, %mul3A_1162 : i32
        %add3A_1164 = arith.constant 1 : i32
        %add3A_1165 = arith.addi %mul3A_1163, %add3A_1164 : i32
        %lt3A_1166 = arith.constant 1250 : i32
        %lt3A_1167 = arith.cmpi slt, %add3A_1165, %lt3A_1166 : i32
        %jit3A_1168 = arith.constant 0 : i32
        %select_n3A_1169 = arith.select %lt3A_1167, %add3A_1165, %jit3A_1168 : i32
        %mul3A_1170 = arith.constant 16 : i32
        %mul3A_1171 = arith.muli %select_n3A_1169, %mul3A_1170 : i32
        %get3A_1172 = arith.index_cast %mul3A_1171 : i32 to index
        %get3A_1173 = tpu.vector_load %arg8[%get3A_1172] {strides = array<i32>} : memref<20000xf32, #tpu.memory_space<vmem>>, vector<16xf32>,
        %reduce_max3A_1174 = arith.constant true
        %reduce_max3A_1175 = vector.broadcast %reduce_max3A_1174 : i1 to vector<16xi1>
        %reduce_max3A_1176 = tpu.scan <max>, %get3A_1173 masked %reduce_max3A_1175 : vector<16xf32>, vector<16xi1> -> vector<16xf32>
        %reduce_max3A_1177 = vector.extract %reduce_max3A_1176[15] : f32 from vector<16xf32>
        %jit3A_1178 = arith.constant -1.000000e+30 : f32
        %select_n3A_1179 = arith.select %lt3A_1167, %reduce_max3A_1177, %jit3A_1178 : f32
        %eq3A_1180 = arith.constant 1 : i32
        %eq3A_1181 = vector.broadcast %eq3A_1180 : i32 to vector<16xi32>
        %eq3A_1182 = arith.cmpi eq, %iota3A, %eq3A_1181 : vector<16xi32>
        %broadcast_in_dim3A_1183 = vector.broadcast %select_n3A_1179 : f32 to vector<16xf32>
        %select_n3A_1184 = arith.select %eq3A_1182, %broadcast_in_dim3A_1183, %select_n3A_1161 : vector<16xi1>, vector<16xf32>
        %mul3A_1185 = arith.constant 16 : i32
        %mul3A_1186 = arith.muli %scan3A_1137, %mul3A_1185 : i32
        %add3A_1187 = arith.constant 2 : i32
        %add3A_1188 = arith.addi %mul3A_1186, %add3A_1187 : i32
        %lt3A_1189 = arith.constant 1250 : i32
        %lt3A_1190 = arith.cmpi slt, %add3A_1188, %lt3A_1189 : i32
        %jit3A_1191 = arith.constant 0 : i32
        %select_n3A_1192 = arith.select %lt3A_1190, %add3A_1188, %jit3A_1191 : i32
        %mul3A_1193 = arith.constant 16 : i32
        %mul3A_1194 = arith.muli %select_n3A_1192, %mul3A_1193 : i32
        %get3A_1195 = arith.index_cast %mul3A_1194 : i32 to index
        %get3A_1196 = tpu.vector_load %arg8[%get3A_1195] {strides = array<i32>} : memref<20000xf32, #tpu.memory_space<vmem>>, vector<16xf32>,
        %reduce_max3A_1197 = arith.constant true
        %reduce_max3A_1198 = vector.broadcast %reduce_max3A_1197 : i1 to vector<16xi1>
        %reduce_max3A_1199 = tpu.scan <max>, %get3A_1196 masked %reduce_max3A_1198 : vector<16xf32>, vector<16xi1> -> vector<16xf32>
        %reduce_max3A_1200 = vector.extract %reduce_max3A_1199[15] : f32 from vector<16xf32>
        %jit3A_1201 = arith.constant -1.000000e+30 : f32
        %select_n3A_1202 = arith.select %lt3A_1190, %reduce_max3A_1200, %jit3A_1201 : f32
        %eq3A_1203 = arith.constant 2 : i32
        %eq3A_1204 = vector.broadcast %eq3A_1203 : i32 to vector<16xi32>
        %eq3A_1205 = arith.cmpi eq, %iota3A, %eq3A_1204 : vector<16xi32>
        %broadcast_in_dim3A_1206 = vector.broadcast %select_n3A_1202 : f32 to vector<16xf32>
        %select_n3A_1207 = arith.select %eq3A_1205, %broadcast_in_dim3A_1206, %select_n3A_1184 : vector<16xi1>, vector<16xf32>
        %mul3A_1208 = arith.constant 16 : i32
        %mul3A_1209 = arith.muli %scan3A_1137, %mul3A_1208 : i32
        %add3A_1210 = arith.constant 3 : i32
        %add3A_1211 = arith.addi %mul3A_1209, %add3A_1210 : i32
        %lt3A_1212 = arith.constant 1250 : i32
        %lt3A_1213 = arith.cmpi slt, %add3A_1211, %lt3A_1212 : i32
        %jit3A_1214 = arith.constant 0 : i32
        %select_n3A_1215 = arith.select %lt3A_1213, %add3A_1211, %jit3A_1214 : i32
        %mul3A_1216 = arith.constant 16 : i32
        %mul3A_1217 = arith.muli %select_n3A_1215, %mul3A_1216 : i32
        %get3A_1218 = arith.index_cast %mul3A_1217 : i32 to index
        %get3A_1219 = tpu.vector_load %arg8[%get3A_1218] {strides = array<i32>} : memref<20000xf32, #tpu.memory_space<vmem>>, vector<16xf32>,
        %reduce_max3A_1220 = arith.constant true
        %reduce_max3A_1221 = vector.broadcast %reduce_max3A_1220 : i1 to vector<16xi1>
        %reduce_max3A_1222 = tpu.scan <max>, %get3A_1219 masked %reduce_max3A_1221 : vector<16xf32>, vector<16xi1> -> vector<16xf32>
        %reduce_max3A_1223 = vector.extract %reduce_max3A_1222[15] : f32 from vector<16xf32>
        %jit3A_1224 = arith.constant -1.000000e+30 : f32
        %select_n3A_1225 = arith.select %lt3A_1213, %reduce_max3A_1223, %jit3A_1224 : f32
        %eq3A_1226 = arith.constant 3 : i32
        %eq3A_1227 = vector.broadcast %eq3A_1226 : i32 to vector<16xi32>
        %eq3A_1228 = arith.cmpi eq, %iota3A, %eq3A_1227 : vector<16xi32>
        %broadcast_in_dim3A_1229 = vector.broadcast %select_n3A_1225 : f32 to vector<16xf32>
        %select_n3A_1230 = arith.select %eq3A_1228, %broadcast_in_dim3A_1229, %select_n3A_1207 : vector<16xi1>, vector<16xf32>
        %mul3A_1231 = arith.constant 16 : i32
        %mul3A_1232 = arith.muli %scan3A_1137, %mul3A_1231 : i32
        %add3A_1233 = arith.constant 4 : i32
        %add3A_1234 = arith.addi %mul3A_1232, %add3A_1233 : i32
        %lt3A_1235 = arith.constant 1250 : i32
        %lt3A_1236 = arith.cmpi slt, %add3A_1234, %lt3A_1235 : i32
        %jit3A_1237 = arith.constant 0 : i32
        %select_n3A_1238 = arith.select %lt3A_1236, %add3A_1234, %jit3A_1237 : i32
        %mul3A_1239 = arith.constant 16 : i32
        %mul3A_1240 = arith.muli %select_n3A_1238, %mul3A_1239 : i32
        %get3A_1241 = arith.index_cast %mul3A_1240 : i32 to index
        %get3A_1242 = tpu.vector_load %arg8[%get3A_1241] {strides = array<i32>} : memref<20000xf32, #tpu.memory_space<vmem>>, vector<16xf32>,
        %reduce_max3A_1243 = arith.constant true
        %reduce_max3A_1244 = vector.broadcast %reduce_max3A_1243 : i1 to vector<16xi1>
        %reduce_max3A_1245 = tpu.scan <max>, %get3A_1242 masked %reduce_max3A_1244 : vector<16xf32>, vector<16xi1> -> vector<16xf32>
        %reduce_max3A_1246 = vector.extract %reduce_max3A_1245[15] : f32 from vector<16xf32>
        %jit3A_1247 = arith.constant -1.000000e+30 : f32
        %select_n3A_1248 = arith.select %lt3A_1236, %reduce_max3A_1246, %jit3A_1247 : f32
        %eq3A_1249 = arith.constant 4 : i32
        %eq3A_1250 = vector.broadcast %eq3A_1249 : i32 to vector<16xi32>
        %eq3A_1251 = arith.cmpi eq, %iota3A, %eq3A_1250 : vector<16xi32>
        %broadcast_in_dim3A_1252 = vector.broadcast %select_n3A_1248 : f32 to vector<16xf32>
        %select_n3A_1253 = arith.select %eq3A_1251, %broadcast_in_dim3A_1252, %select_n3A_1230 : vector<16xi1>, vector<16xf32>
        %mul3A_1254 = arith.constant 16 : i32
        %mul3A_1255 = arith.muli %scan3A_1137, %mul3A_1254 : i32
        %add3A_1256 = arith.constant 5 : i32
        %add3A_1257 = arith.addi %mul3A_1255, %add3A_1256 : i32
        %lt3A_1258 = arith.constant 1250 : i32
        %lt3A_1259 = arith.cmpi slt, %add3A_1257, %lt3A_1258 : i32
        %jit3A_1260 = arith.constant 0 : i32
        %select_n3A_1261 = arith.select %lt3A_1259, %add3A_1257, %jit3A_1260 : i32
        %mul3A_1262 = arith.constant 16 : i32
        %mul3A_1263 = arith.muli %select_n3A_1261, %mul3A_1262 : i32
        %get3A_1264 = arith.index_cast %mul3A_1263 : i32 to index
        %get3A_1265 = tpu.vector_load %arg8[%get3A_1264] {strides = array<i32>} : memref<20000xf32, #tpu.memory_space<vmem>>, vector<16xf32>,
        %reduce_max3A_1266 = arith.constant true
        %reduce_max3A_1267 = vector.broadcast %reduce_max3A_1266 : i1 to vector<16xi1>
        %reduce_max3A_1268 = tpu.scan <max>, %get3A_1265 masked %reduce_max3A_1267 : vector<16xf32>, vector<16xi1> -> vector<16xf32>
        %reduce_max3A_1269 = vector.extract %reduce_max3A_1268[15] : f32 from vector<16xf32>
        %jit3A_1270 = arith.constant -1.000000e+30 : f32
        %select_n3A_1271 = arith.select %lt3A_1259, %reduce_max3A_1269, %jit3A_1270 : f32
        %eq3A_1272 = arith.constant 5 : i32
        %eq3A_1273 = vector.broadcast %eq3A_1272 : i32 to vector<16xi32>
        %eq3A_1274 = arith.cmpi eq, %iota3A, %eq3A_1273 : vector<16xi32>
        %broadcast_in_dim3A_1275 = vector.broadcast %select_n3A_1271 : f32 to vector<16xf32>
        %select_n3A_1276 = arith.select %eq3A_1274, %broadcast_in_dim3A_1275, %select_n3A_1253 : vector<16xi1>, vector<16xf32>
        %mul3A_1277 = arith.constant 16 : i32
        %mul3A_1278 = arith.muli %scan3A_1137, %mul3A_1277 : i32
        %add3A_1279 = arith.constant 6 : i32
        %add3A_1280 = arith.addi %mul3A_1278, %add3A_1279 : i32
        %lt3A_1281 = arith.constant 1250 : i32
        %lt3A_1282 = arith.cmpi slt, %add3A_1280, %lt3A_1281 : i32
        %jit3A_1283 = arith.constant 0 : i32
        %select_n3A_1284 = arith.select %lt3A_1282, %add3A_1280, %jit3A_1283 : i32
        %mul3A_1285 = arith.constant 16 : i32
        %mul3A_1286 = arith.muli %select_n3A_1284, %mul3A_1285 : i32
        %get3A_1287 = arith.index_cast %mul3A_1286 : i32 to index
        %get3A_1288 = tpu.vector_load %arg8[%get3A_1287] {strides = array<i32>} : memref<20000xf32, #tpu.memory_space<vmem>>, vector<16xf32>,
        %reduce_max3A_1289 = arith.constant true
        %reduce_max3A_1290 = vector.broadcast %reduce_max3A_1289 : i1 to vector<16xi1>
        %reduce_max3A_1291 = tpu.scan <max>, %get3A_1288 masked %reduce_max3A_1290 : vector<16xf32>, vector<16xi1> -> vector<16xf32>
        %reduce_max3A_1292 = vector.extract %reduce_max3A_1291[15] : f32 from vector<16xf32>
        %jit3A_1293 = arith.constant -1.000000e+30 : f32
        %select_n3A_1294 = arith.select %lt3A_1282, %reduce_max3A_1292, %jit3A_1293 : f32
        %eq3A_1295 = arith.constant 6 : i32
        %eq3A_1296 = vector.broadcast %eq3A_1295 : i32 to vector<16xi32>
        %eq3A_1297 = arith.cmpi eq, %iota3A, %eq3A_1296 : vector<16xi32>
        %broadcast_in_dim3A_1298 = vector.broadcast %select_n3A_1294 : f32 to vector<16xf32>
        %select_n3A_1299 = arith.select %eq3A_1297, %broadcast_in_dim3A_1298, %select_n3A_1276 : vector<16xi1>, vector<16xf32>
        %mul3A_1300 = arith.constant 16 : i32
        %mul3A_1301 = arith.muli %scan3A_1137, %mul3A_1300 : i32
        %add3A_1302 = arith.constant 7 : i32
        %add3A_1303 = arith.addi %mul3A_1301, %add3A_1302 : i32
        %lt3A_1304 = arith.constant 1250 : i32
        %lt3A_1305 = arith.cmpi slt, %add3A_1303, %lt3A_1304 : i32
        %jit3A_1306 = arith.constant 0 : i32
        %select_n3A_1307 = arith.select %lt3A_1305, %add3A_1303, %jit3A_1306 : i32
        %mul3A_1308 = arith.constant 16 : i32
        %mul3A_1309 = arith.muli %select_n3A_1307, %mul3A_1308 : i32
        %get3A_1310 = arith.index_cast %mul3A_1309 : i32 to index
        %get3A_1311 = tpu.vector_load %arg8[%get3A_1310] {strides = array<i32>} : memref<20000xf32, #tpu.memory_space<vmem>>, vector<16xf32>,
        %reduce_max3A_1312 = arith.constant true
        %reduce_max3A_1313 = vector.broadcast %reduce_max3A_1312 : i1 to vector<16xi1>
        %reduce_max3A_1314 = tpu.scan <max>, %get3A_1311 masked %reduce_max3A_1313 : vector<16xf32>, vector<16xi1> -> vector<16xf32>
        %reduce_max3A_1315 = vector.extract %reduce_max3A_1314[15] : f32 from vector<16xf32>
        %jit3A_1316 = arith.constant -1.000000e+30 : f32
        %select_n3A_1317 = arith.select %lt3A_1305, %reduce_max3A_1315, %jit3A_1316 : f32
        %eq3A_1318 = arith.constant 7 : i32
        %eq3A_1319 = vector.broadcast %eq3A_1318 : i32 to vector<16xi32>
        %eq3A_1320 = arith.cmpi eq, %iota3A, %eq3A_1319 : vector<16xi32>
        %broadcast_in_dim3A_1321 = vector.broadcast %select_n3A_1317 : f32 to vector<16xf32>
        %select_n3A_1322 = arith.select %eq3A_1320, %broadcast_in_dim3A_1321, %select_n3A_1299 : vector<16xi1>, vector<16xf32>
        %mul3A_1323 = arith.constant 16 : i32
        %mul3A_1324 = arith.muli %scan3A_1137, %mul3A_1323 : i32
        %add3A_1325 = arith.constant 8 : i32
        %add3A_1326 = arith.addi %mul3A_1324, %add3A_1325 : i32
        %lt3A_1327 = arith.constant 1250 : i32
        %lt3A_1328 = arith.cmpi slt, %add3A_1326, %lt3A_1327 : i32
        %jit3A_1329 = arith.constant 0 : i32
        %select_n3A_1330 = arith.select %lt3A_1328, %add3A_1326, %jit3A_1329 : i32
        %mul3A_1331 = arith.constant 16 : i32
        %mul3A_1332 = arith.muli %select_n3A_1330, %mul3A_1331 : i32
        %get3A_1333 = arith.index_cast %mul3A_1332 : i32 to index
        %get3A_1334 = tpu.vector_load %arg8[%get3A_1333] {strides = array<i32>} : memref<20000xf32, #tpu.memory_space<vmem>>, vector<16xf32>,
        %reduce_max3A_1335 = arith.constant true
        %reduce_max3A_1336 = vector.broadcast %reduce_max3A_1335 : i1 to vector<16xi1>
        %reduce_max3A_1337 = tpu.scan <max>, %get3A_1334 masked %reduce_max3A_1336 : vector<16xf32>, vector<16xi1> -> vector<16xf32>
        %reduce_max3A_1338 = vector.extract %reduce_max3A_1337[15] : f32 from vector<16xf32>
        %jit3A_1339 = arith.constant -1.000000e+30 : f32
        %select_n3A_1340 = arith.select %lt3A_1328, %reduce_max3A_1338, %jit3A_1339 : f32
        %eq3A_1341 = arith.constant 8 : i32
        %eq3A_1342 = vector.broadcast %eq3A_1341 : i32 to vector<16xi32>
        %eq3A_1343 = arith.cmpi eq, %iota3A, %eq3A_1342 : vector<16xi32>
        %broadcast_in_dim3A_1344 = vector.broadcast %select_n3A_1340 : f32 to vector<16xf32>
        %select_n3A_1345 = arith.select %eq3A_1343, %broadcast_in_dim3A_1344, %select_n3A_1322 : vector<16xi1>, vector<16xf32>
        %mul3A_1346 = arith.constant 16 : i32
        %mul3A_1347 = arith.muli %scan3A_1137, %mul3A_1346 : i32
        %add3A_1348 = arith.constant 9 : i32
        %add3A_1349 = arith.addi %mul3A_1347, %add3A_1348 : i32
        %lt3A_1350 = arith.constant 1250 : i32
        %lt3A_1351 = arith.cmpi slt, %add3A_1349, %lt3A_1350 : i32
        %jit3A_1352 = arith.constant 0 : i32
        %select_n3A_1353 = arith.select %lt3A_1351, %add3A_1349, %jit3A_1352 : i32
        %mul3A_1354 = arith.constant 16 : i32
        %mul3A_1355 = arith.muli %select_n3A_1353, %mul3A_1354 : i32
        %get3A_1356 = arith.index_cast %mul3A_1355 : i32 to index
        %get3A_1357 = tpu.vector_load %arg8[%get3A_1356] {strides = array<i32>} : memref<20000xf32, #tpu.memory_space<vmem>>, vector<16xf32>,
        %reduce_max3A_1358 = arith.constant true
        %reduce_max3A_1359 = vector.broadcast %reduce_max3A_1358 : i1 to vector<16xi1>
        %reduce_max3A_1360 = tpu.scan <max>, %get3A_1357 masked %reduce_max3A_1359 : vector<16xf32>, vector<16xi1> -> vector<16xf32>
        %reduce_max3A_1361 = vector.extract %reduce_max3A_1360[15] : f32 from vector<16xf32>
        %jit3A_1362 = arith.constant -1.000000e+30 : f32
        %select_n3A_1363 = arith.select %lt3A_1351, %reduce_max3A_1361, %jit3A_1362 : f32
        %eq3A_1364 = arith.constant 9 : i32
        %eq3A_1365 = vector.broadcast %eq3A_1364 : i32 to vector<16xi32>
        %eq3A_1366 = arith.cmpi eq, %iota3A, %eq3A_1365 : vector<16xi32>
        %broadcast_in_dim3A_1367 = vector.broadcast %select_n3A_1363 : f32 to vector<16xf32>
        %select_n3A_1368 = arith.select %eq3A_1366, %broadcast_in_dim3A_1367, %select_n3A_1345 : vector<16xi1>, vector<16xf32>
        %mul3A_1369 = arith.constant 16 : i32
        %mul3A_1370 = arith.muli %scan3A_1137, %mul3A_1369 : i32
        %add3A_1371 = arith.constant 10 : i32
        %add3A_1372 = arith.addi %mul3A_1370, %add3A_1371 : i32
        %lt3A_1373 = arith.constant 1250 : i32
        %lt3A_1374 = arith.cmpi slt, %add3A_1372, %lt3A_1373 : i32
        %jit3A_1375 = arith.constant 0 : i32
        %select_n3A_1376 = arith.select %lt3A_1374, %add3A_1372, %jit3A_1375 : i32
        %mul3A_1377 = arith.constant 16 : i32
        %mul3A_1378 = arith.muli %select_n3A_1376, %mul3A_1377 : i32
        %get3A_1379 = arith.index_cast %mul3A_1378 : i32 to index
        %get3A_1380 = tpu.vector_load %arg8[%get3A_1379] {strides = array<i32>} : memref<20000xf32, #tpu.memory_space<vmem>>, vector<16xf32>,
        %reduce_max3A_1381 = arith.constant true
        %reduce_max3A_1382 = vector.broadcast %reduce_max3A_1381 : i1 to vector<16xi1>
        %reduce_max3A_1383 = tpu.scan <max>, %get3A_1380 masked %reduce_max3A_1382 : vector<16xf32>, vector<16xi1> -> vector<16xf32>
        %reduce_max3A_1384 = vector.extract %reduce_max3A_1383[15] : f32 from vector<16xf32>
        %jit3A_1385 = arith.constant -1.000000e+30 : f32
        %select_n3A_1386 = arith.select %lt3A_1374, %reduce_max3A_1384, %jit3A_1385 : f32
        %eq3A_1387 = arith.constant 10 : i32
        %eq3A_1388 = vector.broadcast %eq3A_1387 : i32 to vector<16xi32>
        %eq3A_1389 = arith.cmpi eq, %iota3A, %eq3A_1388 : vector<16xi32>
        %broadcast_in_dim3A_1390 = vector.broadcast %select_n3A_1386 : f32 to vector<16xf32>
        %select_n3A_1391 = arith.select %eq3A_1389, %broadcast_in_dim3A_1390, %select_n3A_1368 : vector<16xi1>, vector<16xf32>
        %mul3A_1392 = arith.constant 16 : i32
        %mul3A_1393 = arith.muli %scan3A_1137, %mul3A_1392 : i32
        %add3A_1394 = arith.constant 11 : i32
        %add3A_1395 = arith.addi %mul3A_1393, %add3A_1394 : i32
        %lt3A_1396 = arith.constant 1250 : i32
        %lt3A_1397 = arith.cmpi slt, %add3A_1395, %lt3A_1396 : i32
        %jit3A_1398 = arith.constant 0 : i32
        %select_n3A_1399 = arith.select %lt3A_1397, %add3A_1395, %jit3A_1398 : i32
        %mul3A_1400 = arith.constant 16 : i32
        %mul3A_1401 = arith.muli %select_n3A_1399, %mul3A_1400 : i32
        %get3A_1402 = arith.index_cast %mul3A_1401 : i32 to index
        %get3A_1403 = tpu.vector_load %arg8[%get3A_1402] {strides = array<i32>} : memref<20000xf32, #tpu.memory_space<vmem>>, vector<16xf32>,
        %reduce_max3A_1404 = arith.constant true
        %reduce_max3A_1405 = vector.broadcast %reduce_max3A_1404 : i1 to vector<16xi1>
        %reduce_max3A_1406 = tpu.scan <max>, %get3A_1403 masked %reduce_max3A_1405 : vector<16xf32>, vector<16xi1> -> vector<16xf32>
        %reduce_max3A_1407 = vector.extract %reduce_max3A_1406[15] : f32 from vector<16xf32>
        %jit3A_1408 = arith.constant -1.000000e+30 : f32
        %select_n3A_1409 = arith.select %lt3A_1397, %reduce_max3A_1407, %jit3A_1408 : f32
        %eq3A_1410 = arith.constant 11 : i32
        %eq3A_1411 = vector.broadcast %eq3A_1410 : i32 to vector<16xi32>
        %eq3A_1412 = arith.cmpi eq, %iota3A, %eq3A_1411 : vector<16xi32>
        %broadcast_in_dim3A_1413 = vector.broadcast %select_n3A_1409 : f32 to vector<16xf32>
        %select_n3A_1414 = arith.select %eq3A_1412, %broadcast_in_dim3A_1413, %select_n3A_1391 : vector<16xi1>, vector<16xf32>
        %mul3A_1415 = arith.constant 16 : i32
        %mul3A_1416 = arith.muli %scan3A_1137, %mul3A_1415 : i32
        %add3A_1417 = arith.constant 12 : i32
        %add3A_1418 = arith.addi %mul3A_1416, %add3A_1417 : i32
        %lt3A_1419 = arith.constant 1250 : i32
        %lt3A_1420 = arith.cmpi slt, %add3A_1418, %lt3A_1419 : i32
        %jit3A_1421 = arith.constant 0 : i32
        %select_n3A_1422 = arith.select %lt3A_1420, %add3A_1418, %jit3A_1421 : i32
        %mul3A_1423 = arith.constant 16 : i32
        %mul3A_1424 = arith.muli %select_n3A_1422, %mul3A_1423 : i32
        %get3A_1425 = arith.index_cast %mul3A_1424 : i32 to index
        %get3A_1426 = tpu.vector_load %arg8[%get3A_1425] {strides = array<i32>} : memref<20000xf32, #tpu.memory_space<vmem>>, vector<16xf32>,
        %reduce_max3A_1427 = arith.constant true
        %reduce_max3A_1428 = vector.broadcast %reduce_max3A_1427 : i1 to vector<16xi1>
        %reduce_max3A_1429 = tpu.scan <max>, %get3A_1426 masked %reduce_max3A_1428 : vector<16xf32>, vector<16xi1> -> vector<16xf32>
        %reduce_max3A_1430 = vector.extract %reduce_max3A_1429[15] : f32 from vector<16xf32>
        %jit3A_1431 = arith.constant -1.000000e+30 : f32
        %select_n3A_1432 = arith.select %lt3A_1420, %reduce_max3A_1430, %jit3A_1431 : f32
        %eq3A_1433 = arith.constant 12 : i32
        %eq3A_1434 = vector.broadcast %eq3A_1433 : i32 to vector<16xi32>
        %eq3A_1435 = arith.cmpi eq, %iota3A, %eq3A_1434 : vector<16xi32>
        %broadcast_in_dim3A_1436 = vector.broadcast %select_n3A_1432 : f32 to vector<16xf32>
        %select_n3A_1437 = arith.select %eq3A_1435, %broadcast_in_dim3A_1436, %select_n3A_1414 : vector<16xi1>, vector<16xf32>
        %mul3A_1438 = arith.constant 16 : i32
        %mul3A_1439 = arith.muli %scan3A_1137, %mul3A_1438 : i32
        %add3A_1440 = arith.constant 13 : i32
        %add3A_1441 = arith.addi %mul3A_1439, %add3A_1440 : i32
        %lt3A_1442 = arith.constant 1250 : i32
        %lt3A_1443 = arith.cmpi slt, %add3A_1441, %lt3A_1442 : i32
        %jit3A_1444 = arith.constant 0 : i32
        %select_n3A_1445 = arith.select %lt3A_1443, %add3A_1441, %jit3A_1444 : i32
        %mul3A_1446 = arith.constant 16 : i32
        %mul3A_1447 = arith.muli %select_n3A_1445, %mul3A_1446 : i32
        %get3A_1448 = arith.index_cast %mul3A_1447 : i32 to index
        %get3A_1449 = tpu.vector_load %arg8[%get3A_1448] {strides = array<i32>} : memref<20000xf32, #tpu.memory_space<vmem>>, vector<16xf32>,
        %reduce_max3A_1450 = arith.constant true
        %reduce_max3A_1451 = vector.broadcast %reduce_max3A_1450 : i1 to vector<16xi1>
        %reduce_max3A_1452 = tpu.scan <max>, %get3A_1449 masked %reduce_max3A_1451 : vector<16xf32>, vector<16xi1> -> vector<16xf32>
        %reduce_max3A_1453 = vector.extract %reduce_max3A_1452[15] : f32 from vector<16xf32>
        %jit3A_1454 = arith.constant -1.000000e+30 : f32
        %select_n3A_1455 = arith.select %lt3A_1443, %reduce_max3A_1453, %jit3A_1454 : f32
        %eq3A_1456 = arith.constant 13 : i32
        %eq3A_1457 = vector.broadcast %eq3A_1456 : i32 to vector<16xi32>
        %eq3A_1458 = arith.cmpi eq, %iota3A, %eq3A_1457 : vector<16xi32>
        %broadcast_in_dim3A_1459 = vector.broadcast %select_n3A_1455 : f32 to vector<16xf32>
        %select_n3A_1460 = arith.select %eq3A_1458, %broadcast_in_dim3A_1459, %select_n3A_1437 : vector<16xi1>, vector<16xf32>
        %mul3A_1461 = arith.constant 16 : i32
        %mul3A_1462 = arith.muli %scan3A_1137, %mul3A_1461 : i32
        %add3A_1463 = arith.constant 14 : i32
        %add3A_1464 = arith.addi %mul3A_1462, %add3A_1463 : i32
        %lt3A_1465 = arith.constant 1250 : i32
        %lt3A_1466 = arith.cmpi slt, %add3A_1464, %lt3A_1465 : i32
        %jit3A_1467 = arith.constant 0 : i32
        %select_n3A_1468 = arith.select %lt3A_1466, %add3A_1464, %jit3A_1467 : i32
        %mul3A_1469 = arith.constant 16 : i32
        %mul3A_1470 = arith.muli %select_n3A_1468, %mul3A_1469 : i32
        %get3A_1471 = arith.index_cast %mul3A_1470 : i32 to index
        %get3A_1472 = tpu.vector_load %arg8[%get3A_1471] {strides = array<i32>} : memref<20000xf32, #tpu.memory_space<vmem>>, vector<16xf32>,
        %reduce_max3A_1473 = arith.constant true
        %reduce_max3A_1474 = vector.broadcast %reduce_max3A_1473 : i1 to vector<16xi1>
        %reduce_max3A_1475 = tpu.scan <max>, %get3A_1472 masked %reduce_max3A_1474 : vector<16xf32>, vector<16xi1> -> vector<16xf32>
        %reduce_max3A_1476 = vector.extract %reduce_max3A_1475[15] : f32 from vector<16xf32>
        %jit3A_1477 = arith.constant -1.000000e+30 : f32
        %select_n3A_1478 = arith.select %lt3A_1466, %reduce_max3A_1476, %jit3A_1477 : f32
        %eq3A_1479 = arith.constant 14 : i32
        %eq3A_1480 = vector.broadcast %eq3A_1479 : i32 to vector<16xi32>
        %eq3A_1481 = arith.cmpi eq, %iota3A, %eq3A_1480 : vector<16xi32>
        %broadcast_in_dim3A_1482 = vector.broadcast %select_n3A_1478 : f32 to vector<16xf32>
        %select_n3A_1483 = arith.select %eq3A_1481, %broadcast_in_dim3A_1482, %select_n3A_1460 : vector<16xi1>, vector<16xf32>
        %mul3A_1484 = arith.constant 16 : i32
        %mul3A_1485 = arith.muli %scan3A_1137, %mul3A_1484 : i32
        %add3A_1486 = arith.constant 15 : i32
        %add3A_1487 = arith.addi %mul3A_1485, %add3A_1486 : i32
        %lt3A_1488 = arith.constant 1250 : i32
        %lt3A_1489 = arith.cmpi slt, %add3A_1487, %lt3A_1488 : i32
        %jit3A_1490 = arith.constant 0 : i32
        %select_n3A_1491 = arith.select %lt3A_1489, %add3A_1487, %jit3A_1490 : i32
        %mul3A_1492 = arith.constant 16 : i32
        %mul3A_1493 = arith.muli %select_n3A_1491, %mul3A_1492 : i32
        %get3A_1494 = arith.index_cast %mul3A_1493 : i32 to index
        %get3A_1495 = tpu.vector_load %arg8[%get3A_1494] {strides = array<i32>} : memref<20000xf32, #tpu.memory_space<vmem>>, vector<16xf32>,
        %reduce_max3A_1496 = arith.constant true
        %reduce_max3A_1497 = vector.broadcast %reduce_max3A_1496 : i1 to vector<16xi1>
        %reduce_max3A_1498 = tpu.scan <max>, %get3A_1495 masked %reduce_max3A_1497 : vector<16xf32>, vector<16xi1> -> vector<16xf32>
        %reduce_max3A_1499 = vector.extract %reduce_max3A_1498[15] : f32 from vector<16xf32>
        %jit3A_1500 = arith.constant -1.000000e+30 : f32
        %select_n3A_1501 = arith.select %lt3A_1489, %reduce_max3A_1499, %jit3A_1500 : f32
        %eq3A_1502 = arith.constant 15 : i32
        %eq3A_1503 = vector.broadcast %eq3A_1502 : i32 to vector<16xi32>
        %eq3A_1504 = arith.cmpi eq, %iota3A, %eq3A_1503 : vector<16xi32>
        %broadcast_in_dim3A_1505 = vector.broadcast %select_n3A_1501 : f32 to vector<16xf32>
        %select_n3A_1506 = arith.select %eq3A_1504, %broadcast_in_dim3A_1505, %select_n3A_1483 : vector<16xi1>, vector<16xf32>
        %mul3A_1507 = arith.constant 16 : i32
        %mul3A_1508 = arith.muli %scan3A_1137, %mul3A_1507 : i32
        %swap3A_1509 = arith.index_cast %mul3A_1508 : i32 to index
        %swap3A_1510 = tpu.vector_load %arg9[%swap3A_1509] {strides = array<i32>} : memref<1280xf32, #tpu.memory_space<vmem>>, vector<16xf32>,
        tpu.vector_store %arg9[%swap3A_1509], %select_n3A_1506 {strides = array<i32>} : memref<1280xf32, #tpu.memory_space<vmem>>, vector<16xf32>,
        %scan3A_1511 = arith.constant 0 : i32
        scf.yield %scan3A_1511 : i32
      }
      %scan3A_34 = arith.constant 80 : i32
      %get3A = arith.constant 0 : index
      %get3A_35 = tpu.vector_load %arg9[%get3A] {strides = array<i32>} : memref<1280xf32, #tpu.memory_space<vmem>>, vector<16xf32>,
      %reduce_max3A = arith.constant true
      %reduce_max3A_36 = vector.broadcast %reduce_max3A : i1 to vector<16xi1>
      %reduce_max3A_37 = tpu.scan <max>, %get3A_35 masked %reduce_max3A_36 : vector<16xf32>, vector<16xi1> -> vector<16xf32>
      %reduce_max3A_38 = vector.extract %reduce_max3A_37[15] : f32 from vector<16xf32>
      %eq3A = arith.constant 0 : i32
      %eq3A_39 = vector.broadcast %eq3A : i32 to vector<16xi32>
      %eq3A_40 = arith.cmpi eq, %iota3A, %eq3A_39 : vector<16xi32>
      %broadcast_in_dim3A_41 = vector.broadcast %reduce_max3A_38 : f32 to vector<16xf32>
      %select_n3A = arith.select %eq3A_40, %broadcast_in_dim3A_41, %broadcast_in_dim3A_14 : vector<16xi1>, vector<16xf32>
      %get3A_42 = arith.constant 16 : index
      %get3A_43 = tpu.vector_load %arg9[%get3A_42] {strides = array<i32>} : memref<1280xf32, #tpu.memory_space<vmem>>, vector<16xf32>,
      %reduce_max3A_44 = arith.constant true
      %reduce_max3A_45 = vector.broadcast %reduce_max3A_44 : i1 to vector<16xi1>
      %reduce_max3A_46 = tpu.scan <max>, %get3A_43 masked %reduce_max3A_45 : vector<16xf32>, vector<16xi1> -> vector<16xf32>
      %reduce_max3A_47 = vector.extract %reduce_max3A_46[15] : f32 from vector<16xf32>
      %eq3A_48 = arith.constant 1 : i32
      %eq3A_49 = vector.broadcast %eq3A_48 : i32 to vector<16xi32>
      %eq3A_50 = arith.cmpi eq, %iota3A, %eq3A_49 : vector<16xi32>
      %broadcast_in_dim3A_51 = vector.broadcast %reduce_max3A_47 : f32 to vector<16xf32>
      %select_n3A_52 = arith.select %eq3A_50, %broadcast_in_dim3A_51, %select_n3A : vector<16xi1>, vector<16xf32>
      %get3A_53 = arith.constant 32 : index
      %get3A_54 = tpu.vector_load %arg9[%get3A_53] {strides = array<i32>} : memref<1280xf32, #tpu.memory_space<vmem>>, vector<16xf32>,
      %reduce_max3A_55 = arith.constant true
      %reduce_max3A_56 = vector.broadcast %reduce_max3A_55 : i1 to vector<16xi1>
      %reduce_max3A_57 = tpu.scan <max>, %get3A_54 masked %reduce_max3A_56 : vector<16xf32>, vector<16xi1> -> vector<16xf32>
      %reduce_max3A_58 = vector.extract %reduce_max3A_57[15] : f32 from vector<16xf32>
      %eq3A_59 = arith.constant 2 : i32
      %eq3A_60 = vector.broadcast %eq3A_59 : i32 to vector<16xi32>
      %eq3A_61 = arith.cmpi eq, %iota3A, %eq3A_60 : vector<16xi32>
      %broadcast_in_dim3A_62 = vector.broadcast %reduce_max3A_58 : f32 to vector<16xf32>
      %select_n3A_63 = arith.select %eq3A_61, %broadcast_in_dim3A_62, %select_n3A_52 : vector<16xi1>, vector<16xf32>
      %get3A_64 = arith.constant 48 : index
      %get3A_65 = tpu.vector_load %arg9[%get3A_64] {strides = array<i32>} : memref<1280xf32, #tpu.memory_space<vmem>>, vector<16xf32>,
      %reduce_max3A_66 = arith.constant true
      %reduce_max3A_67 = vector.broadcast %reduce_max3A_66 : i1 to vector<16xi1>
      %reduce_max3A_68 = tpu.scan <max>, %get3A_65 masked %reduce_max3A_67 : vector<16xf32>, vector<16xi1> -> vector<16xf32>
      %reduce_max3A_69 = vector.extract %reduce_max3A_68[15] : f32 from vector<16xf32>
      %eq3A_70 = arith.constant 3 : i32
      %eq3A_71 = vector.broadcast %eq3A_70 : i32 to vector<16xi32>
      %eq3A_72 = arith.cmpi eq, %iota3A, %eq3A_71 : vector<16xi32>
      %broadcast_in_dim3A_73 = vector.broadcast %reduce_max3A_69 : f32 to vector<16xf32>
      %select_n3A_74 = arith.select %eq3A_72, %broadcast_in_dim3A_73, %select_n3A_63 : vector<16xi1>, vector<16xf32>
      %get3A_75 = arith.constant 64 : index
      %get3A_76 = tpu.vector_load %arg9[%get3A_75] {strides = array<i32>} : memref<1280xf32, #tpu.memory_space<vmem>>, vector<16xf32>,
      %reduce_max3A_77 = arith.constant true
      %reduce_max3A_78 = vector.broadcast %reduce_max3A_77 : i1 to vector<16xi1>
      %reduce_max3A_79 = tpu.scan <max>, %get3A_76 masked %reduce_max3A_78 : vector<16xf32>, vector<16xi1> -> vector<16xf32>
      %reduce_max3A_80 = vector.extract %reduce_max3A_79[15] : f32 from vector<16xf32>
      %eq3A_81 = arith.constant 4 : i32
      %eq3A_82 = vector.broadcast %eq3A_81 : i32 to vector<16xi32>
      %eq3A_83 = arith.cmpi eq, %iota3A, %eq3A_82 : vector<16xi32>
      %broadcast_in_dim3A_84 = vector.broadcast %reduce_max3A_80 : f32 to vector<16xf32>
      %select_n3A_85 = arith.select %eq3A_83, %broadcast_in_dim3A_84, %select_n3A_74 : vector<16xi1>, vector<16xf32>
      %get3A_86 = arith.constant 80 : index
      %get3A_87 = tpu.vector_load %arg9[%get3A_86] {strides = array<i32>} : memref<1280xf32, #tpu.memory_space<vmem>>, vector<16xf32>,
      %reduce_max3A_88 = arith.constant true
      %reduce_max3A_89 = vector.broadcast %reduce_max3A_88 : i1 to vector<16xi1>
      %reduce_max3A_90 = tpu.scan <max>, %get3A_87 masked %reduce_max3A_89 : vector<16xf32>, vector<16xi1> -> vector<16xf32>
      %reduce_max3A_91 = vector.extract %reduce_max3A_90[15] : f32 from vector<16xf32>
      %eq3A_92 = arith.constant 5 : i32
      %eq3A_93 = vector.broadcast %eq3A_92 : i32 to vector<16xi32>
      %eq3A_94 = arith.cmpi eq, %iota3A, %eq3A_93 : vector<16xi32>
      %broadcast_in_dim3A_95 = vector.broadcast %reduce_max3A_91 : f32 to vector<16xf32>
      %select_n3A_96 = arith.select %eq3A_94, %broadcast_in_dim3A_95, %select_n3A_85 : vector<16xi1>, vector<16xf32>
      %get3A_97 = arith.constant 96 : index
      %get3A_98 = tpu.vector_load %arg9[%get3A_97] {strides = array<i32>} : memref<1280xf32, #tpu.memory_space<vmem>>, vector<16xf32>,
      %reduce_max3A_99 = arith.constant true
      %reduce_max3A_100 = vector.broadcast %reduce_max3A_99 : i1 to vector<16xi1>
      %reduce_max3A_101 = tpu.scan <max>, %get3A_98 masked %reduce_max3A_100 : vector<16xf32>, vector<16xi1> -> vector<16xf32>
      %reduce_max3A_102 = vector.extract %reduce_max3A_101[15] : f32 from vector<16xf32>
      %eq3A_103 = arith.constant 6 : i32
      %eq3A_104 = vector.broadcast %eq3A_103 : i32 to vector<16xi32>
      %eq3A_105 = arith.cmpi eq, %iota3A, %eq3A_104 : vector<16xi32>
      %broadcast_in_dim3A_106 = vector.broadcast %reduce_max3A_102 : f32 to vector<16xf32>
      %select_n3A_107 = arith.select %eq3A_105, %broadcast_in_dim3A_106, %select_n3A_96 : vector<16xi1>, vector<16xf32>
      %get3A_108 = arith.constant 112 : index
      %get3A_109 = tpu.vector_load %arg9[%get3A_108] {strides = array<i32>} : memref<1280xf32, #tpu.memory_space<vmem>>, vector<16xf32>,
      %reduce_max3A_110 = arith.constant true
      %reduce_max3A_111 = vector.broadcast %reduce_max3A_110 : i1 to vector<16xi1>
      %reduce_max3A_112 = tpu.scan <max>, %get3A_109 masked %reduce_max3A_111 : vector<16xf32>, vector<16xi1> -> vector<16xf32>
      %reduce_max3A_113 = vector.extract %reduce_max3A_112[15] : f32 from vector<16xf32>
      %eq3A_114 = arith.constant 7 : i32
      %eq3A_115 = vector.broadcast %eq3A_114 : i32 to vector<16xi32>
      %eq3A_116 = arith.cmpi eq, %iota3A, %eq3A_115 : vector<16xi32>
      %broadcast_in_dim3A_117 = vector.broadcast %reduce_max3A_113 : f32 to vector<16xf32>
      %select_n3A_118 = arith.select %eq3A_116, %broadcast_in_dim3A_117, %select_n3A_107 : vector<16xi1>, vector<16xf32>
      %get3A_119 = arith.constant 128 : index
      %get3A_120 = tpu.vector_load %arg9[%get3A_119] {strides = array<i32>} : memref<1280xf32, #tpu.memory_space<vmem>>, vector<16xf32>,
      %reduce_max3A_121 = arith.constant true
      %reduce_max3A_122 = vector.broadcast %reduce_max3A_121 : i1 to vector<16xi1>
      %reduce_max3A_123 = tpu.scan <max>, %get3A_120 masked %reduce_max3A_122 : vector<16xf32>, vector<16xi1> -> vector<16xf32>
      %reduce_max3A_124 = vector.extract %reduce_max3A_123[15] : f32 from vector<16xf32>
      %eq3A_125 = arith.constant 8 : i32
      %eq3A_126 = vector.broadcast %eq3A_125 : i32 to vector<16xi32>
      %eq3A_127 = arith.cmpi eq, %iota3A, %eq3A_126 : vector<16xi32>
      %broadcast_in_dim3A_128 = vector.broadcast %reduce_max3A_124 : f32 to vector<16xf32>
      %select_n3A_129 = arith.select %eq3A_127, %broadcast_in_dim3A_128, %select_n3A_118 : vector<16xi1>, vector<16xf32>
      %get3A_130 = arith.constant 144 : index
      %get3A_131 = tpu.vector_load %arg9[%get3A_130] {strides = array<i32>} : memref<1280xf32, #tpu.memory_space<vmem>>, vector<16xf32>,
      %reduce_max3A_132 = arith.constant true
      %reduce_max3A_133 = vector.broadcast %reduce_max3A_132 : i1 to vector<16xi1>
      %reduce_max3A_134 = tpu.scan <max>, %get3A_131 masked %reduce_max3A_133 : vector<16xf32>, vector<16xi1> -> vector<16xf32>
      %reduce_max3A_135 = vector.extract %reduce_max3A_134[15] : f32 from vector<16xf32>
      %eq3A_136 = arith.constant 9 : i32
      %eq3A_137 = vector.broadcast %eq3A_136 : i32 to vector<16xi32>
      %eq3A_138 = arith.cmpi eq, %iota3A, %eq3A_137 : vector<16xi32>
      %broadcast_in_dim3A_139 = vector.broadcast %reduce_max3A_135 : f32 to vector<16xf32>
      %select_n3A_140 = arith.select %eq3A_138, %broadcast_in_dim3A_139, %select_n3A_129 : vector<16xi1>, vector<16xf32>
      %get3A_141 = arith.constant 160 : index
      %get3A_142 = tpu.vector_load %arg9[%get3A_141] {strides = array<i32>} : memref<1280xf32, #tpu.memory_space<vmem>>, vector<16xf32>,
      %reduce_max3A_143 = arith.constant true
      %reduce_max3A_144 = vector.broadcast %reduce_max3A_143 : i1 to vector<16xi1>
      %reduce_max3A_145 = tpu.scan <max>, %get3A_142 masked %reduce_max3A_144 : vector<16xf32>, vector<16xi1> -> vector<16xf32>
      %reduce_max3A_146 = vector.extract %reduce_max3A_145[15] : f32 from vector<16xf32>
      %eq3A_147 = arith.constant 10 : i32
      %eq3A_148 = vector.broadcast %eq3A_147 : i32 to vector<16xi32>
      %eq3A_149 = arith.cmpi eq, %iota3A, %eq3A_148 : vector<16xi32>
      %broadcast_in_dim3A_150 = vector.broadcast %reduce_max3A_146 : f32 to vector<16xf32>
      %select_n3A_151 = arith.select %eq3A_149, %broadcast_in_dim3A_150, %select_n3A_140 : vector<16xi1>, vector<16xf32>
      %get3A_152 = arith.constant 176 : index
      %get3A_153 = tpu.vector_load %arg9[%get3A_152] {strides = array<i32>} : memref<1280xf32, #tpu.memory_space<vmem>>, vector<16xf32>,
      %reduce_max3A_154 = arith.constant true
      %reduce_max3A_155 = vector.broadcast %reduce_max3A_154 : i1 to vector<16xi1>
      %reduce_max3A_156 = tpu.scan <max>, %get3A_153 masked %reduce_max3A_155 : vector<16xf32>, vector<16xi1> -> vector<16xf32>
      %reduce_max3A_157 = vector.extract %reduce_max3A_156[15] : f32 from vector<16xf32>
      %eq3A_158 = arith.constant 11 : i32
      %eq3A_159 = vector.broadcast %eq3A_158 : i32 to vector<16xi32>
      %eq3A_160 = arith.cmpi eq, %iota3A, %eq3A_159 : vector<16xi32>
      %broadcast_in_dim3A_161 = vector.broadcast %reduce_max3A_157 : f32 to vector<16xf32>
      %select_n3A_162 = arith.select %eq3A_160, %broadcast_in_dim3A_161, %select_n3A_151 : vector<16xi1>, vector<16xf32>
      %get3A_163 = arith.constant 192 : index
      %get3A_164 = tpu.vector_load %arg9[%get3A_163] {strides = array<i32>} : memref<1280xf32, #tpu.memory_space<vmem>>, vector<16xf32>,
      %reduce_max3A_165 = arith.constant true
      %reduce_max3A_166 = vector.broadcast %reduce_max3A_165 : i1 to vector<16xi1>
      %reduce_max3A_167 = tpu.scan <max>, %get3A_164 masked %reduce_max3A_166 : vector<16xf32>, vector<16xi1> -> vector<16xf32>
      %reduce_max3A_168 = vector.extract %reduce_max3A_167[15] : f32 from vector<16xf32>
      %eq3A_169 = arith.constant 12 : i32
      %eq3A_170 = vector.broadcast %eq3A_169 : i32 to vector<16xi32>
      %eq3A_171 = arith.cmpi eq, %iota3A, %eq3A_170 : vector<16xi32>
      %broadcast_in_dim3A_172 = vector.broadcast %reduce_max3A_168 : f32 to vector<16xf32>
      %select_n3A_173 = arith.select %eq3A_171, %broadcast_in_dim3A_172, %select_n3A_162 : vector<16xi1>, vector<16xf32>
      %get3A_174 = arith.constant 208 : index
      %get3A_175 = tpu.vector_load %arg9[%get3A_174] {strides = array<i32>} : memref<1280xf32, #tpu.memory_space<vmem>>, vector<16xf32>,
      %reduce_max3A_176 = arith.constant true
      %reduce_max3A_177 = vector.broadcast %reduce_max3A_176 : i1 to vector<16xi1>
      %reduce_max3A_178 = tpu.scan <max>, %get3A_175 masked %reduce_max3A_177 : vector<16xf32>, vector<16xi1> -> vector<16xf32>
      %reduce_max3A_179 = vector.extract %reduce_max3A_178[15] : f32 from vector<16xf32>
      %eq3A_180 = arith.constant 13 : i32
      %eq3A_181 = vector.broadcast %eq3A_180 : i32 to vector<16xi32>
      %eq3A_182 = arith.cmpi eq, %iota3A, %eq3A_181 : vector<16xi32>
      %broadcast_in_dim3A_183 = vector.broadcast %reduce_max3A_179 : f32 to vector<16xf32>
      %select_n3A_184 = arith.select %eq3A_182, %broadcast_in_dim3A_183, %select_n3A_173 : vector<16xi1>, vector<16xf32>
      %get3A_185 = arith.constant 224 : index
      %get3A_186 = tpu.vector_load %arg9[%get3A_185] {strides = array<i32>} : memref<1280xf32, #tpu.memory_space<vmem>>, vector<16xf32>,
      %reduce_max3A_187 = arith.constant true
      %reduce_max3A_188 = vector.broadcast %reduce_max3A_187 : i1 to vector<16xi1>
      %reduce_max3A_189 = tpu.scan <max>, %get3A_186 masked %reduce_max3A_188 : vector<16xf32>, vector<16xi1> -> vector<16xf32>
      %reduce_max3A_190 = vector.extract %reduce_max3A_189[15] : f32 from vector<16xf32>
      %eq3A_191 = arith.constant 14 : i32
      %eq3A_192 = vector.broadcast %eq3A_191 : i32 to vector<16xi32>
      %eq3A_193 = arith.cmpi eq, %iota3A, %eq3A_192 : vector<16xi32>
      %broadcast_in_dim3A_194 = vector.broadcast %reduce_max3A_190 : f32 to vector<16xf32>
      %select_n3A_195 = arith.select %eq3A_193, %broadcast_in_dim3A_194, %select_n3A_184 : vector<16xi1>, vector<16xf32>
      %get3A_196 = arith.constant 240 : index
      %get3A_197 = tpu.vector_load %arg9[%get3A_196] {strides = array<i32>} : memref<1280xf32, #tpu.memory_space<vmem>>, vector<16xf32>,
      %reduce_max3A_198 = arith.constant true
      %reduce_max3A_199 = vector.broadcast %reduce_max3A_198 : i1 to vector<16xi1>
      %reduce_max3A_200 = tpu.scan <max>, %get3A_197 masked %reduce_max3A_199 : vector<16xf32>, vector<16xi1> -> vector<16xf32>
      %reduce_max3A_201 = vector.extract %reduce_max3A_200[15] : f32 from vector<16xf32>
      %eq3A_202 = arith.constant 15 : i32
      %eq3A_203 = vector.broadcast %eq3A_202 : i32 to vector<16xi32>
      %eq3A_204 = arith.cmpi eq, %iota3A, %eq3A_203 : vector<16xi32>
      %broadcast_in_dim3A_205 = vector.broadcast %reduce_max3A_201 : f32 to vector<16xf32>
      %select_n3A_206 = arith.select %eq3A_204, %broadcast_in_dim3A_205, %select_n3A_195 : vector<16xi1>, vector<16xf32>
      %swap3A = arith.constant 0 : index
      %swap3A_207 = tpu.vector_load %arg10[%swap3A] {strides = array<i32>} : memref<80xf32, #tpu.memory_space<vmem>>, vector<16xf32>,
      tpu.vector_store %arg10[%swap3A], %select_n3A_206 {strides = array<i32>} : memref<80xf32, #tpu.memory_space<vmem>>, vector<16xf32>,
      %get3A_208 = arith.constant 256 : index
      %get3A_209 = tpu.vector_load %arg9[%get3A_208] {strides = array<i32>} : memref<1280xf32, #tpu.memory_space<vmem>>, vector<16xf32>,
      %reduce_max3A_210 = arith.constant true
      %reduce_max3A_211 = vector.broadcast %reduce_max3A_210 : i1 to vector<16xi1>
      %reduce_max3A_212 = tpu.scan <max>, %get3A_209 masked %reduce_max3A_211 : vector<16xf32>, vector<16xi1> -> vector<16xf32>
      %reduce_max3A_213 = vector.extract %reduce_max3A_212[15] : f32 from vector<16xf32>
      %eq3A_214 = arith.constant 0 : i32
      %eq3A_215 = vector.broadcast %eq3A_214 : i32 to vector<16xi32>
      %eq3A_216 = arith.cmpi eq, %iota3A, %eq3A_215 : vector<16xi32>
      %broadcast_in_dim3A_217 = vector.broadcast %reduce_max3A_213 : f32 to vector<16xf32>
      %select_n3A_218 = arith.select %eq3A_216, %broadcast_in_dim3A_217, %broadcast_in_dim3A_14 : vector<16xi1>, vector<16xf32>
      %get3A_219 = arith.constant 272 : index
      %get3A_220 = tpu.vector_load %arg9[%get3A_219] {strides = array<i32>} : memref<1280xf32, #tpu.memory_space<vmem>>, vector<16xf32>,
      %reduce_max3A_221 = arith.constant true
      %reduce_max3A_222 = vector.broadcast %reduce_max3A_221 : i1 to vector<16xi1>
      %reduce_max3A_223 = tpu.scan <max>, %get3A_220 masked %reduce_max3A_222 : vector<16xf32>, vector<16xi1> -> vector<16xf32>
      %reduce_max3A_224 = vector.extract %reduce_max3A_223[15] : f32 from vector<16xf32>
      %eq3A_225 = arith.constant 1 : i32
      %eq3A_226 = vector.broadcast %eq3A_225 : i32 to vector<16xi32>
      %eq3A_227 = arith.cmpi eq, %iota3A, %eq3A_226 : vector<16xi32>
      %broadcast_in_dim3A_228 = vector.broadcast %reduce_max3A_224 : f32 to vector<16xf32>
      %select_n3A_229 = arith.select %eq3A_227, %broadcast_in_dim3A_228, %select_n3A_218 : vector<16xi1>, vector<16xf32>
      %get3A_230 = arith.constant 288 : index
      %get3A_231 = tpu.vector_load %arg9[%get3A_230] {strides = array<i32>} : memref<1280xf32, #tpu.memory_space<vmem>>, vector<16xf32>,
      %reduce_max3A_232 = arith.constant true
      %reduce_max3A_233 = vector.broadcast %reduce_max3A_232 : i1 to vector<16xi1>
      %reduce_max3A_234 = tpu.scan <max>, %get3A_231 masked %reduce_max3A_233 : vector<16xf32>, vector<16xi1> -> vector<16xf32>
      %reduce_max3A_235 = vector.extract %reduce_max3A_234[15] : f32 from vector<16xf32>
      %eq3A_236 = arith.constant 2 : i32
      %eq3A_237 = vector.broadcast %eq3A_236 : i32 to vector<16xi32>
      %eq3A_238 = arith.cmpi eq, %iota3A, %eq3A_237 : vector<16xi32>
      %broadcast_in_dim3A_239 = vector.broadcast %reduce_max3A_235 : f32 to vector<16xf32>
      %select_n3A_240 = arith.select %eq3A_238, %broadcast_in_dim3A_239, %select_n3A_229 : vector<16xi1>, vector<16xf32>
      %get3A_241 = arith.constant 304 : index
      %get3A_242 = tpu.vector_load %arg9[%get3A_241] {strides = array<i32>} : memref<1280xf32, #tpu.memory_space<vmem>>, vector<16xf32>,
      %reduce_max3A_243 = arith.constant true
      %reduce_max3A_244 = vector.broadcast %reduce_max3A_243 : i1 to vector<16xi1>
      %reduce_max3A_245 = tpu.scan <max>, %get3A_242 masked %reduce_max3A_244 : vector<16xf32>, vector<16xi1> -> vector<16xf32>
      %reduce_max3A_246 = vector.extract %reduce_max3A_245[15] : f32 from vector<16xf32>
      %eq3A_247 = arith.constant 3 : i32
      %eq3A_248 = vector.broadcast %eq3A_247 : i32 to vector<16xi32>
      %eq3A_249 = arith.cmpi eq, %iota3A, %eq3A_248 : vector<16xi32>
      %broadcast_in_dim3A_250 = vector.broadcast %reduce_max3A_246 : f32 to vector<16xf32>
      %select_n3A_251 = arith.select %eq3A_249, %broadcast_in_dim3A_250, %select_n3A_240 : vector<16xi1>, vector<16xf32>
      %get3A_252 = arith.constant 320 : index
      %get3A_253 = tpu.vector_load %arg9[%get3A_252] {strides = array<i32>} : memref<1280xf32, #tpu.memory_space<vmem>>, vector<16xf32>,
      %reduce_max3A_254 = arith.constant true
      %reduce_max3A_255 = vector.broadcast %reduce_max3A_254 : i1 to vector<16xi1>
      %reduce_max3A_256 = tpu.scan <max>, %get3A_253 masked %reduce_max3A_255 : vector<16xf32>, vector<16xi1> -> vector<16xf32>
      %reduce_max3A_257 = vector.extract %reduce_max3A_256[15] : f32 from vector<16xf32>
      %eq3A_258 = arith.constant 4 : i32
      %eq3A_259 = vector.broadcast %eq3A_258 : i32 to vector<16xi32>
      %eq3A_260 = arith.cmpi eq, %iota3A, %eq3A_259 : vector<16xi32>
      %broadcast_in_dim3A_261 = vector.broadcast %reduce_max3A_257 : f32 to vector<16xf32>
      %select_n3A_262 = arith.select %eq3A_260, %broadcast_in_dim3A_261, %select_n3A_251 : vector<16xi1>, vector<16xf32>
      %get3A_263 = arith.constant 336 : index
      %get3A_264 = tpu.vector_load %arg9[%get3A_263] {strides = array<i32>} : memref<1280xf32, #tpu.memory_space<vmem>>, vector<16xf32>,
      %reduce_max3A_265 = arith.constant true
      %reduce_max3A_266 = vector.broadcast %reduce_max3A_265 : i1 to vector<16xi1>
      %reduce_max3A_267 = tpu.scan <max>, %get3A_264 masked %reduce_max3A_266 : vector<16xf32>, vector<16xi1> -> vector<16xf32>
      %reduce_max3A_268 = vector.extract %reduce_max3A_267[15] : f32 from vector<16xf32>
      %eq3A_269 = arith.constant 5 : i32
      %eq3A_270 = vector.broadcast %eq3A_269 : i32 to vector<16xi32>
      %eq3A_271 = arith.cmpi eq, %iota3A, %eq3A_270 : vector<16xi32>
      %broadcast_in_dim3A_272 = vector.broadcast %reduce_max3A_268 : f32 to vector<16xf32>
      %select_n3A_273 = arith.select %eq3A_271, %broadcast_in_dim3A_272, %select_n3A_262 : vector<16xi1>, vector<16xf32>
      %get3A_274 = arith.constant 352 : index
      %get3A_275 = tpu.vector_load %arg9[%get3A_274] {strides = array<i32>} : memref<1280xf32, #tpu.memory_space<vmem>>, vector<16xf32>,
      %reduce_max3A_276 = arith.constant true
      %reduce_max3A_277 = vector.broadcast %reduce_max3A_276 : i1 to vector<16xi1>
      %reduce_max3A_278 = tpu.scan <max>, %get3A_275 masked %reduce_max3A_277 : vector<16xf32>, vector<16xi1> -> vector<16xf32>
      %reduce_max3A_279 = vector.extract %reduce_max3A_278[15] : f32 from vector<16xf32>
      %eq3A_280 = arith.constant 6 : i32
      %eq3A_281 = vector.broadcast %eq3A_280 : i32 to vector<16xi32>
      %eq3A_282 = arith.cmpi eq, %iota3A, %eq3A_281 : vector<16xi32>
      %broadcast_in_dim3A_283 = vector.broadcast %reduce_max3A_279 : f32 to vector<16xf32>
      %select_n3A_284 = arith.select %eq3A_282, %broadcast_in_dim3A_283, %select_n3A_273 : vector<16xi1>, vector<16xf32>
      %get3A_285 = arith.constant 368 : index
      %get3A_286 = tpu.vector_load %arg9[%get3A_285] {strides = array<i32>} : memref<1280xf32, #tpu.memory_space<vmem>>, vector<16xf32>,
      %reduce_max3A_287 = arith.constant true
      %reduce_max3A_288 = vector.broadcast %reduce_max3A_287 : i1 to vector<16xi1>
      %reduce_max3A_289 = tpu.scan <max>, %get3A_286 masked %reduce_max3A_288 : vector<16xf32>, vector<16xi1> -> vector<16xf32>
      %reduce_max3A_290 = vector.extract %reduce_max3A_289[15] : f32 from vector<16xf32>
      %eq3A_291 = arith.constant 7 : i32
      %eq3A_292 = vector.broadcast %eq3A_291 : i32 to vector<16xi32>
      %eq3A_293 = arith.cmpi eq, %iota3A, %eq3A_292 : vector<16xi32>
      %broadcast_in_dim3A_294 = vector.broadcast %reduce_max3A_290 : f32 to vector<16xf32>
      %select_n3A_295 = arith.select %eq3A_293, %broadcast_in_dim3A_294, %select_n3A_284 : vector<16xi1>, vector<16xf32>
      %get3A_296 = arith.constant 384 : index
      %get3A_297 = tpu.vector_load %arg9[%get3A_296] {strides = array<i32>} : memref<1280xf32, #tpu.memory_space<vmem>>, vector<16xf32>,
      %reduce_max3A_298 = arith.constant true
      %reduce_max3A_299 = vector.broadcast %reduce_max3A_298 : i1 to vector<16xi1>
      %reduce_max3A_300 = tpu.scan <max>, %get3A_297 masked %reduce_max3A_299 : vector<16xf32>, vector<16xi1> -> vector<16xf32>
      %reduce_max3A_301 = vector.extract %reduce_max3A_300[15] : f32 from vector<16xf32>
      %eq3A_302 = arith.constant 8 : i32
      %eq3A_303 = vector.broadcast %eq3A_302 : i32 to vector<16xi32>
      %eq3A_304 = arith.cmpi eq, %iota3A, %eq3A_303 : vector<16xi32>
      %broadcast_in_dim3A_305 = vector.broadcast %reduce_max3A_301 : f32 to vector<16xf32>
      %select_n3A_306 = arith.select %eq3A_304, %broadcast_in_dim3A_305, %select_n3A_295 : vector<16xi1>, vector<16xf32>
      %get3A_307 = arith.constant 400 : index
      %get3A_308 = tpu.vector_load %arg9[%get3A_307] {strides = array<i32>} : memref<1280xf32, #tpu.memory_space<vmem>>, vector<16xf32>,
      %reduce_max3A_309 = arith.constant true
      %reduce_max3A_310 = vector.broadcast %reduce_max3A_309 : i1 to vector<16xi1>
      %reduce_max3A_311 = tpu.scan <max>, %get3A_308 masked %reduce_max3A_310 : vector<16xf32>, vector<16xi1> -> vector<16xf32>
      %reduce_max3A_312 = vector.extract %reduce_max3A_311[15] : f32 from vector<16xf32>
      %eq3A_313 = arith.constant 9 : i32
      %eq3A_314 = vector.broadcast %eq3A_313 : i32 to vector<16xi32>
      %eq3A_315 = arith.cmpi eq, %iota3A, %eq3A_314 : vector<16xi32>
      %broadcast_in_dim3A_316 = vector.broadcast %reduce_max3A_312 : f32 to vector<16xf32>
      %select_n3A_317 = arith.select %eq3A_315, %broadcast_in_dim3A_316, %select_n3A_306 : vector<16xi1>, vector<16xf32>
      %get3A_318 = arith.constant 416 : index
      %get3A_319 = tpu.vector_load %arg9[%get3A_318] {strides = array<i32>} : memref<1280xf32, #tpu.memory_space<vmem>>, vector<16xf32>,
      %reduce_max3A_320 = arith.constant true
      %reduce_max3A_321 = vector.broadcast %reduce_max3A_320 : i1 to vector<16xi1>
      %reduce_max3A_322 = tpu.scan <max>, %get3A_319 masked %reduce_max3A_321 : vector<16xf32>, vector<16xi1> -> vector<16xf32>
      %reduce_max3A_323 = vector.extract %reduce_max3A_322[15] : f32 from vector<16xf32>
      %eq3A_324 = arith.constant 10 : i32
      %eq3A_325 = vector.broadcast %eq3A_324 : i32 to vector<16xi32>
      %eq3A_326 = arith.cmpi eq, %iota3A, %eq3A_325 : vector<16xi32>
      %broadcast_in_dim3A_327 = vector.broadcast %reduce_max3A_323 : f32 to vector<16xf32>
      %select_n3A_328 = arith.select %eq3A_326, %broadcast_in_dim3A_327, %select_n3A_317 : vector<16xi1>, vector<16xf32>
      %get3A_329 = arith.constant 432 : index
      %get3A_330 = tpu.vector_load %arg9[%get3A_329] {strides = array<i32>} : memref<1280xf32, #tpu.memory_space<vmem>>, vector<16xf32>,
      %reduce_max3A_331 = arith.constant true
      %reduce_max3A_332 = vector.broadcast %reduce_max3A_331 : i1 to vector<16xi1>
      %reduce_max3A_333 = tpu.scan <max>, %get3A_330 masked %reduce_max3A_332 : vector<16xf32>, vector<16xi1> -> vector<16xf32>
      %reduce_max3A_334 = vector.extract %reduce_max3A_333[15] : f32 from vector<16xf32>
      %eq3A_335 = arith.constant 11 : i32
      %eq3A_336 = vector.broadcast %eq3A_335 : i32 to vector<16xi32>
      %eq3A_337 = arith.cmpi eq, %iota3A, %eq3A_336 : vector<16xi32>
      %broadcast_in_dim3A_338 = vector.broadcast %reduce_max3A_334 : f32 to vector<16xf32>
      %select_n3A_339 = arith.select %eq3A_337, %broadcast_in_dim3A_338, %select_n3A_328 : vector<16xi1>, vector<16xf32>
      %get3A_340 = arith.constant 448 : index
      %get3A_341 = tpu.vector_load %arg9[%get3A_340] {strides = array<i32>} : memref<1280xf32, #tpu.memory_space<vmem>>, vector<16xf32>,
      %reduce_max3A_342 = arith.constant true
      %reduce_max3A_343 = vector.broadcast %reduce_max3A_342 : i1 to vector<16xi1>
      %reduce_max3A_344 = tpu.scan <max>, %get3A_341 masked %reduce_max3A_343 : vector<16xf32>, vector<16xi1> -> vector<16xf32>
      %reduce_max3A_345 = vector.extract %reduce_max3A_344[15] : f32 from vector<16xf32>
      %eq3A_346 = arith.constant 12 : i32
      %eq3A_347 = vector.broadcast %eq3A_346 : i32 to vector<16xi32>
      %eq3A_348 = arith.cmpi eq, %iota3A, %eq3A_347 : vector<16xi32>
      %broadcast_in_dim3A_349 = vector.broadcast %reduce_max3A_345 : f32 to vector<16xf32>
      %select_n3A_350 = arith.select %eq3A_348, %broadcast_in_dim3A_349, %select_n3A_339 : vector<16xi1>, vector<16xf32>
      %get3A_351 = arith.constant 464 : index
      %get3A_352 = tpu.vector_load %arg9[%get3A_351] {strides = array<i32>} : memref<1280xf32, #tpu.memory_space<vmem>>, vector<16xf32>,
      %reduce_max3A_353 = arith.constant true
      %reduce_max3A_354 = vector.broadcast %reduce_max3A_353 : i1 to vector<16xi1>
      %reduce_max3A_355 = tpu.scan <max>, %get3A_352 masked %reduce_max3A_354 : vector<16xf32>, vector<16xi1> -> vector<16xf32>
      %reduce_max3A_356 = vector.extract %reduce_max3A_355[15] : f32 from vector<16xf32>
      %eq3A_357 = arith.constant 13 : i32
      %eq3A_358 = vector.broadcast %eq3A_357 : i32 to vector<16xi32>
      %eq3A_359 = arith.cmpi eq, %iota3A, %eq3A_358 : vector<16xi32>
      %broadcast_in_dim3A_360 = vector.broadcast %reduce_max3A_356 : f32 to vector<16xf32>
      %select_n3A_361 = arith.select %eq3A_359, %broadcast_in_dim3A_360, %select_n3A_350 : vector<16xi1>, vector<16xf32>
      %get3A_362 = arith.constant 480 : index
      %get3A_363 = tpu.vector_load %arg9[%get3A_362] {strides = array<i32>} : memref<1280xf32, #tpu.memory_space<vmem>>, vector<16xf32>,
      %reduce_max3A_364 = arith.constant true
      %reduce_max3A_365 = vector.broadcast %reduce_max3A_364 : i1 to vector<16xi1>
      %reduce_max3A_366 = tpu.scan <max>, %get3A_363 masked %reduce_max3A_365 : vector<16xf32>, vector<16xi1> -> vector<16xf32>
      %reduce_max3A_367 = vector.extract %reduce_max3A_366[15] : f32 from vector<16xf32>
      %eq3A_368 = arith.constant 14 : i32
      %eq3A_369 = vector.broadcast %eq3A_368 : i32 to vector<16xi32>
      %eq3A_370 = arith.cmpi eq, %iota3A, %eq3A_369 : vector<16xi32>
      %broadcast_in_dim3A_371 = vector.broadcast %reduce_max3A_367 : f32 to vector<16xf32>
      %select_n3A_372 = arith.select %eq3A_370, %broadcast_in_dim3A_371, %select_n3A_361 : vector<16xi1>, vector<16xf32>
      %get3A_373 = arith.constant 496 : index
      %get3A_374 = tpu.vector_load %arg9[%get3A_373] {strides = array<i32>} : memref<1280xf32, #tpu.memory_space<vmem>>, vector<16xf32>,
      %reduce_max3A_375 = arith.constant true
      %reduce_max3A_376 = vector.broadcast %reduce_max3A_375 : i1 to vector<16xi1>
      %reduce_max3A_377 = tpu.scan <max>, %get3A_374 masked %reduce_max3A_376 : vector<16xf32>, vector<16xi1> -> vector<16xf32>
      %reduce_max3A_378 = vector.extract %reduce_max3A_377[15] : f32 from vector<16xf32>
      %eq3A_379 = arith.constant 15 : i32
      %eq3A_380 = vector.broadcast %eq3A_379 : i32 to vector<16xi32>
      %eq3A_381 = arith.cmpi eq, %iota3A, %eq3A_380 : vector<16xi32>
      %broadcast_in_dim3A_382 = vector.broadcast %reduce_max3A_378 : f32 to vector<16xf32>
      %select_n3A_383 = arith.select %eq3A_381, %broadcast_in_dim3A_382, %select_n3A_372 : vector<16xi1>, vector<16xf32>
      %swap3A_384 = arith.constant 16 : index
      %swap3A_385 = tpu.vector_load %arg10[%swap3A_384] {strides = array<i32>} : memref<80xf32, #tpu.memory_space<vmem>>, vector<16xf32>,
      tpu.vector_store %arg10[%swap3A_384], %select_n3A_383 {strides = array<i32>} : memref<80xf32, #tpu.memory_space<vmem>>, vector<16xf32>,
      %get3A_386 = arith.constant 512 : index
      %get3A_387 = tpu.vector_load %arg9[%get3A_386] {strides = array<i32>} : memref<1280xf32, #tpu.memory_space<vmem>>, vector<16xf32>,
      %reduce_max3A_388 = arith.constant true
      %reduce_max3A_389 = vector.broadcast %reduce_max3A_388 : i1 to vector<16xi1>
      %reduce_max3A_390 = tpu.scan <max>, %get3A_387 masked %reduce_max3A_389 : vector<16xf32>, vector<16xi1> -> vector<16xf32>
      %reduce_max3A_391 = vector.extract %reduce_max3A_390[15] : f32 from vector<16xf32>
      %eq3A_392 = arith.constant 0 : i32
      %eq3A_393 = vector.broadcast %eq3A_392 : i32 to vector<16xi32>
      %eq3A_394 = arith.cmpi eq, %iota3A, %eq3A_393 : vector<16xi32>
      %broadcast_in_dim3A_395 = vector.broadcast %reduce_max3A_391 : f32 to vector<16xf32>
      %select_n3A_396 = arith.select %eq3A_394, %broadcast_in_dim3A_395, %broadcast_in_dim3A_14 : vector<16xi1>, vector<16xf32>
      %get3A_397 = arith.constant 528 : index
      %get3A_398 = tpu.vector_load %arg9[%get3A_397] {strides = array<i32>} : memref<1280xf32, #tpu.memory_space<vmem>>, vector<16xf32>,
      %reduce_max3A_399 = arith.constant true
      %reduce_max3A_400 = vector.broadcast %reduce_max3A_399 : i1 to vector<16xi1>
      %reduce_max3A_401 = tpu.scan <max>, %get3A_398 masked %reduce_max3A_400 : vector<16xf32>, vector<16xi1> -> vector<16xf32>
      %reduce_max3A_402 = vector.extract %reduce_max3A_401[15] : f32 from vector<16xf32>
      %eq3A_403 = arith.constant 1 : i32
      %eq3A_404 = vector.broadcast %eq3A_403 : i32 to vector<16xi32>
      %eq3A_405 = arith.cmpi eq, %iota3A, %eq3A_404 : vector<16xi32>
      %broadcast_in_dim3A_406 = vector.broadcast %reduce_max3A_402 : f32 to vector<16xf32>
      %select_n3A_407 = arith.select %eq3A_405, %broadcast_in_dim3A_406, %select_n3A_396 : vector<16xi1>, vector<16xf32>
      %get3A_408 = arith.constant 544 : index
      %get3A_409 = tpu.vector_load %arg9[%get3A_408] {strides = array<i32>} : memref<1280xf32, #tpu.memory_space<vmem>>, vector<16xf32>,
      %reduce_max3A_410 = arith.constant true
      %reduce_max3A_411 = vector.broadcast %reduce_max3A_410 : i1 to vector<16xi1>
      %reduce_max3A_412 = tpu.scan <max>, %get3A_409 masked %reduce_max3A_411 : vector<16xf32>, vector<16xi1> -> vector<16xf32>
      %reduce_max3A_413 = vector.extract %reduce_max3A_412[15] : f32 from vector<16xf32>
      %eq3A_414 = arith.constant 2 : i32
      %eq3A_415 = vector.broadcast %eq3A_414 : i32 to vector<16xi32>
      %eq3A_416 = arith.cmpi eq, %iota3A, %eq3A_415 : vector<16xi32>
      %broadcast_in_dim3A_417 = vector.broadcast %reduce_max3A_413 : f32 to vector<16xf32>
      %select_n3A_418 = arith.select %eq3A_416, %broadcast_in_dim3A_417, %select_n3A_407 : vector<16xi1>, vector<16xf32>
      %get3A_419 = arith.constant 560 : index
      %get3A_420 = tpu.vector_load %arg9[%get3A_419] {strides = array<i32>} : memref<1280xf32, #tpu.memory_space<vmem>>, vector<16xf32>,
      %reduce_max3A_421 = arith.constant true
      %reduce_max3A_422 = vector.broadcast %reduce_max3A_421 : i1 to vector<16xi1>
      %reduce_max3A_423 = tpu.scan <max>, %get3A_420 masked %reduce_max3A_422 : vector<16xf32>, vector<16xi1> -> vector<16xf32>
      %reduce_max3A_424 = vector.extract %reduce_max3A_423[15] : f32 from vector<16xf32>
      %eq3A_425 = arith.constant 3 : i32
      %eq3A_426 = vector.broadcast %eq3A_425 : i32 to vector<16xi32>
      %eq3A_427 = arith.cmpi eq, %iota3A, %eq3A_426 : vector<16xi32>
      %broadcast_in_dim3A_428 = vector.broadcast %reduce_max3A_424 : f32 to vector<16xf32>
      %select_n3A_429 = arith.select %eq3A_427, %broadcast_in_dim3A_428, %select_n3A_418 : vector<16xi1>, vector<16xf32>
      %get3A_430 = arith.constant 576 : index
      %get3A_431 = tpu.vector_load %arg9[%get3A_430] {strides = array<i32>} : memref<1280xf32, #tpu.memory_space<vmem>>, vector<16xf32>,
      %reduce_max3A_432 = arith.constant true
      %reduce_max3A_433 = vector.broadcast %reduce_max3A_432 : i1 to vector<16xi1>
      %reduce_max3A_434 = tpu.scan <max>, %get3A_431 masked %reduce_max3A_433 : vector<16xf32>, vector<16xi1> -> vector<16xf32>
      %reduce_max3A_435 = vector.extract %reduce_max3A_434[15] : f32 from vector<16xf32>
      %eq3A_436 = arith.constant 4 : i32
      %eq3A_437 = vector.broadcast %eq3A_436 : i32 to vector<16xi32>
      %eq3A_438 = arith.cmpi eq, %iota3A, %eq3A_437 : vector<16xi32>
      %broadcast_in_dim3A_439 = vector.broadcast %reduce_max3A_435 : f32 to vector<16xf32>
      %select_n3A_440 = arith.select %eq3A_438, %broadcast_in_dim3A_439, %select_n3A_429 : vector<16xi1>, vector<16xf32>
      %get3A_441 = arith.constant 592 : index
      %get3A_442 = tpu.vector_load %arg9[%get3A_441] {strides = array<i32>} : memref<1280xf32, #tpu.memory_space<vmem>>, vector<16xf32>,
      %reduce_max3A_443 = arith.constant true
      %reduce_max3A_444 = vector.broadcast %reduce_max3A_443 : i1 to vector<16xi1>
      %reduce_max3A_445 = tpu.scan <max>, %get3A_442 masked %reduce_max3A_444 : vector<16xf32>, vector<16xi1> -> vector<16xf32>
      %reduce_max3A_446 = vector.extract %reduce_max3A_445[15] : f32 from vector<16xf32>
      %eq3A_447 = arith.constant 5 : i32
      %eq3A_448 = vector.broadcast %eq3A_447 : i32 to vector<16xi32>
      %eq3A_449 = arith.cmpi eq, %iota3A, %eq3A_448 : vector<16xi32>
      %broadcast_in_dim3A_450 = vector.broadcast %reduce_max3A_446 : f32 to vector<16xf32>
      %select_n3A_451 = arith.select %eq3A_449, %broadcast_in_dim3A_450, %select_n3A_440 : vector<16xi1>, vector<16xf32>
      %get3A_452 = arith.constant 608 : index
      %get3A_453 = tpu.vector_load %arg9[%get3A_452] {strides = array<i32>} : memref<1280xf32, #tpu.memory_space<vmem>>, vector<16xf32>,
      %reduce_max3A_454 = arith.constant true
      %reduce_max3A_455 = vector.broadcast %reduce_max3A_454 : i1 to vector<16xi1>
      %reduce_max3A_456 = tpu.scan <max>, %get3A_453 masked %reduce_max3A_455 : vector<16xf32>, vector<16xi1> -> vector<16xf32>
      %reduce_max3A_457 = vector.extract %reduce_max3A_456[15] : f32 from vector<16xf32>
      %eq3A_458 = arith.constant 6 : i32
      %eq3A_459 = vector.broadcast %eq3A_458 : i32 to vector<16xi32>
      %eq3A_460 = arith.cmpi eq, %iota3A, %eq3A_459 : vector<16xi32>
      %broadcast_in_dim3A_461 = vector.broadcast %reduce_max3A_457 : f32 to vector<16xf32>
      %select_n3A_462 = arith.select %eq3A_460, %broadcast_in_dim3A_461, %select_n3A_451 : vector<16xi1>, vector<16xf32>
      %get3A_463 = arith.constant 624 : index
      %get3A_464 = tpu.vector_load %arg9[%get3A_463] {strides = array<i32>} : memref<1280xf32, #tpu.memory_space<vmem>>, vector<16xf32>,
      %reduce_max3A_465 = arith.constant true
      %reduce_max3A_466 = vector.broadcast %reduce_max3A_465 : i1 to vector<16xi1>
      %reduce_max3A_467 = tpu.scan <max>, %get3A_464 masked %reduce_max3A_466 : vector<16xf32>, vector<16xi1> -> vector<16xf32>
      %reduce_max3A_468 = vector.extract %reduce_max3A_467[15] : f32 from vector<16xf32>
      %eq3A_469 = arith.constant 7 : i32
      %eq3A_470 = vector.broadcast %eq3A_469 : i32 to vector<16xi32>
      %eq3A_471 = arith.cmpi eq, %iota3A, %eq3A_470 : vector<16xi32>
      %broadcast_in_dim3A_472 = vector.broadcast %reduce_max3A_468 : f32 to vector<16xf32>
      %select_n3A_473 = arith.select %eq3A_471, %broadcast_in_dim3A_472, %select_n3A_462 : vector<16xi1>, vector<16xf32>
      %get3A_474 = arith.constant 640 : index
      %get3A_475 = tpu.vector_load %arg9[%get3A_474] {strides = array<i32>} : memref<1280xf32, #tpu.memory_space<vmem>>, vector<16xf32>,
      %reduce_max3A_476 = arith.constant true
      %reduce_max3A_477 = vector.broadcast %reduce_max3A_476 : i1 to vector<16xi1>
      %reduce_max3A_478 = tpu.scan <max>, %get3A_475 masked %reduce_max3A_477 : vector<16xf32>, vector<16xi1> -> vector<16xf32>
      %reduce_max3A_479 = vector.extract %reduce_max3A_478[15] : f32 from vector<16xf32>
      %eq3A_480 = arith.constant 8 : i32
      %eq3A_481 = vector.broadcast %eq3A_480 : i32 to vector<16xi32>
      %eq3A_482 = arith.cmpi eq, %iota3A, %eq3A_481 : vector<16xi32>
      %broadcast_in_dim3A_483 = vector.broadcast %reduce_max3A_479 : f32 to vector<16xf32>
      %select_n3A_484 = arith.select %eq3A_482, %broadcast_in_dim3A_483, %select_n3A_473 : vector<16xi1>, vector<16xf32>
      %get3A_485 = arith.constant 656 : index
      %get3A_486 = tpu.vector_load %arg9[%get3A_485] {strides = array<i32>} : memref<1280xf32, #tpu.memory_space<vmem>>, vector<16xf32>,
      %reduce_max3A_487 = arith.constant true
      %reduce_max3A_488 = vector.broadcast %reduce_max3A_487 : i1 to vector<16xi1>
      %reduce_max3A_489 = tpu.scan <max>, %get3A_486 masked %reduce_max3A_488 : vector<16xf32>, vector<16xi1> -> vector<16xf32>
      %reduce_max3A_490 = vector.extract %reduce_max3A_489[15] : f32 from vector<16xf32>
      %eq3A_491 = arith.constant 9 : i32
      %eq3A_492 = vector.broadcast %eq3A_491 : i32 to vector<16xi32>
      %eq3A_493 = arith.cmpi eq, %iota3A, %eq3A_492 : vector<16xi32>
      %broadcast_in_dim3A_494 = vector.broadcast %reduce_max3A_490 : f32 to vector<16xf32>
      %select_n3A_495 = arith.select %eq3A_493, %broadcast_in_dim3A_494, %select_n3A_484 : vector<16xi1>, vector<16xf32>
      %get3A_496 = arith.constant 672 : index
      %get3A_497 = tpu.vector_load %arg9[%get3A_496] {strides = array<i32>} : memref<1280xf32, #tpu.memory_space<vmem>>, vector<16xf32>,
      %reduce_max3A_498 = arith.constant true
      %reduce_max3A_499 = vector.broadcast %reduce_max3A_498 : i1 to vector<16xi1>
      %reduce_max3A_500 = tpu.scan <max>, %get3A_497 masked %reduce_max3A_499 : vector<16xf32>, vector<16xi1> -> vector<16xf32>
      %reduce_max3A_501 = vector.extract %reduce_max3A_500[15] : f32 from vector<16xf32>
      %eq3A_502 = arith.constant 10 : i32
      %eq3A_503 = vector.broadcast %eq3A_502 : i32 to vector<16xi32>
      %eq3A_504 = arith.cmpi eq, %iota3A, %eq3A_503 : vector<16xi32>
      %broadcast_in_dim3A_505 = vector.broadcast %reduce_max3A_501 : f32 to vector<16xf32>
      %select_n3A_506 = arith.select %eq3A_504, %broadcast_in_dim3A_505, %select_n3A_495 : vector<16xi1>, vector<16xf32>
      %get3A_507 = arith.constant 688 : index
      %get3A_508 = tpu.vector_load %arg9[%get3A_507] {strides = array<i32>} : memref<1280xf32, #tpu.memory_space<vmem>>, vector<16xf32>,
      %reduce_max3A_509 = arith.constant true
      %reduce_max3A_510 = vector.broadcast %reduce_max3A_509 : i1 to vector<16xi1>
      %reduce_max3A_511 = tpu.scan <max>, %get3A_508 masked %reduce_max3A_510 : vector<16xf32>, vector<16xi1> -> vector<16xf32>
      %reduce_max3A_512 = vector.extract %reduce_max3A_511[15] : f32 from vector<16xf32>
      %eq3A_513 = arith.constant 11 : i32
      %eq3A_514 = vector.broadcast %eq3A_513 : i32 to vector<16xi32>
      %eq3A_515 = arith.cmpi eq, %iota3A, %eq3A_514 : vector<16xi32>
      %broadcast_in_dim3A_516 = vector.broadcast %reduce_max3A_512 : f32 to vector<16xf32>
      %select_n3A_517 = arith.select %eq3A_515, %broadcast_in_dim3A_516, %select_n3A_506 : vector<16xi1>, vector<16xf32>
      %get3A_518 = arith.constant 704 : index
      %get3A_519 = tpu.vector_load %arg9[%get3A_518] {strides = array<i32>} : memref<1280xf32, #tpu.memory_space<vmem>>, vector<16xf32>,
      %reduce_max3A_520 = arith.constant true
      %reduce_max3A_521 = vector.broadcast %reduce_max3A_520 : i1 to vector<16xi1>
      %reduce_max3A_522 = tpu.scan <max>, %get3A_519 masked %reduce_max3A_521 : vector<16xf32>, vector<16xi1> -> vector<16xf32>
      %reduce_max3A_523 = vector.extract %reduce_max3A_522[15] : f32 from vector<16xf32>
      %eq3A_524 = arith.constant 12 : i32
      %eq3A_525 = vector.broadcast %eq3A_524 : i32 to vector<16xi32>
      %eq3A_526 = arith.cmpi eq, %iota3A, %eq3A_525 : vector<16xi32>
      %broadcast_in_dim3A_527 = vector.broadcast %reduce_max3A_523 : f32 to vector<16xf32>
      %select_n3A_528 = arith.select %eq3A_526, %broadcast_in_dim3A_527, %select_n3A_517 : vector<16xi1>, vector<16xf32>
      %get3A_529 = arith.constant 720 : index
      %get3A_530 = tpu.vector_load %arg9[%get3A_529] {strides = array<i32>} : memref<1280xf32, #tpu.memory_space<vmem>>, vector<16xf32>,
      %reduce_max3A_531 = arith.constant true
      %reduce_max3A_532 = vector.broadcast %reduce_max3A_531 : i1 to vector<16xi1>
      %reduce_max3A_533 = tpu.scan <max>, %get3A_530 masked %reduce_max3A_532 : vector<16xf32>, vector<16xi1> -> vector<16xf32>
      %reduce_max3A_534 = vector.extract %reduce_max3A_533[15] : f32 from vector<16xf32>
      %eq3A_535 = arith.constant 13 : i32
      %eq3A_536 = vector.broadcast %eq3A_535 : i32 to vector<16xi32>
      %eq3A_537 = arith.cmpi eq, %iota3A, %eq3A_536 : vector<16xi32>
      %broadcast_in_dim3A_538 = vector.broadcast %reduce_max3A_534 : f32 to vector<16xf32>
      %select_n3A_539 = arith.select %eq3A_537, %broadcast_in_dim3A_538, %select_n3A_528 : vector<16xi1>, vector<16xf32>
      %get3A_540 = arith.constant 736 : index
      %get3A_541 = tpu.vector_load %arg9[%get3A_540] {strides = array<i32>} : memref<1280xf32, #tpu.memory_space<vmem>>, vector<16xf32>,
      %reduce_max3A_542 = arith.constant true
      %reduce_max3A_543 = vector.broadcast %reduce_max3A_542 : i1 to vector<16xi1>
      %reduce_max3A_544 = tpu.scan <max>, %get3A_541 masked %reduce_max3A_543 : vector<16xf32>, vector<16xi1> -> vector<16xf32>
      %reduce_max3A_545 = vector.extract %reduce_max3A_544[15] : f32 from vector<16xf32>
      %eq3A_546 = arith.constant 14 : i32
      %eq3A_547 = vector.broadcast %eq3A_546 : i32 to vector<16xi32>
      %eq3A_548 = arith.cmpi eq, %iota3A, %eq3A_547 : vector<16xi32>
      %broadcast_in_dim3A_549 = vector.broadcast %reduce_max3A_545 : f32 to vector<16xf32>
      %select_n3A_550 = arith.select %eq3A_548, %broadcast_in_dim3A_549, %select_n3A_539 : vector<16xi1>, vector<16xf32>
      %get3A_551 = arith.constant 752 : index
      %get3A_552 = tpu.vector_load %arg9[%get3A_551] {strides = array<i32>} : memref<1280xf32, #tpu.memory_space<vmem>>, vector<16xf32>,
      %reduce_max3A_553 = arith.constant true
      %reduce_max3A_554 = vector.broadcast %reduce_max3A_553 : i1 to vector<16xi1>
      %reduce_max3A_555 = tpu.scan <max>, %get3A_552 masked %reduce_max3A_554 : vector<16xf32>, vector<16xi1> -> vector<16xf32>
      %reduce_max3A_556 = vector.extract %reduce_max3A_555[15] : f32 from vector<16xf32>
      %eq3A_557 = arith.constant 15 : i32
      %eq3A_558 = vector.broadcast %eq3A_557 : i32 to vector<16xi32>
      %eq3A_559 = arith.cmpi eq, %iota3A, %eq3A_558 : vector<16xi32>
      %broadcast_in_dim3A_560 = vector.broadcast %reduce_max3A_556 : f32 to vector<16xf32>
      %select_n3A_561 = arith.select %eq3A_559, %broadcast_in_dim3A_560, %select_n3A_550 : vector<16xi1>, vector<16xf32>
      %swap3A_562 = arith.constant 32 : index
      %swap3A_563 = tpu.vector_load %arg10[%swap3A_562] {strides = array<i32>} : memref<80xf32, #tpu.memory_space<vmem>>, vector<16xf32>,
      tpu.vector_store %arg10[%swap3A_562], %select_n3A_561 {strides = array<i32>} : memref<80xf32, #tpu.memory_space<vmem>>, vector<16xf32>,
      %get3A_564 = arith.constant 768 : index
      %get3A_565 = tpu.vector_load %arg9[%get3A_564] {strides = array<i32>} : memref<1280xf32, #tpu.memory_space<vmem>>, vector<16xf32>,
      %reduce_max3A_566 = arith.constant true
      %reduce_max3A_567 = vector.broadcast %reduce_max3A_566 : i1 to vector<16xi1>
      %reduce_max3A_568 = tpu.scan <max>, %get3A_565 masked %reduce_max3A_567 : vector<16xf32>, vector<16xi1> -> vector<16xf32>
      %reduce_max3A_569 = vector.extract %reduce_max3A_568[15] : f32 from vector<16xf32>
      %eq3A_570 = arith.constant 0 : i32
      %eq3A_571 = vector.broadcast %eq3A_570 : i32 to vector<16xi32>
      %eq3A_572 = arith.cmpi eq, %iota3A, %eq3A_571 : vector<16xi32>
      %broadcast_in_dim3A_573 = vector.broadcast %reduce_max3A_569 : f32 to vector<16xf32>
      %select_n3A_574 = arith.select %eq3A_572, %broadcast_in_dim3A_573, %broadcast_in_dim3A_14 : vector<16xi1>, vector<16xf32>
      %get3A_575 = arith.constant 784 : index
      %get3A_576 = tpu.vector_load %arg9[%get3A_575] {strides = array<i32>} : memref<1280xf32, #tpu.memory_space<vmem>>, vector<16xf32>,
      %reduce_max3A_577 = arith.constant true
      %reduce_max3A_578 = vector.broadcast %reduce_max3A_577 : i1 to vector<16xi1>
      %reduce_max3A_579 = tpu.scan <max>, %get3A_576 masked %reduce_max3A_578 : vector<16xf32>, vector<16xi1> -> vector<16xf32>
      %reduce_max3A_580 = vector.extract %reduce_max3A_579[15] : f32 from vector<16xf32>
      %eq3A_581 = arith.constant 1 : i32
      %eq3A_582 = vector.broadcast %eq3A_581 : i32 to vector<16xi32>
      %eq3A_583 = arith.cmpi eq, %iota3A, %eq3A_582 : vector<16xi32>
      %broadcast_in_dim3A_584 = vector.broadcast %reduce_max3A_580 : f32 to vector<16xf32>
      %select_n3A_585 = arith.select %eq3A_583, %broadcast_in_dim3A_584, %select_n3A_574 : vector<16xi1>, vector<16xf32>
      %get3A_586 = arith.constant 800 : index
      %get3A_587 = tpu.vector_load %arg9[%get3A_586] {strides = array<i32>} : memref<1280xf32, #tpu.memory_space<vmem>>, vector<16xf32>,
      %reduce_max3A_588 = arith.constant true
      %reduce_max3A_589 = vector.broadcast %reduce_max3A_588 : i1 to vector<16xi1>
      %reduce_max3A_590 = tpu.scan <max>, %get3A_587 masked %reduce_max3A_589 : vector<16xf32>, vector<16xi1> -> vector<16xf32>
      %reduce_max3A_591 = vector.extract %reduce_max3A_590[15] : f32 from vector<16xf32>
      %eq3A_592 = arith.constant 2 : i32
      %eq3A_593 = vector.broadcast %eq3A_592 : i32 to vector<16xi32>
      %eq3A_594 = arith.cmpi eq, %iota3A, %eq3A_593 : vector<16xi32>
      %broadcast_in_dim3A_595 = vector.broadcast %reduce_max3A_591 : f32 to vector<16xf32>
      %select_n3A_596 = arith.select %eq3A_594, %broadcast_in_dim3A_595, %select_n3A_585 : vector<16xi1>, vector<16xf32>
      %get3A_597 = arith.constant 816 : index
      %get3A_598 = tpu.vector_load %arg9[%get3A_597] {strides = array<i32>} : memref<1280xf32, #tpu.memory_space<vmem>>, vector<16xf32>,
      %reduce_max3A_599 = arith.constant true
      %reduce_max3A_600 = vector.broadcast %reduce_max3A_599 : i1 to vector<16xi1>
      %reduce_max3A_601 = tpu.scan <max>, %get3A_598 masked %reduce_max3A_600 : vector<16xf32>, vector<16xi1> -> vector<16xf32>
      %reduce_max3A_602 = vector.extract %reduce_max3A_601[15] : f32 from vector<16xf32>
      %eq3A_603 = arith.constant 3 : i32
      %eq3A_604 = vector.broadcast %eq3A_603 : i32 to vector<16xi32>
      %eq3A_605 = arith.cmpi eq, %iota3A, %eq3A_604 : vector<16xi32>
      %broadcast_in_dim3A_606 = vector.broadcast %reduce_max3A_602 : f32 to vector<16xf32>
      %select_n3A_607 = arith.select %eq3A_605, %broadcast_in_dim3A_606, %select_n3A_596 : vector<16xi1>, vector<16xf32>
      %get3A_608 = arith.constant 832 : index
      %get3A_609 = tpu.vector_load %arg9[%get3A_608] {strides = array<i32>} : memref<1280xf32, #tpu.memory_space<vmem>>, vector<16xf32>,
      %reduce_max3A_610 = arith.constant true
      %reduce_max3A_611 = vector.broadcast %reduce_max3A_610 : i1 to vector<16xi1>
      %reduce_max3A_612 = tpu.scan <max>, %get3A_609 masked %reduce_max3A_611 : vector<16xf32>, vector<16xi1> -> vector<16xf32>
      %reduce_max3A_613 = vector.extract %reduce_max3A_612[15] : f32 from vector<16xf32>
      %eq3A_614 = arith.constant 4 : i32
      %eq3A_615 = vector.broadcast %eq3A_614 : i32 to vector<16xi32>
      %eq3A_616 = arith.cmpi eq, %iota3A, %eq3A_615 : vector<16xi32>
      %broadcast_in_dim3A_617 = vector.broadcast %reduce_max3A_613 : f32 to vector<16xf32>
      %select_n3A_618 = arith.select %eq3A_616, %broadcast_in_dim3A_617, %select_n3A_607 : vector<16xi1>, vector<16xf32>
      %get3A_619 = arith.constant 848 : index
      %get3A_620 = tpu.vector_load %arg9[%get3A_619] {strides = array<i32>} : memref<1280xf32, #tpu.memory_space<vmem>>, vector<16xf32>,
      %reduce_max3A_621 = arith.constant true
      %reduce_max3A_622 = vector.broadcast %reduce_max3A_621 : i1 to vector<16xi1>
      %reduce_max3A_623 = tpu.scan <max>, %get3A_620 masked %reduce_max3A_622 : vector<16xf32>, vector<16xi1> -> vector<16xf32>
      %reduce_max3A_624 = vector.extract %reduce_max3A_623[15] : f32 from vector<16xf32>
      %eq3A_625 = arith.constant 5 : i32
      %eq3A_626 = vector.broadcast %eq3A_625 : i32 to vector<16xi32>
      %eq3A_627 = arith.cmpi eq, %iota3A, %eq3A_626 : vector<16xi32>
      %broadcast_in_dim3A_628 = vector.broadcast %reduce_max3A_624 : f32 to vector<16xf32>
      %select_n3A_629 = arith.select %eq3A_627, %broadcast_in_dim3A_628, %select_n3A_618 : vector<16xi1>, vector<16xf32>
      %get3A_630 = arith.constant 864 : index
      %get3A_631 = tpu.vector_load %arg9[%get3A_630] {strides = array<i32>} : memref<1280xf32, #tpu.memory_space<vmem>>, vector<16xf32>,
      %reduce_max3A_632 = arith.constant true
      %reduce_max3A_633 = vector.broadcast %reduce_max3A_632 : i1 to vector<16xi1>
      %reduce_max3A_634 = tpu.scan <max>, %get3A_631 masked %reduce_max3A_633 : vector<16xf32>, vector<16xi1> -> vector<16xf32>
      %reduce_max3A_635 = vector.extract %reduce_max3A_634[15] : f32 from vector<16xf32>
      %eq3A_636 = arith.constant 6 : i32
      %eq3A_637 = vector.broadcast %eq3A_636 : i32 to vector<16xi32>
      %eq3A_638 = arith.cmpi eq, %iota3A, %eq3A_637 : vector<16xi32>
      %broadcast_in_dim3A_639 = vector.broadcast %reduce_max3A_635 : f32 to vector<16xf32>
      %select_n3A_640 = arith.select %eq3A_638, %broadcast_in_dim3A_639, %select_n3A_629 : vector<16xi1>, vector<16xf32>
      %get3A_641 = arith.constant 880 : index
      %get3A_642 = tpu.vector_load %arg9[%get3A_641] {strides = array<i32>} : memref<1280xf32, #tpu.memory_space<vmem>>, vector<16xf32>,
      %reduce_max3A_643 = arith.constant true
      %reduce_max3A_644 = vector.broadcast %reduce_max3A_643 : i1 to vector<16xi1>
      %reduce_max3A_645 = tpu.scan <max>, %get3A_642 masked %reduce_max3A_644 : vector<16xf32>, vector<16xi1> -> vector<16xf32>
      %reduce_max3A_646 = vector.extract %reduce_max3A_645[15] : f32 from vector<16xf32>
      %eq3A_647 = arith.constant 7 : i32
      %eq3A_648 = vector.broadcast %eq3A_647 : i32 to vector<16xi32>
      %eq3A_649 = arith.cmpi eq, %iota3A, %eq3A_648 : vector<16xi32>
      %broadcast_in_dim3A_650 = vector.broadcast %reduce_max3A_646 : f32 to vector<16xf32>
      %select_n3A_651 = arith.select %eq3A_649, %broadcast_in_dim3A_650, %select_n3A_640 : vector<16xi1>, vector<16xf32>
      %get3A_652 = arith.constant 896 : index
      %get3A_653 = tpu.vector_load %arg9[%get3A_652] {strides = array<i32>} : memref<1280xf32, #tpu.memory_space<vmem>>, vector<16xf32>,
      %reduce_max3A_654 = arith.constant true
      %reduce_max3A_655 = vector.broadcast %reduce_max3A_654 : i1 to vector<16xi1>
      %reduce_max3A_656 = tpu.scan <max>, %get3A_653 masked %reduce_max3A_655 : vector<16xf32>, vector<16xi1> -> vector<16xf32>
      %reduce_max3A_657 = vector.extract %reduce_max3A_656[15] : f32 from vector<16xf32>
      %eq3A_658 = arith.constant 8 : i32
      %eq3A_659 = vector.broadcast %eq3A_658 : i32 to vector<16xi32>
      %eq3A_660 = arith.cmpi eq, %iota3A, %eq3A_659 : vector<16xi32>
      %broadcast_in_dim3A_661 = vector.broadcast %reduce_max3A_657 : f32 to vector<16xf32>
      %select_n3A_662 = arith.select %eq3A_660, %broadcast_in_dim3A_661, %select_n3A_651 : vector<16xi1>, vector<16xf32>
      %get3A_663 = arith.constant 912 : index
      %get3A_664 = tpu.vector_load %arg9[%get3A_663] {strides = array<i32>} : memref<1280xf32, #tpu.memory_space<vmem>>, vector<16xf32>,
      %reduce_max3A_665 = arith.constant true
      %reduce_max3A_666 = vector.broadcast %reduce_max3A_665 : i1 to vector<16xi1>
      %reduce_max3A_667 = tpu.scan <max>, %get3A_664 masked %reduce_max3A_666 : vector<16xf32>, vector<16xi1> -> vector<16xf32>
      %reduce_max3A_668 = vector.extract %reduce_max3A_667[15] : f32 from vector<16xf32>
      %eq3A_669 = arith.constant 9 : i32
      %eq3A_670 = vector.broadcast %eq3A_669 : i32 to vector<16xi32>
      %eq3A_671 = arith.cmpi eq, %iota3A, %eq3A_670 : vector<16xi32>
      %broadcast_in_dim3A_672 = vector.broadcast %reduce_max3A_668 : f32 to vector<16xf32>
      %select_n3A_673 = arith.select %eq3A_671, %broadcast_in_dim3A_672, %select_n3A_662 : vector<16xi1>, vector<16xf32>
      %get3A_674 = arith.constant 928 : index
      %get3A_675 = tpu.vector_load %arg9[%get3A_674] {strides = array<i32>} : memref<1280xf32, #tpu.memory_space<vmem>>, vector<16xf32>,
      %reduce_max3A_676 = arith.constant true
      %reduce_max3A_677 = vector.broadcast %reduce_max3A_676 : i1 to vector<16xi1>
      %reduce_max3A_678 = tpu.scan <max>, %get3A_675 masked %reduce_max3A_677 : vector<16xf32>, vector<16xi1> -> vector<16xf32>
      %reduce_max3A_679 = vector.extract %reduce_max3A_678[15] : f32 from vector<16xf32>
      %eq3A_680 = arith.constant 10 : i32
      %eq3A_681 = vector.broadcast %eq3A_680 : i32 to vector<16xi32>
      %eq3A_682 = arith.cmpi eq, %iota3A, %eq3A_681 : vector<16xi32>
      %broadcast_in_dim3A_683 = vector.broadcast %reduce_max3A_679 : f32 to vector<16xf32>
      %select_n3A_684 = arith.select %eq3A_682, %broadcast_in_dim3A_683, %select_n3A_673 : vector<16xi1>, vector<16xf32>
      %get3A_685 = arith.constant 944 : index
      %get3A_686 = tpu.vector_load %arg9[%get3A_685] {strides = array<i32>} : memref<1280xf32, #tpu.memory_space<vmem>>, vector<16xf32>,
      %reduce_max3A_687 = arith.constant true
      %reduce_max3A_688 = vector.broadcast %reduce_max3A_687 : i1 to vector<16xi1>
      %reduce_max3A_689 = tpu.scan <max>, %get3A_686 masked %reduce_max3A_688 : vector<16xf32>, vector<16xi1> -> vector<16xf32>
      %reduce_max3A_690 = vector.extract %reduce_max3A_689[15] : f32 from vector<16xf32>
      %eq3A_691 = arith.constant 11 : i32
      %eq3A_692 = vector.broadcast %eq3A_691 : i32 to vector<16xi32>
      %eq3A_693 = arith.cmpi eq, %iota3A, %eq3A_692 : vector<16xi32>
      %broadcast_in_dim3A_694 = vector.broadcast %reduce_max3A_690 : f32 to vector<16xf32>
      %select_n3A_695 = arith.select %eq3A_693, %broadcast_in_dim3A_694, %select_n3A_684 : vector<16xi1>, vector<16xf32>
      %get3A_696 = arith.constant 960 : index
      %get3A_697 = tpu.vector_load %arg9[%get3A_696] {strides = array<i32>} : memref<1280xf32, #tpu.memory_space<vmem>>, vector<16xf32>,
      %reduce_max3A_698 = arith.constant true
      %reduce_max3A_699 = vector.broadcast %reduce_max3A_698 : i1 to vector<16xi1>
      %reduce_max3A_700 = tpu.scan <max>, %get3A_697 masked %reduce_max3A_699 : vector<16xf32>, vector<16xi1> -> vector<16xf32>
      %reduce_max3A_701 = vector.extract %reduce_max3A_700[15] : f32 from vector<16xf32>
      %eq3A_702 = arith.constant 12 : i32
      %eq3A_703 = vector.broadcast %eq3A_702 : i32 to vector<16xi32>
      %eq3A_704 = arith.cmpi eq, %iota3A, %eq3A_703 : vector<16xi32>
      %broadcast_in_dim3A_705 = vector.broadcast %reduce_max3A_701 : f32 to vector<16xf32>
      %select_n3A_706 = arith.select %eq3A_704, %broadcast_in_dim3A_705, %select_n3A_695 : vector<16xi1>, vector<16xf32>
      %get3A_707 = arith.constant 976 : index
      %get3A_708 = tpu.vector_load %arg9[%get3A_707] {strides = array<i32>} : memref<1280xf32, #tpu.memory_space<vmem>>, vector<16xf32>,
      %reduce_max3A_709 = arith.constant true
      %reduce_max3A_710 = vector.broadcast %reduce_max3A_709 : i1 to vector<16xi1>
      %reduce_max3A_711 = tpu.scan <max>, %get3A_708 masked %reduce_max3A_710 : vector<16xf32>, vector<16xi1> -> vector<16xf32>
      %reduce_max3A_712 = vector.extract %reduce_max3A_711[15] : f32 from vector<16xf32>
      %eq3A_713 = arith.constant 13 : i32
      %eq3A_714 = vector.broadcast %eq3A_713 : i32 to vector<16xi32>
      %eq3A_715 = arith.cmpi eq, %iota3A, %eq3A_714 : vector<16xi32>
      %broadcast_in_dim3A_716 = vector.broadcast %reduce_max3A_712 : f32 to vector<16xf32>
      %select_n3A_717 = arith.select %eq3A_715, %broadcast_in_dim3A_716, %select_n3A_706 : vector<16xi1>, vector<16xf32>
      %get3A_718 = arith.constant 992 : index
      %get3A_719 = tpu.vector_load %arg9[%get3A_718] {strides = array<i32>} : memref<1280xf32, #tpu.memory_space<vmem>>, vector<16xf32>,
      %reduce_max3A_720 = arith.constant true
      %reduce_max3A_721 = vector.broadcast %reduce_max3A_720 : i1 to vector<16xi1>
      %reduce_max3A_722 = tpu.scan <max>, %get3A_719 masked %reduce_max3A_721 : vector<16xf32>, vector<16xi1> -> vector<16xf32>
      %reduce_max3A_723 = vector.extract %reduce_max3A_722[15] : f32 from vector<16xf32>
      %eq3A_724 = arith.constant 14 : i32
      %eq3A_725 = vector.broadcast %eq3A_724 : i32 to vector<16xi32>
      %eq3A_726 = arith.cmpi eq, %iota3A, %eq3A_725 : vector<16xi32>
      %broadcast_in_dim3A_727 = vector.broadcast %reduce_max3A_723 : f32 to vector<16xf32>
      %select_n3A_728 = arith.select %eq3A_726, %broadcast_in_dim3A_727, %select_n3A_717 : vector<16xi1>, vector<16xf32>
      %get3A_729 = arith.constant 1008 : index
      %get3A_730 = tpu.vector_load %arg9[%get3A_729] {strides = array<i32>} : memref<1280xf32, #tpu.memory_space<vmem>>, vector<16xf32>,
      %reduce_max3A_731 = arith.constant true
      %reduce_max3A_732 = vector.broadcast %reduce_max3A_731 : i1 to vector<16xi1>
      %reduce_max3A_733 = tpu.scan <max>, %get3A_730 masked %reduce_max3A_732 : vector<16xf32>, vector<16xi1> -> vector<16xf32>
      %reduce_max3A_734 = vector.extract %reduce_max3A_733[15] : f32 from vector<16xf32>
      %eq3A_735 = arith.constant 15 : i32
      %eq3A_736 = vector.broadcast %eq3A_735 : i32 to vector<16xi32>
      %eq3A_737 = arith.cmpi eq, %iota3A, %eq3A_736 : vector<16xi32>
      %broadcast_in_dim3A_738 = vector.broadcast %reduce_max3A_734 : f32 to vector<16xf32>
      %select_n3A_739 = arith.select %eq3A_737, %broadcast_in_dim3A_738, %select_n3A_728 : vector<16xi1>, vector<16xf32>
      %swap3A_740 = arith.constant 48 : index
      %swap3A_741 = tpu.vector_load %arg10[%swap3A_740] {strides = array<i32>} : memref<80xf32, #tpu.memory_space<vmem>>, vector<16xf32>,
      tpu.vector_store %arg10[%swap3A_740], %select_n3A_739 {strides = array<i32>} : memref<80xf32, #tpu.memory_space<vmem>>, vector<16xf32>,
      %get3A_742 = arith.constant 1024 : index
      %get3A_743 = tpu.vector_load %arg9[%get3A_742] {strides = array<i32>} : memref<1280xf32, #tpu.memory_space<vmem>>, vector<16xf32>,
      %reduce_max3A_744 = arith.constant true
      %reduce_max3A_745 = vector.broadcast %reduce_max3A_744 : i1 to vector<16xi1>
      %reduce_max3A_746 = tpu.scan <max>, %get3A_743 masked %reduce_max3A_745 : vector<16xf32>, vector<16xi1> -> vector<16xf32>
      %reduce_max3A_747 = vector.extract %reduce_max3A_746[15] : f32 from vector<16xf32>
      %eq3A_748 = arith.constant 0 : i32
      %eq3A_749 = vector.broadcast %eq3A_748 : i32 to vector<16xi32>
      %eq3A_750 = arith.cmpi eq, %iota3A, %eq3A_749 : vector<16xi32>
      %broadcast_in_dim3A_751 = vector.broadcast %reduce_max3A_747 : f32 to vector<16xf32>
      %select_n3A_752 = arith.select %eq3A_750, %broadcast_in_dim3A_751, %broadcast_in_dim3A_14 : vector<16xi1>, vector<16xf32>
      %get3A_753 = arith.constant 1040 : index
      %get3A_754 = tpu.vector_load %arg9[%get3A_753] {strides = array<i32>} : memref<1280xf32, #tpu.memory_space<vmem>>, vector<16xf32>,
      %reduce_max3A_755 = arith.constant true
      %reduce_max3A_756 = vector.broadcast %reduce_max3A_755 : i1 to vector<16xi1>
      %reduce_max3A_757 = tpu.scan <max>, %get3A_754 masked %reduce_max3A_756 : vector<16xf32>, vector<16xi1> -> vector<16xf32>
      %reduce_max3A_758 = vector.extract %reduce_max3A_757[15] : f32 from vector<16xf32>
      %eq3A_759 = arith.constant 1 : i32
      %eq3A_760 = vector.broadcast %eq3A_759 : i32 to vector<16xi32>
      %eq3A_761 = arith.cmpi eq, %iota3A, %eq3A_760 : vector<16xi32>
      %broadcast_in_dim3A_762 = vector.broadcast %reduce_max3A_758 : f32 to vector<16xf32>
      %select_n3A_763 = arith.select %eq3A_761, %broadcast_in_dim3A_762, %select_n3A_752 : vector<16xi1>, vector<16xf32>
      %get3A_764 = arith.constant 1056 : index
      %get3A_765 = tpu.vector_load %arg9[%get3A_764] {strides = array<i32>} : memref<1280xf32, #tpu.memory_space<vmem>>, vector<16xf32>,
      %reduce_max3A_766 = arith.constant true
      %reduce_max3A_767 = vector.broadcast %reduce_max3A_766 : i1 to vector<16xi1>
      %reduce_max3A_768 = tpu.scan <max>, %get3A_765 masked %reduce_max3A_767 : vector<16xf32>, vector<16xi1> -> vector<16xf32>
      %reduce_max3A_769 = vector.extract %reduce_max3A_768[15] : f32 from vector<16xf32>
      %eq3A_770 = arith.constant 2 : i32
      %eq3A_771 = vector.broadcast %eq3A_770 : i32 to vector<16xi32>
      %eq3A_772 = arith.cmpi eq, %iota3A, %eq3A_771 : vector<16xi32>
      %broadcast_in_dim3A_773 = vector.broadcast %reduce_max3A_769 : f32 to vector<16xf32>
      %select_n3A_774 = arith.select %eq3A_772, %broadcast_in_dim3A_773, %select_n3A_763 : vector<16xi1>, vector<16xf32>
      %get3A_775 = arith.constant 1072 : index
      %get3A_776 = tpu.vector_load %arg9[%get3A_775] {strides = array<i32>} : memref<1280xf32, #tpu.memory_space<vmem>>, vector<16xf32>,
      %reduce_max3A_777 = arith.constant true
      %reduce_max3A_778 = vector.broadcast %reduce_max3A_777 : i1 to vector<16xi1>
      %reduce_max3A_779 = tpu.scan <max>, %get3A_776 masked %reduce_max3A_778 : vector<16xf32>, vector<16xi1> -> vector<16xf32>
      %reduce_max3A_780 = vector.extract %reduce_max3A_779[15] : f32 from vector<16xf32>
      %eq3A_781 = arith.constant 3 : i32
      %eq3A_782 = vector.broadcast %eq3A_781 : i32 to vector<16xi32>
      %eq3A_783 = arith.cmpi eq, %iota3A, %eq3A_782 : vector<16xi32>
      %broadcast_in_dim3A_784 = vector.broadcast %reduce_max3A_780 : f32 to vector<16xf32>
      %select_n3A_785 = arith.select %eq3A_783, %broadcast_in_dim3A_784, %select_n3A_774 : vector<16xi1>, vector<16xf32>
      %get3A_786 = arith.constant 1088 : index
      %get3A_787 = tpu.vector_load %arg9[%get3A_786] {strides = array<i32>} : memref<1280xf32, #tpu.memory_space<vmem>>, vector<16xf32>,
      %reduce_max3A_788 = arith.constant true
      %reduce_max3A_789 = vector.broadcast %reduce_max3A_788 : i1 to vector<16xi1>
      %reduce_max3A_790 = tpu.scan <max>, %get3A_787 masked %reduce_max3A_789 : vector<16xf32>, vector<16xi1> -> vector<16xf32>
      %reduce_max3A_791 = vector.extract %reduce_max3A_790[15] : f32 from vector<16xf32>
      %eq3A_792 = arith.constant 4 : i32
      %eq3A_793 = vector.broadcast %eq3A_792 : i32 to vector<16xi32>
      %eq3A_794 = arith.cmpi eq, %iota3A, %eq3A_793 : vector<16xi32>
      %broadcast_in_dim3A_795 = vector.broadcast %reduce_max3A_791 : f32 to vector<16xf32>
      %select_n3A_796 = arith.select %eq3A_794, %broadcast_in_dim3A_795, %select_n3A_785 : vector<16xi1>, vector<16xf32>
      %get3A_797 = arith.constant 1104 : index
      %get3A_798 = tpu.vector_load %arg9[%get3A_797] {strides = array<i32>} : memref<1280xf32, #tpu.memory_space<vmem>>, vector<16xf32>,
      %reduce_max3A_799 = arith.constant true
      %reduce_max3A_800 = vector.broadcast %reduce_max3A_799 : i1 to vector<16xi1>
      %reduce_max3A_801 = tpu.scan <max>, %get3A_798 masked %reduce_max3A_800 : vector<16xf32>, vector<16xi1> -> vector<16xf32>
      %reduce_max3A_802 = vector.extract %reduce_max3A_801[15] : f32 from vector<16xf32>
      %eq3A_803 = arith.constant 5 : i32
      %eq3A_804 = vector.broadcast %eq3A_803 : i32 to vector<16xi32>
      %eq3A_805 = arith.cmpi eq, %iota3A, %eq3A_804 : vector<16xi32>
      %broadcast_in_dim3A_806 = vector.broadcast %reduce_max3A_802 : f32 to vector<16xf32>
      %select_n3A_807 = arith.select %eq3A_805, %broadcast_in_dim3A_806, %select_n3A_796 : vector<16xi1>, vector<16xf32>
      %get3A_808 = arith.constant 1120 : index
      %get3A_809 = tpu.vector_load %arg9[%get3A_808] {strides = array<i32>} : memref<1280xf32, #tpu.memory_space<vmem>>, vector<16xf32>,
      %reduce_max3A_810 = arith.constant true
      %reduce_max3A_811 = vector.broadcast %reduce_max3A_810 : i1 to vector<16xi1>
      %reduce_max3A_812 = tpu.scan <max>, %get3A_809 masked %reduce_max3A_811 : vector<16xf32>, vector<16xi1> -> vector<16xf32>
      %reduce_max3A_813 = vector.extract %reduce_max3A_812[15] : f32 from vector<16xf32>
      %eq3A_814 = arith.constant 6 : i32
      %eq3A_815 = vector.broadcast %eq3A_814 : i32 to vector<16xi32>
      %eq3A_816 = arith.cmpi eq, %iota3A, %eq3A_815 : vector<16xi32>
      %broadcast_in_dim3A_817 = vector.broadcast %reduce_max3A_813 : f32 to vector<16xf32>
      %select_n3A_818 = arith.select %eq3A_816, %broadcast_in_dim3A_817, %select_n3A_807 : vector<16xi1>, vector<16xf32>
      %get3A_819 = arith.constant 1136 : index
      %get3A_820 = tpu.vector_load %arg9[%get3A_819] {strides = array<i32>} : memref<1280xf32, #tpu.memory_space<vmem>>, vector<16xf32>,
      %reduce_max3A_821 = arith.constant true
      %reduce_max3A_822 = vector.broadcast %reduce_max3A_821 : i1 to vector<16xi1>
      %reduce_max3A_823 = tpu.scan <max>, %get3A_820 masked %reduce_max3A_822 : vector<16xf32>, vector<16xi1> -> vector<16xf32>
      %reduce_max3A_824 = vector.extract %reduce_max3A_823[15] : f32 from vector<16xf32>
      %eq3A_825 = arith.constant 7 : i32
      %eq3A_826 = vector.broadcast %eq3A_825 : i32 to vector<16xi32>
      %eq3A_827 = arith.cmpi eq, %iota3A, %eq3A_826 : vector<16xi32>
      %broadcast_in_dim3A_828 = vector.broadcast %reduce_max3A_824 : f32 to vector<16xf32>
      %select_n3A_829 = arith.select %eq3A_827, %broadcast_in_dim3A_828, %select_n3A_818 : vector<16xi1>, vector<16xf32>
      %get3A_830 = arith.constant 1152 : index
      %get3A_831 = tpu.vector_load %arg9[%get3A_830] {strides = array<i32>} : memref<1280xf32, #tpu.memory_space<vmem>>, vector<16xf32>,
      %reduce_max3A_832 = arith.constant true
      %reduce_max3A_833 = vector.broadcast %reduce_max3A_832 : i1 to vector<16xi1>
      %reduce_max3A_834 = tpu.scan <max>, %get3A_831 masked %reduce_max3A_833 : vector<16xf32>, vector<16xi1> -> vector<16xf32>
      %reduce_max3A_835 = vector.extract %reduce_max3A_834[15] : f32 from vector<16xf32>
      %eq3A_836 = arith.constant 8 : i32
      %eq3A_837 = vector.broadcast %eq3A_836 : i32 to vector<16xi32>
      %eq3A_838 = arith.cmpi eq, %iota3A, %eq3A_837 : vector<16xi32>
      %broadcast_in_dim3A_839 = vector.broadcast %reduce_max3A_835 : f32 to vector<16xf32>
      %select_n3A_840 = arith.select %eq3A_838, %broadcast_in_dim3A_839, %select_n3A_829 : vector<16xi1>, vector<16xf32>
      %get3A_841 = arith.constant 1168 : index
      %get3A_842 = tpu.vector_load %arg9[%get3A_841] {strides = array<i32>} : memref<1280xf32, #tpu.memory_space<vmem>>, vector<16xf32>,
      %reduce_max3A_843 = arith.constant true
      %reduce_max3A_844 = vector.broadcast %reduce_max3A_843 : i1 to vector<16xi1>
      %reduce_max3A_845 = tpu.scan <max>, %get3A_842 masked %reduce_max3A_844 : vector<16xf32>, vector<16xi1> -> vector<16xf32>
      %reduce_max3A_846 = vector.extract %reduce_max3A_845[15] : f32 from vector<16xf32>
      %eq3A_847 = arith.constant 9 : i32
      %eq3A_848 = vector.broadcast %eq3A_847 : i32 to vector<16xi32>
      %eq3A_849 = arith.cmpi eq, %iota3A, %eq3A_848 : vector<16xi32>
      %broadcast_in_dim3A_850 = vector.broadcast %reduce_max3A_846 : f32 to vector<16xf32>
      %select_n3A_851 = arith.select %eq3A_849, %broadcast_in_dim3A_850, %select_n3A_840 : vector<16xi1>, vector<16xf32>
      %get3A_852 = arith.constant 1184 : index
      %get3A_853 = tpu.vector_load %arg9[%get3A_852] {strides = array<i32>} : memref<1280xf32, #tpu.memory_space<vmem>>, vector<16xf32>,
      %reduce_max3A_854 = arith.constant true
      %reduce_max3A_855 = vector.broadcast %reduce_max3A_854 : i1 to vector<16xi1>
      %reduce_max3A_856 = tpu.scan <max>, %get3A_853 masked %reduce_max3A_855 : vector<16xf32>, vector<16xi1> -> vector<16xf32>
      %reduce_max3A_857 = vector.extract %reduce_max3A_856[15] : f32 from vector<16xf32>
      %eq3A_858 = arith.constant 10 : i32
      %eq3A_859 = vector.broadcast %eq3A_858 : i32 to vector<16xi32>
      %eq3A_860 = arith.cmpi eq, %iota3A, %eq3A_859 : vector<16xi32>
      %broadcast_in_dim3A_861 = vector.broadcast %reduce_max3A_857 : f32 to vector<16xf32>
      %select_n3A_862 = arith.select %eq3A_860, %broadcast_in_dim3A_861, %select_n3A_851 : vector<16xi1>, vector<16xf32>
      %get3A_863 = arith.constant 1200 : index
      %get3A_864 = tpu.vector_load %arg9[%get3A_863] {strides = array<i32>} : memref<1280xf32, #tpu.memory_space<vmem>>, vector<16xf32>,
      %reduce_max3A_865 = arith.constant true
      %reduce_max3A_866 = vector.broadcast %reduce_max3A_865 : i1 to vector<16xi1>
      %reduce_max3A_867 = tpu.scan <max>, %get3A_864 masked %reduce_max3A_866 : vector<16xf32>, vector<16xi1> -> vector<16xf32>
      %reduce_max3A_868 = vector.extract %reduce_max3A_867[15] : f32 from vector<16xf32>
      %eq3A_869 = arith.constant 11 : i32
      %eq3A_870 = vector.broadcast %eq3A_869 : i32 to vector<16xi32>
      %eq3A_871 = arith.cmpi eq, %iota3A, %eq3A_870 : vector<16xi32>
      %broadcast_in_dim3A_872 = vector.broadcast %reduce_max3A_868 : f32 to vector<16xf32>
      %select_n3A_873 = arith.select %eq3A_871, %broadcast_in_dim3A_872, %select_n3A_862 : vector<16xi1>, vector<16xf32>
      %get3A_874 = arith.constant 1216 : index
      %get3A_875 = tpu.vector_load %arg9[%get3A_874] {strides = array<i32>} : memref<1280xf32, #tpu.memory_space<vmem>>, vector<16xf32>,
      %reduce_max3A_876 = arith.constant true
      %reduce_max3A_877 = vector.broadcast %reduce_max3A_876 : i1 to vector<16xi1>
      %reduce_max3A_878 = tpu.scan <max>, %get3A_875 masked %reduce_max3A_877 : vector<16xf32>, vector<16xi1> -> vector<16xf32>
      %reduce_max3A_879 = vector.extract %reduce_max3A_878[15] : f32 from vector<16xf32>
      %eq3A_880 = arith.constant 12 : i32
      %eq3A_881 = vector.broadcast %eq3A_880 : i32 to vector<16xi32>
      %eq3A_882 = arith.cmpi eq, %iota3A, %eq3A_881 : vector<16xi32>
      %broadcast_in_dim3A_883 = vector.broadcast %reduce_max3A_879 : f32 to vector<16xf32>
      %select_n3A_884 = arith.select %eq3A_882, %broadcast_in_dim3A_883, %select_n3A_873 : vector<16xi1>, vector<16xf32>
      %get3A_885 = arith.constant 1232 : index
      %get3A_886 = tpu.vector_load %arg9[%get3A_885] {strides = array<i32>} : memref<1280xf32, #tpu.memory_space<vmem>>, vector<16xf32>,
      %reduce_max3A_887 = arith.constant true
      %reduce_max3A_888 = vector.broadcast %reduce_max3A_887 : i1 to vector<16xi1>
      %reduce_max3A_889 = tpu.scan <max>, %get3A_886 masked %reduce_max3A_888 : vector<16xf32>, vector<16xi1> -> vector<16xf32>
      %reduce_max3A_890 = vector.extract %reduce_max3A_889[15] : f32 from vector<16xf32>
      %eq3A_891 = arith.constant 13 : i32
      %eq3A_892 = vector.broadcast %eq3A_891 : i32 to vector<16xi32>
      %eq3A_893 = arith.cmpi eq, %iota3A, %eq3A_892 : vector<16xi32>
      %broadcast_in_dim3A_894 = vector.broadcast %reduce_max3A_890 : f32 to vector<16xf32>
      %select_n3A_895 = arith.select %eq3A_893, %broadcast_in_dim3A_894, %select_n3A_884 : vector<16xi1>, vector<16xf32>
      %get3A_896 = arith.constant 1248 : index
      %get3A_897 = tpu.vector_load %arg9[%get3A_896] {strides = array<i32>} : memref<1280xf32, #tpu.memory_space<vmem>>, vector<16xf32>,
      %reduce_max3A_898 = arith.constant true
      %reduce_max3A_899 = vector.broadcast %reduce_max3A_898 : i1 to vector<16xi1>
      %reduce_max3A_900 = tpu.scan <max>, %get3A_897 masked %reduce_max3A_899 : vector<16xf32>, vector<16xi1> -> vector<16xf32>
      %reduce_max3A_901 = vector.extract %reduce_max3A_900[15] : f32 from vector<16xf32>
      %eq3A_902 = arith.constant 14 : i32
      %eq3A_903 = vector.broadcast %eq3A_902 : i32 to vector<16xi32>
      %eq3A_904 = arith.cmpi eq, %iota3A, %eq3A_903 : vector<16xi32>
      %broadcast_in_dim3A_905 = vector.broadcast %reduce_max3A_901 : f32 to vector<16xf32>
      %select_n3A_906 = arith.select %eq3A_904, %broadcast_in_dim3A_905, %select_n3A_895 : vector<16xi1>, vector<16xf32>
      %get3A_907 = arith.constant 1264 : index
      %get3A_908 = tpu.vector_load %arg9[%get3A_907] {strides = array<i32>} : memref<1280xf32, #tpu.memory_space<vmem>>, vector<16xf32>,
      %reduce_max3A_909 = arith.constant true
      %reduce_max3A_910 = vector.broadcast %reduce_max3A_909 : i1 to vector<16xi1>
      %reduce_max3A_911 = tpu.scan <max>, %get3A_908 masked %reduce_max3A_910 : vector<16xf32>, vector<16xi1> -> vector<16xf32>
      %reduce_max3A_912 = vector.extract %reduce_max3A_911[15] : f32 from vector<16xf32>
      %eq3A_913 = arith.constant 15 : i32
      %eq3A_914 = vector.broadcast %eq3A_913 : i32 to vector<16xi32>
      %eq3A_915 = arith.cmpi eq, %iota3A, %eq3A_914 : vector<16xi32>
      %broadcast_in_dim3A_916 = vector.broadcast %reduce_max3A_912 : f32 to vector<16xf32>
      %select_n3A_917 = arith.select %eq3A_915, %broadcast_in_dim3A_916, %select_n3A_906 : vector<16xi1>, vector<16xf32>
      %swap3A_918 = arith.constant 64 : index
      %swap3A_919 = tpu.vector_load %arg10[%swap3A_918] {strides = array<i32>} : memref<80xf32, #tpu.memory_space<vmem>>, vector<16xf32>,
      tpu.vector_store %arg10[%swap3A_918], %select_n3A_917 {strides = array<i32>} : memref<80xf32, #tpu.memory_space<vmem>>, vector<16xf32>,
      %dma_wait3A = arith.constant 0 : i32
      %dma_wait3A_920 = arith.constant 0 : i32
      %dma_wait3A_921 = tpu.memref_slice %arg2[%add3A, %dma_wait3A, %dma_wait3A_920] : memref<8x4x20000xf32, #tpu.memory_space<hbm>> -> memref<1x4x20000xf32, #tpu.memory_space<hbm>>
      %dma_wait3A_922 = tpu.memref_squeeze %dma_wait3A_921 : memref<1x4x20000xf32, #tpu.memory_space<hbm>> -> memref<4x20000xf32, #tpu.memory_space<hbm>>
      %dma_wait3A_923 = arith.constant 0 : i32
      %dma_wait3A_924 = arith.constant 0 : i32
      %dma_wait3A_925 = tpu.memref_slice %arg2[%add3A, %dma_wait3A_923, %dma_wait3A_924] : memref<8x4x20000xf32, #tpu.memory_space<hbm>> -> memref<1x4x20000xf32, #tpu.memory_space<hbm>>
      %dma_wait3A_926 = tpu.memref_squeeze %dma_wait3A_925 : memref<1x4x20000xf32, #tpu.memory_space<hbm>> -> memref<4x20000xf32, #tpu.memory_space<hbm>>
      tpu.wait_dma2 semaphore(%arg19 : memref<!tpu.dma_semaphore, #tpu.memory_space<semaphore_mem>>) src(%dma_wait3A_926 : memref<4x20000xf32, #tpu.memory_space<hbm>>) dst(%arg7 : memref<4x20000xf32, #tpu.memory_space<vmem>>)
      %get3A_927 = arith.constant 0 : index
      %get3A_928 = tpu.vector_load %arg10[%get3A_927] {strides = array<i32>} : memref<80xf32, #tpu.memory_space<vmem>>, vector<16xf32>,
      %get3A_929 = arith.constant 16 : index
      %get3A_930 = tpu.vector_load %arg10[%get3A_929] {strides = array<i32>} : memref<80xf32, #tpu.memory_space<vmem>>, vector<16xf32>,
      %max3A = arith.maximumf %get3A_928, %get3A_930 : vector<16xf32>
      %get3A_931 = arith.constant 32 : index
      %get3A_932 = tpu.vector_load %arg10[%get3A_931] {strides = array<i32>} : memref<80xf32, #tpu.memory_space<vmem>>, vector<16xf32>,
      %max3A_933 = arith.maximumf %max3A, %get3A_932 : vector<16xf32>
      %get3A_934 = arith.constant 48 : index
      %get3A_935 = tpu.vector_load %arg10[%get3A_934] {strides = array<i32>} : memref<80xf32, #tpu.memory_space<vmem>>, vector<16xf32>,
      %max3A_936 = arith.maximumf %max3A_933, %get3A_935 : vector<16xf32>
      %get3A_937 = arith.constant 64 : index
      %get3A_938 = tpu.vector_load %arg10[%get3A_937] {strides = array<i32>} : memref<80xf32, #tpu.memory_space<vmem>>, vector<16xf32>,
      %max3A_939 = arith.maximumf %max3A_936, %get3A_938 : vector<16xf32>
      %reduce_max3A_940 = arith.constant true
      %reduce_max3A_941 = vector.broadcast %reduce_max3A_940 : i1 to vector<16xi1>
      %reduce_max3A_942 = tpu.scan <max>, %max3A_939 masked %reduce_max3A_941 : vector<16xf32>, vector<16xi1> -> vector<16xf32>
      %reduce_max3A_943 = vector.extract %reduce_max3A_942[15] : f32 from vector<16xf32>
      %broadcast_in_dim3A_944 = vector.broadcast %reduce_max3A_943 : f32 to vector<16xf32>
      %get3A_945 = arith.constant 0 : index
      %get3A_946 = tpu.vector_load %arg10[%get3A_945] {strides = array<i32>} : memref<80xf32, #tpu.memory_space<vmem>>, vector<16xf32>,
      %eq3A_947 = arith.cmpf oeq, %get3A_946, %broadcast_in_dim3A_944 : vector<16xf32>
      %jit3A = arith.constant 16 : i32
      %broadcast_in_dim3A_948 = vector.broadcast %jit3A : i32 to vector<16xi32>
      %select_n3A_949 = arith.select %eq3A_947, %iota3A, %broadcast_in_dim3A_948 : vector<16xi1>, vector<16xi32>
      %reduce_min3A = arith.constant true
      %reduce_min3A_950 = vector.broadcast %reduce_min3A : i1 to vector<16xi1>
      %reduce_min3A_951 = arith.constant -2147483648 : i32
      %reduce_min3A_952 = vector.broadcast %reduce_min3A_951 : i32 to vector<16xi32>
      %reduce_min3A_953 = arith.xori %select_n3A_949, %reduce_min3A_952 : vector<16xi32>
      %reduce_min3A_954 = tpu.scan <min>, %reduce_min3A_953 masked %reduce_min3A_950 : vector<16xi32>, vector<16xi1> -> vector<16xi32>
      %reduce_min3A_955 = arith.xori %reduce_min3A_954, %reduce_min3A_952 : vector<16xi32>
      %reduce_min3A_956 = vector.extract %reduce_min3A_955[15] : i32 from vector<16xi32>
      %lt3A_957 = arith.constant 16 : i32
      %lt3A_958 = arith.cmpi slt, %reduce_min3A_956, %lt3A_957 : i32
      %eq3A_959 = arith.constant 0 : i32
      %eq3A_960 = arith.constant 0 : i32
      %eq3A_961 = arith.cmpi eq, %eq3A_959, %eq3A_960 : i32
      %and3A = arith.andi %lt3A_958, %eq3A_961 : i1
      %add3A_962 = arith.constant 0 : i32
      %add3A_963 = arith.addi %add3A_962, %reduce_min3A_956 : i32
      %jit3A_964 = arith.constant 0 : i32
      %select_n3A_965 = arith.select %and3A, %add3A_963, %jit3A_964 : i32
      %jit3A_966 = arith.constant 1 : i32
      %jit3A_967 = arith.constant 0 : i32
      %select_n3A_968 = arith.select %lt3A_958, %jit3A_966, %jit3A_967 : i32
      %get3A_969 = arith.constant 16 : index
      %get3A_970 = tpu.vector_load %arg10[%get3A_969] {strides = array<i32>} : memref<80xf32, #tpu.memory_space<vmem>>, vector<16xf32>,
      %eq3A_971 = arith.cmpf oeq, %get3A_970, %broadcast_in_dim3A_944 : vector<16xf32>
      %jit3A_972 = arith.constant 16 : i32
      %broadcast_in_dim3A_973 = vector.broadcast %jit3A_972 : i32 to vector<16xi32>
      %select_n3A_974 = arith.select %eq3A_971, %iota3A, %broadcast_in_dim3A_973 : vector<16xi1>, vector<16xi32>
      %reduce_min3A_975 = arith.constant true
      %reduce_min3A_976 = vector.broadcast %reduce_min3A_975 : i1 to vector<16xi1>
      %reduce_min3A_977 = arith.constant -2147483648 : i32
      %reduce_min3A_978 = vector.broadcast %reduce_min3A_977 : i32 to vector<16xi32>
      %reduce_min3A_979 = arith.xori %select_n3A_974, %reduce_min3A_978 : vector<16xi32>
      %reduce_min3A_980 = tpu.scan <min>, %reduce_min3A_979 masked %reduce_min3A_976 : vector<16xi32>, vector<16xi1> -> vector<16xi32>
      %reduce_min3A_981 = arith.xori %reduce_min3A_980, %reduce_min3A_978 : vector<16xi32>
      %reduce_min3A_982 = vector.extract %reduce_min3A_981[15] : i32 from vector<16xi32>
      %lt3A_983 = arith.constant 16 : i32
      %lt3A_984 = arith.cmpi slt, %reduce_min3A_982, %lt3A_983 : i32
      %eq3A_985 = arith.constant 0 : i32
      %eq3A_986 = arith.cmpi eq, %select_n3A_968, %eq3A_985 : i32
      %and3A_987 = arith.andi %lt3A_984, %eq3A_986 : i1
      %add3A_988 = arith.constant 16 : i32
      %add3A_989 = arith.addi %add3A_988, %reduce_min3A_982 : i32
      %select_n3A_990 = arith.select %and3A_987, %add3A_989, %select_n3A_965 : i32
      %jit3A_991 = arith.constant 1 : i32
      %select_n3A_992 = arith.select %lt3A_984, %jit3A_991, %select_n3A_968 : i32
      %get3A_993 = arith.constant 32 : index
      %get3A_994 = tpu.vector_load %arg10[%get3A_993] {strides = array<i32>} : memref<80xf32, #tpu.memory_space<vmem>>, vector<16xf32>,
      %eq3A_995 = arith.cmpf oeq, %get3A_994, %broadcast_in_dim3A_944 : vector<16xf32>
      %jit3A_996 = arith.constant 16 : i32
      %broadcast_in_dim3A_997 = vector.broadcast %jit3A_996 : i32 to vector<16xi32>
      %select_n3A_998 = arith.select %eq3A_995, %iota3A, %broadcast_in_dim3A_997 : vector<16xi1>, vector<16xi32>
      %reduce_min3A_999 = arith.constant true
      %reduce_min3A_1000 = vector.broadcast %reduce_min3A_999 : i1 to vector<16xi1>
      %reduce_min3A_1001 = arith.constant -2147483648 : i32
      %reduce_min3A_1002 = vector.broadcast %reduce_min3A_1001 : i32 to vector<16xi32>
      %reduce_min3A_1003 = arith.xori %select_n3A_998, %reduce_min3A_1002 : vector<16xi32>
      %reduce_min3A_1004 = tpu.scan <min>, %reduce_min3A_1003 masked %reduce_min3A_1000 : vector<16xi32>, vector<16xi1> -> vector<16xi32>
      %reduce_min3A_1005 = arith.xori %reduce_min3A_1004, %reduce_min3A_1002 : vector<16xi32>
      %reduce_min3A_1006 = vector.extract %reduce_min3A_1005[15] : i32 from vector<16xi32>
      %lt3A_1007 = arith.constant 16 : i32
      %lt3A_1008 = arith.cmpi slt, %reduce_min3A_1006, %lt3A_1007 : i32
      %eq3A_1009 = arith.constant 0 : i32
      %eq3A_1010 = arith.cmpi eq, %select_n3A_992, %eq3A_1009 : i32
      %and3A_1011 = arith.andi %lt3A_1008, %eq3A_1010 : i1
      %add3A_1012 = arith.constant 32 : i32
      %add3A_1013 = arith.addi %add3A_1012, %reduce_min3A_1006 : i32
      %select_n3A_1014 = arith.select %and3A_1011, %add3A_1013, %select_n3A_990 : i32
      %jit3A_1015 = arith.constant 1 : i32
      %select_n3A_1016 = arith.select %lt3A_1008, %jit3A_1015, %select_n3A_992 : i32
      %get3A_1017 = arith.constant 48 : index
      %get3A_1018 = tpu.vector_load %arg10[%get3A_1017] {strides = array<i32>} : memref<80xf32, #tpu.memory_space<vmem>>, vector<16xf32>,
      %eq3A_1019 = arith.cmpf oeq, %get3A_1018, %broadcast_in_dim3A_944 : vector<16xf32>
      %jit3A_1020 = arith.constant 16 : i32
      %broadcast_in_dim3A_1021 = vector.broadcast %jit3A_1020 : i32 to vector<16xi32>
      %select_n3A_1022 = arith.select %eq3A_1019, %iota3A, %broadcast_in_dim3A_1021 : vector<16xi1>, vector<16xi32>
      %reduce_min3A_1023 = arith.constant true
      %reduce_min3A_1024 = vector.broadcast %reduce_min3A_1023 : i1 to vector<16xi1>
      %reduce_min3A_1025 = arith.constant -2147483648 : i32
      %reduce_min3A_1026 = vector.broadcast %reduce_min3A_1025 : i32 to vector<16xi32>
      %reduce_min3A_1027 = arith.xori %select_n3A_1022, %reduce_min3A_1026 : vector<16xi32>
      %reduce_min3A_1028 = tpu.scan <min>, %reduce_min3A_1027 masked %reduce_min3A_1024 : vector<16xi32>, vector<16xi1> -> vector<16xi32>
      %reduce_min3A_1029 = arith.xori %reduce_min3A_1028, %reduce_min3A_1026 : vector<16xi32>
      %reduce_min3A_1030 = vector.extract %reduce_min3A_1029[15] : i32 from vector<16xi32>
      %lt3A_1031 = arith.constant 16 : i32
      %lt3A_1032 = arith.cmpi slt, %reduce_min3A_1030, %lt3A_1031 : i32
      %eq3A_1033 = arith.constant 0 : i32
      %eq3A_1034 = arith.cmpi eq, %select_n3A_1016, %eq3A_1033 : i32
      %and3A_1035 = arith.andi %lt3A_1032, %eq3A_1034 : i1
      %add3A_1036 = arith.constant 48 : i32
      %add3A_1037 = arith.addi %add3A_1036, %reduce_min3A_1030 : i32
      %select_n3A_1038 = arith.select %and3A_1035, %add3A_1037, %select_n3A_1014 : i32
      %jit3A_1039 = arith.constant 1 : i32
      %select_n3A_1040 = arith.select %lt3A_1032, %jit3A_1039, %select_n3A_1016 : i32
      %get3A_1041 = arith.constant 64 : index
      %get3A_1042 = tpu.vector_load %arg10[%get3A_1041] {strides = array<i32>} : memref<80xf32, #tpu.memory_space<vmem>>, vector<16xf32>,
      %eq3A_1043 = arith.cmpf oeq, %get3A_1042, %broadcast_in_dim3A_944 : vector<16xf32>
      %jit3A_1044 = arith.constant 16 : i32
      %broadcast_in_dim3A_1045 = vector.broadcast %jit3A_1044 : i32 to vector<16xi32>
      %select_n3A_1046 = arith.select %eq3A_1043, %iota3A, %broadcast_in_dim3A_1045 : vector<16xi1>, vector<16xi32>
      %reduce_min3A_1047 = arith.constant true
      %reduce_min3A_1048 = vector.broadcast %reduce_min3A_1047 : i1 to vector<16xi1>
      %reduce_min3A_1049 = arith.constant -2147483648 : i32
      %reduce_min3A_1050 = vector.broadcast %reduce_min3A_1049 : i32 to vector<16xi32>
      %reduce_min3A_1051 = arith.xori %select_n3A_1046, %reduce_min3A_1050 : vector<16xi32>
      %reduce_min3A_1052 = tpu.scan <min>, %reduce_min3A_1051 masked %reduce_min3A_1048 : vector<16xi32>, vector<16xi1> -> vector<16xi32>
      %reduce_min3A_1053 = arith.xori %reduce_min3A_1052, %reduce_min3A_1050 : vector<16xi32>
      %reduce_min3A_1054 = vector.extract %reduce_min3A_1053[15] : i32 from vector<16xi32>
      %lt3A_1055 = arith.constant 16 : i32
      %lt3A_1056 = arith.cmpi slt, %reduce_min3A_1054, %lt3A_1055 : i32
      %eq3A_1057 = arith.constant 0 : i32
      %eq3A_1058 = arith.cmpi eq, %select_n3A_1040, %eq3A_1057 : i32
      %and3A_1059 = arith.andi %lt3A_1056, %eq3A_1058 : i1
      %add3A_1060 = arith.constant 64 : i32
      %add3A_1061 = arith.addi %add3A_1060, %reduce_min3A_1054 : i32
      %select_n3A_1062 = arith.select %and3A_1059, %add3A_1061, %select_n3A_1038 : i32
      %jit3A_1063 = arith.constant 1 : i32
      %select_n3A_1064 = arith.select %lt3A_1056, %jit3A_1063, %select_n3A_1040 : i32
      %mul3A_1065 = arith.constant 16 : i32
      %mul3A_1066 = arith.muli %select_n3A_1062, %mul3A_1065 : i32
      %get3A_1067 = arith.index_cast %mul3A_1066 : i32 to index
      %get3A_1068 = tpu.vector_load %arg9[%get3A_1067] {strides = array<i32>} : memref<1280xf32, #tpu.memory_space<vmem>>, vector<16xf32>,
      %eq3A_1069 = arith.cmpf oeq, %get3A_1068, %broadcast_in_dim3A_944 : vector<16xf32>
      %jit3A_1070 = arith.constant 16 : i32
      %broadcast_in_dim3A_1071 = vector.broadcast %jit3A_1070 : i32 to vector<16xi32>
      %select_n3A_1072 = arith.select %eq3A_1069, %iota3A, %broadcast_in_dim3A_1071 : vector<16xi1>, vector<16xi32>
      %reduce_min3A_1073 = arith.constant true
      %reduce_min3A_1074 = vector.broadcast %reduce_min3A_1073 : i1 to vector<16xi1>
      %reduce_min3A_1075 = arith.constant -2147483648 : i32
      %reduce_min3A_1076 = vector.broadcast %reduce_min3A_1075 : i32 to vector<16xi32>
      %reduce_min3A_1077 = arith.xori %select_n3A_1072, %reduce_min3A_1076 : vector<16xi32>
      %reduce_min3A_1078 = tpu.scan <min>, %reduce_min3A_1077 masked %reduce_min3A_1074 : vector<16xi32>, vector<16xi1> -> vector<16xi32>
      %reduce_min3A_1079 = arith.xori %reduce_min3A_1078, %reduce_min3A_1076 : vector<16xi32>
      %reduce_min3A_1080 = vector.extract %reduce_min3A_1079[15] : i32 from vector<16xi32>
      %mul3A_1081 = arith.constant 16 : i32
      %mul3A_1082 = arith.muli %select_n3A_1062, %mul3A_1081 : i32
      %add3A_1083 = arith.addi %mul3A_1082, %reduce_min3A_1080 : i32
      %mul3A_1084 = arith.constant 16 : i32
      %mul3A_1085 = arith.muli %add3A_1083, %mul3A_1084 : i32
      %get3A_1086 = arith.index_cast %mul3A_1085 : i32 to index
      %get3A_1087 = tpu.vector_load %arg8[%get3A_1086] {strides = array<i32>} : memref<20000xf32, #tpu.memory_space<vmem>>, vector<16xf32>,
      %eq3A_1088 = arith.cmpf oeq, %get3A_1087, %broadcast_in_dim3A_944 : vector<16xf32>
      %jit3A_1089 = arith.constant 16 : i32
      %broadcast_in_dim3A_1090 = vector.broadcast %jit3A_1089 : i32 to vector<16xi32>
      %select_n3A_1091 = arith.select %eq3A_1088, %iota3A, %broadcast_in_dim3A_1090 : vector<16xi1>, vector<16xi32>
      %reduce_min3A_1092 = arith.constant true
      %reduce_min3A_1093 = vector.broadcast %reduce_min3A_1092 : i1 to vector<16xi1>
      %reduce_min3A_1094 = arith.constant -2147483648 : i32
      %reduce_min3A_1095 = vector.broadcast %reduce_min3A_1094 : i32 to vector<16xi32>
      %reduce_min3A_1096 = arith.xori %select_n3A_1091, %reduce_min3A_1095 : vector<16xi32>
      %reduce_min3A_1097 = tpu.scan <min>, %reduce_min3A_1096 masked %reduce_min3A_1093 : vector<16xi32>, vector<16xi1> -> vector<16xi32>
      %reduce_min3A_1098 = arith.xori %reduce_min3A_1097, %reduce_min3A_1095 : vector<16xi32>
      %reduce_min3A_1099 = vector.extract %reduce_min3A_1098[15] : i32 from vector<16xi32>
      %mul3A_1100 = arith.constant 16 : i32
      %mul3A_1101 = arith.muli %add3A_1083, %mul3A_1100 : i32
      %add3A_1102 = arith.addi %mul3A_1101, %reduce_min3A_1099 : i32
      %eq3A_1103 = vector.broadcast %reduce_min3A_1099 : i32 to vector<16xi32>
      %eq3A_1104 = arith.cmpi eq, %iota3A, %eq3A_1103 : vector<16xi32>
      %select_n3A_1105 = arith.select %eq3A_1104, %broadcast_in_dim3A_14, %get3A_1087 : vector<16xi1>, vector<16xf32>
      %reduce_max3A_1106 = arith.constant true
      %reduce_max3A_1107 = vector.broadcast %reduce_max3A_1106 : i1 to vector<16xi1>
      %reduce_max3A_1108 = tpu.scan <max>, %select_n3A_1105 masked %reduce_max3A_1107 : vector<16xf32>, vector<16xi1> -> vector<16xf32>
      %reduce_max3A_1109 = vector.extract %reduce_max3A_1108[15] : f32 from vector<16xf32>
      %eq3A_1110 = vector.broadcast %reduce_min3A_1080 : i32 to vector<16xi32>
      %eq3A_1111 = arith.cmpi eq, %iota3A, %eq3A_1110 : vector<16xi32>
      %broadcast_in_dim3A_1112 = vector.broadcast %reduce_max3A_1109 : f32 to vector<16xf32>
      %select_n3A_1113 = arith.select %eq3A_1111, %broadcast_in_dim3A_1112, %get3A_1068 : vector<16xi1>, vector<16xf32>
      %reduce_max3A_1114 = arith.constant true
      %reduce_max3A_1115 = vector.broadcast %reduce_max3A_1114 : i1 to vector<16xi1>
      %reduce_max3A_1116 = tpu.scan <max>, %select_n3A_1113 masked %reduce_max3A_1115 : vector<16xf32>, vector<16xi1> -> vector<16xf32>
      %reduce_max3A_1117 = vector.extract %reduce_max3A_1116[15] : f32 from vector<16xf32>
      %gt3A = arith.constant 5.000000e-01 : f32
      %gt3A_1118 = arith.cmpf ogt, %reduce_max3A_943, %gt3A : f32
      %convert_element_type3A_1119 = arith.extui %gt3A_1118 : i1 to i32
      %cond3A_1120 = arith.constant 0 : i32
      %cond3A_1121 = arith.cmpi ne, %convert_element_type3A_1119, %cond3A_1120 : i32
      scf.if %cond3A_1121 {
        %mul3A_1137 = arith.constant 16 : i32
        %mul3A_1138 = arith.muli %add3A_1083, %mul3A_1137 : i32
        %swap3A_1139 = arith.index_cast %mul3A_1138 : i32 to index
        %swap3A_1140 = tpu.vector_load %arg8[%swap3A_1139] {strides = array<i32>} : memref<20000xf32, #tpu.memory_space<vmem>>, vector<16xf32>,
        tpu.vector_store %arg8[%swap3A_1139], %select_n3A_1105 {strides = array<i32>} : memref<20000xf32, #tpu.memory_space<vmem>>, vector<16xf32>,
        %jit3A_1141 = arith.constant 16 : i32
        %div3A = arith.divsi %add3A_1083, %jit3A_1141 : i32
        %sign3A = arith.constant 0 : i32
        %sign3A_1142 = arith.cmpi sgt, %add3A_1083, %sign3A : i32
        %sign3A_1143 = arith.extui %sign3A_1142 : i1 to i32
        %sign3A_1144 = arith.constant 0 : i32
        %sign3A_1145 = arith.cmpi slt, %add3A_1083, %sign3A_1144 : i32
        %sign3A_1146 = arith.extui %sign3A_1145 : i1 to i32
        %sign3A_1147 = arith.subi %sign3A_1143, %sign3A_1146 : i32
        %sign3A_1148 = arith.constant 0 : i32
        %sign3A_1149 = arith.cmpi sgt, %jit3A_1141, %sign3A_1148 : i32
        %sign3A_1150 = arith.extui %sign3A_1149 : i1 to i32
        %sign3A_1151 = arith.constant 0 : i32
        %sign3A_1152 = arith.cmpi slt, %jit3A_1141, %sign3A_1151 : i32
        %sign3A_1153 = arith.extui %sign3A_1152 : i1 to i32
        %sign3A_1154 = arith.subi %sign3A_1150, %sign3A_1153 : i32
        %ne3A = arith.cmpi ne, %sign3A_1147, %sign3A_1154 : i32
        %rem3A = arith.remsi %add3A_1083, %jit3A_1141 : i32
        %ne3A_1155 = arith.constant 0 : i32
        %ne3A_1156 = arith.cmpi ne, %rem3A, %ne3A_1155 : i32
        %and3A_1157 = arith.andi %ne3A, %ne3A_1156 : i1
        %sub3A = arith.constant 1 : i32
        %sub3A_1158 = arith.subi %div3A, %sub3A : i32
        %select_n3A_1159 = arith.select %and3A_1157, %sub3A_1158, %div3A : i32
        %mul3A_1160 = arith.constant 16 : i32
        %mul3A_1161 = arith.muli %select_n3A_1159, %mul3A_1160 : i32
        %sub3A_1162 = arith.subi %add3A_1083, %mul3A_1161 : i32
        %get3A_1163 = arith.index_cast %mul3A_1161 : i32 to index
        %get3A_1164 = tpu.vector_load %arg9[%get3A_1163] {strides = array<i32>} : memref<1280xf32, #tpu.memory_space<vmem>>, vector<16xf32>,
        %eq3A_1165 = vector.broadcast %sub3A_1162 : i32 to vector<16xi32>
        %eq3A_1166 = arith.cmpi eq, %iota3A, %eq3A_1165 : vector<16xi32>
        %broadcast_in_dim3A_1167 = vector.broadcast %reduce_max3A_1109 : f32 to vector<16xf32>
        %select_n3A_1168 = arith.select %eq3A_1166, %broadcast_in_dim3A_1167, %get3A_1164 : vector<16xi1>, vector<16xf32>
        %swap3A_1169 = arith.index_cast %mul3A_1161 : i32 to index
        %swap3A_1170 = tpu.vector_load %arg9[%swap3A_1169] {strides = array<i32>} : memref<1280xf32, #tpu.memory_space<vmem>>, vector<16xf32>,
        tpu.vector_store %arg9[%swap3A_1169], %select_n3A_1168 {strides = array<i32>} : memref<1280xf32, #tpu.memory_space<vmem>>, vector<16xf32>,
        %jit3A_1171 = arith.constant 16 : i32
        %div3A_1172 = arith.divsi %select_n3A_1062, %jit3A_1171 : i32
        %sign3A_1173 = arith.constant 0 : i32
        %sign3A_1174 = arith.cmpi sgt, %select_n3A_1062, %sign3A_1173 : i32
        %sign3A_1175 = arith.extui %sign3A_1174 : i1 to i32
        %sign3A_1176 = arith.constant 0 : i32
        %sign3A_1177 = arith.cmpi slt, %select_n3A_1062, %sign3A_1176 : i32
        %sign3A_1178 = arith.extui %sign3A_1177 : i1 to i32
        %sign3A_1179 = arith.subi %sign3A_1175, %sign3A_1178 : i32
        %sign3A_1180 = arith.constant 0 : i32
        %sign3A_1181 = arith.cmpi sgt, %jit3A_1171, %sign3A_1180 : i32
        %sign3A_1182 = arith.extui %sign3A_1181 : i1 to i32
        %sign3A_1183 = arith.constant 0 : i32
        %sign3A_1184 = arith.cmpi slt, %jit3A_1171, %sign3A_1183 : i32
        %sign3A_1185 = arith.extui %sign3A_1184 : i1 to i32
        %sign3A_1186 = arith.subi %sign3A_1182, %sign3A_1185 : i32
        %ne3A_1187 = arith.cmpi ne, %sign3A_1179, %sign3A_1186 : i32
        %rem3A_1188 = arith.remsi %select_n3A_1062, %jit3A_1171 : i32
        %ne3A_1189 = arith.constant 0 : i32
        %ne3A_1190 = arith.cmpi ne, %rem3A_1188, %ne3A_1189 : i32
        %and3A_1191 = arith.andi %ne3A_1187, %ne3A_1190 : i1
        %sub3A_1192 = arith.constant 1 : i32
        %sub3A_1193 = arith.subi %div3A_1172, %sub3A_1192 : i32
        %select_n3A_1194 = arith.select %and3A_1191, %sub3A_1193, %div3A_1172 : i32
        %mul3A_1195 = arith.constant 16 : i32
        %mul3A_1196 = arith.muli %select_n3A_1194, %mul3A_1195 : i32
        %sub3A_1197 = arith.subi %select_n3A_1062, %mul3A_1196 : i32
        %get3A_1198 = arith.index_cast %mul3A_1196 : i32 to index
        %get3A_1199 = tpu.vector_load %arg10[%get3A_1198] {strides = array<i32>} : memref<80xf32, #tpu.memory_space<vmem>>, vector<16xf32>,
        %eq3A_1200 = vector.broadcast %sub3A_1197 : i32 to vector<16xi32>
        %eq3A_1201 = arith.cmpi eq, %iota3A, %eq3A_1200 : vector<16xi32>
        %broadcast_in_dim3A_1202 = vector.broadcast %reduce_max3A_1117 : f32 to vector<16xf32>
        %select_n3A_1203 = arith.select %eq3A_1201, %broadcast_in_dim3A_1202, %get3A_1199 : vector<16xi1>, vector<16xf32>
        %swap3A_1204 = arith.index_cast %mul3A_1196 : i32 to index
        %swap3A_1205 = tpu.vector_load %arg10[%swap3A_1204] {strides = array<i32>} : memref<80xf32, #tpu.memory_space<vmem>>, vector<16xf32>,
        tpu.vector_store %arg10[%swap3A_1204], %select_n3A_1203 {strides = array<i32>} : memref<80xf32, #tpu.memory_space<vmem>>, vector<16xf32>,
      } else {
      }
      %gt3A_1122 = arith.constant 5.000000e-01 : f32
      %gt3A_1123 = arith.cmpf ogt, %reduce_max3A_943, %gt3A_1122 : f32
      %jit3A_1124 = arith.constant 0 : i32
      %jit3A_1125 = arith.constant 1 : i32
      %select_n3A_1126 = arith.select %gt3A_1123, %jit3A_1124, %jit3A_1125 : i32
      %while3A = arith.constant 0 : i32
      %while3A_1127:4 = scf.while (%while3A_1137 = %while3A, %while3A_1138 = %select_n3A_1126, %while3A_1139 = %reduce_max3A_943, %while3A_1140 = %add3A_1102) : (i32, i32, f32, i32) -> (i32, i32, f32, i32) {
        %eq3A_1141 = arith.constant 0 : i32
        %eq3A_1142 = arith.cmpi eq, %while3A_1138, %eq3A_1141 : i32
        scf.condition(%eq3A_1142) %while3A_1137, %while3A_1138, %while3A_1139, %while3A_1140 : i32, i32, f32, i32
      } do {
      ^bb0(%while3A_1137: i32, %while3A_1138: i32, %while3A_1139: f32, %while3A_1140: i32):
        %gt3A_1141 = arith.constant 5.000000e-01 : f32
        %gt3A_1142 = arith.cmpf ogt, %while3A_1139, %gt3A_1141 : f32
        %broadcast_in_dim3A_1143 = vector.broadcast %while3A_1140 : i32 to vector<16xi32>
        %broadcast_in_dim3A_1144 = arith.constant 0 : i32
        %broadcast_in_dim3A_1145 = vector.broadcast %broadcast_in_dim3A_1144 : i32 to vector<16xi32>
        %gather3A = tpu.vector_load_idx %arg7[%broadcast_in_dim3A_1145, %broadcast_in_dim3A_1143] : memref<4x20000xf32, #tpu.memory_space<vmem>>[vector<16xi32>, vector<16xi32>], vector<16xf32>,
        %add3A_1146 = arith.constant 1 : i32
        %add3A_1147 = vector.broadcast %add3A_1146 : i32 to vector<16xi32>
        %add3A_1148 = arith.addi %broadcast_in_dim3A_1145, %add3A_1147 : vector<16xi32>
        %gather3A_1149 = tpu.vector_load_idx %arg7[%add3A_1148, %broadcast_in_dim3A_1143] : memref<4x20000xf32, #tpu.memory_space<vmem>>[vector<16xi32>, vector<16xi32>], vector<16xf32>,
        %add3A_1150 = arith.constant 2 : i32
        %add3A_1151 = vector.broadcast %add3A_1150 : i32 to vector<16xi32>
        %add3A_1152 = arith.addi %broadcast_in_dim3A_1145, %add3A_1151 : vector<16xi32>
        %gather3A_1153 = tpu.vector_load_idx %arg7[%add3A_1152, %broadcast_in_dim3A_1143] : memref<4x20000xf32, #tpu.memory_space<vmem>>[vector<16xi32>, vector<16xi32>], vector<16xf32>,
        %add3A_1154 = arith.constant 3 : i32
        %add3A_1155 = vector.broadcast %add3A_1154 : i32 to vector<16xi32>
        %add3A_1156 = arith.addi %broadcast_in_dim3A_1145, %add3A_1155 : vector<16xi32>
        %gather3A_1157 = tpu.vector_load_idx %arg7[%add3A_1156, %broadcast_in_dim3A_1143] : memref<4x20000xf32, #tpu.memory_space<vmem>>[vector<16xi32>, vector<16xi32>], vector<16xf32>,
        %mul3A_1158 = arith.constant 5.000000e-01 : f32
        %mul3A_1159 = vector.broadcast %mul3A_1158 : f32 to vector<16xf32>
        %mul3A_1160 = arith.mulf %mul3A_1159, %gather3A_1153 : vector<16xf32>
        %sub3A = arith.subf %gather3A, %mul3A_1160 : vector<16xf32>
        %mul3A_1161 = arith.constant 5.000000e-01 : f32
        %mul3A_1162 = vector.broadcast %mul3A_1161 : f32 to vector<16xf32>
        %mul3A_1163 = arith.mulf %mul3A_1162, %gather3A_1157 : vector<16xf32>
        %sub3A_1164 = arith.subf %gather3A_1149, %mul3A_1163 : vector<16xf32>
        %mul3A_1165 = arith.constant 5.000000e-01 : f32
        %mul3A_1166 = vector.broadcast %mul3A_1165 : f32 to vector<16xf32>
        %mul3A_1167 = arith.mulf %mul3A_1166, %gather3A_1153 : vector<16xf32>
        %add3A_1168 = arith.addf %gather3A, %mul3A_1167 : vector<16xf32>
        %mul3A_1169 = arith.constant 5.000000e-01 : f32
        %mul3A_1170 = vector.broadcast %mul3A_1169 : f32 to vector<16xf32>
        %mul3A_1171 = arith.mulf %mul3A_1170, %gather3A_1157 : vector<16xf32>
        %add3A_1172 = arith.addf %gather3A_1149, %mul3A_1171 : vector<16xf32>
        %sub3A_1173 = arith.subf %add3A_1168, %sub3A : vector<16xf32>
        %sub3A_1174 = arith.subf %add3A_1172, %sub3A_1164 : vector<16xf32>
        %mul3A_1175 = arith.mulf %sub3A_1173, %sub3A_1174 : vector<16xf32>
        %add3A_1176 = arith.constant 16 : i32
        %add3A_1177 = arith.addi %while3A_1137, %add3A_1176 : i32
        %sub3A_1178 = arith.constant 1 : i32
        %sub3A_1179 = arith.subi %add3A_1177, %sub3A_1178 : i32
        %jit3A_1180 = arith.constant 16 : i32
        %div3A = arith.divsi %sub3A_1179, %jit3A_1180 : i32
        %sign3A = arith.constant 0 : i32
        %sign3A_1181 = arith.cmpi sgt, %sub3A_1179, %sign3A : i32
        %sign3A_1182 = arith.extui %sign3A_1181 : i1 to i32
        %sign3A_1183 = arith.constant 0 : i32
        %sign3A_1184 = arith.cmpi slt, %sub3A_1179, %sign3A_1183 : i32
        %sign3A_1185 = arith.extui %sign3A_1184 : i1 to i32
        %sign3A_1186 = arith.subi %sign3A_1182, %sign3A_1185 : i32
        %sign3A_1187 = arith.constant 0 : i32
        %sign3A_1188 = arith.cmpi sgt, %jit3A_1180, %sign3A_1187 : i32
        %sign3A_1189 = arith.extui %sign3A_1188 : i1 to i32
        %sign3A_1190 = arith.constant 0 : i32
        %sign3A_1191 = arith.cmpi slt, %jit3A_1180, %sign3A_1190 : i32
        %sign3A_1192 = arith.extui %sign3A_1191 : i1 to i32
        %sign3A_1193 = arith.subi %sign3A_1189, %sign3A_1192 : i32
        %ne3A = arith.cmpi ne, %sign3A_1186, %sign3A_1193 : i32
        %rem3A = arith.remsi %sub3A_1179, %jit3A_1180 : i32
        %ne3A_1194 = arith.constant 0 : i32
        %ne3A_1195 = arith.cmpi ne, %rem3A, %ne3A_1194 : i32
        %and3A_1196 = arith.andi %ne3A, %ne3A_1195 : i1
        %sub3A_1197 = arith.constant 1 : i32
        %sub3A_1198 = arith.subi %div3A, %sub3A_1197 : i32
        %select_n3A_1199 = arith.select %and3A_1196, %sub3A_1198, %div3A : i32
        %while3A_1200 = arith.constant 0 : i32
        %while3A_1201 = arith.subi %select_n3A_1199, %while3A_1200 : i32
        %while3A_1202 = arith.addi %while3A_1200, %while3A_1201 : i32
        %while3A_1203 = arith.constant 1 : i32
        %while3A_1204 = arith.divsi %while3A_1201, %while3A_1203 : i32
        %while3A_1205 = arith.muli %while3A_1204, %while3A_1203 : i32
        %while3A_1206 = arith.addi %while3A_1200, %while3A_1205 : i32
        %while3A_1207 = arith.constant 1 : i32
        %while3A_1208 = scf.for %while3A_1431 = %while3A_1200 to %while3A_1206 step %while3A_1207 iter_args(%while3A_1432 = %broadcast_in_dim3A_10) -> (vector<16xf32>)  : i32 {
          %mul3A_1433 = arith.constant 16 : i32
          %mul3A_1434 = arith.muli %while3A_1431, %mul3A_1433 : i32
          %get3A_1435 = arith.index_cast %mul3A_1434 : i32 to index
          %get3A_1436 = tpu.vector_load %arg11[%get3A_1435] {strides = array<i32>} : memref<112xf32, #tpu.memory_space<vmem>>, vector<16xf32>,
          %max3A_1437 = arith.maximumf %sub3A, %get3A_1436 : vector<16xf32>
          %mul3A_1438 = arith.constant 16 : i32
          %mul3A_1439 = arith.muli %while3A_1431, %mul3A_1438 : i32
          %get3A_1440 = arith.index_cast %mul3A_1439 : i32 to index
          %get3A_1441 = tpu.vector_load %arg12[%get3A_1440] {strides = array<i32>} : memref<112xf32, #tpu.memory_space<vmem>>, vector<16xf32>,
          %max3A_1442 = arith.maximumf %sub3A_1164, %get3A_1441 : vector<16xf32>
          %mul3A_1443 = arith.constant 16 : i32
          %mul3A_1444 = arith.muli %while3A_1431, %mul3A_1443 : i32
          %get3A_1445 = arith.index_cast %mul3A_1444 : i32 to index
          %get3A_1446 = tpu.vector_load %arg13[%get3A_1445] {strides = array<i32>} : memref<112xf32, #tpu.memory_space<vmem>>, vector<16xf32>,
          %min3A = arith.minimumf %add3A_1168, %get3A_1446 : vector<16xf32>
          %mul3A_1447 = arith.constant 16 : i32
          %mul3A_1448 = arith.muli %while3A_1431, %mul3A_1447 : i32
          %get3A_1449 = arith.index_cast %mul3A_1448 : i32 to index
          %get3A_1450 = tpu.vector_load %arg14[%get3A_1449] {strides = array<i32>} : memref<112xf32, #tpu.memory_space<vmem>>, vector<16xf32>,
          %min3A_1451 = arith.minimumf %add3A_1172, %get3A_1450 : vector<16xf32>
          %sub3A_1452 = arith.subf %min3A, %max3A_1437 : vector<16xf32>
          %max3A_1453 = arith.constant 0.000000e+00 : f32
          %max3A_1454 = vector.broadcast %max3A_1453 : f32 to vector<16xf32>
          %max3A_1455 = arith.maximumf %sub3A_1452, %max3A_1454 : vector<16xf32>
          %sub3A_1456 = arith.subf %min3A_1451, %max3A_1442 : vector<16xf32>
          %max3A_1457 = arith.constant 0.000000e+00 : f32
          %max3A_1458 = vector.broadcast %max3A_1457 : f32 to vector<16xf32>
          %max3A_1459 = arith.maximumf %sub3A_1456, %max3A_1458 : vector<16xf32>
          %mul3A_1460 = arith.mulf %max3A_1455, %max3A_1459 : vector<16xf32>
          %mul3A_1461 = arith.constant 16 : i32
          %mul3A_1462 = arith.muli %while3A_1431, %mul3A_1461 : i32
          %get3A_1463 = arith.index_cast %mul3A_1462 : i32 to index
          %get3A_1464 = tpu.vector_load %arg15[%get3A_1463] {strides = array<i32>} : memref<112xf32, #tpu.memory_space<vmem>>, vector<16xf32>,
          %add3A_1465 = arith.addf %mul3A_1175, %get3A_1464 : vector<16xf32>
          %sub3A_1466 = arith.subf %add3A_1465, %mul3A_1460 : vector<16xf32>
          %max3A_1467 = arith.constant 9.99999971E-10 : f32
          %max3A_1468 = vector.broadcast %max3A_1467 : f32 to vector<16xf32>
          %max3A_1469 = arith.maximumf %sub3A_1466, %max3A_1468 : vector<16xf32>
          %div3A_1470 = arith.divf %mul3A_1460, %max3A_1469 : vector<16xf32>
          %gt3A_1471 = arith.constant 0.699999988 : f32
          %gt3A_1472 = vector.broadcast %gt3A_1471 : f32 to vector<16xf32>
          %gt3A_1473 = arith.cmpf ogt, %div3A_1470, %gt3A_1472 : vector<16xf32>
          %jit3A_1474 = arith.constant 1.000000e+00 : f32
          %jit3A_1475 = arith.constant 0.000000e+00 : f32
          %broadcast_in_dim3A_1476 = vector.broadcast %jit3A_1474 : f32 to vector<16xf32>
          %broadcast_in_dim3A_1477 = vector.broadcast %jit3A_1475 : f32 to vector<16xf32>
          %select_n3A_1478 = arith.select %gt3A_1473, %broadcast_in_dim3A_1476, %broadcast_in_dim3A_1477 : vector<16xi1>, vector<16xf32>
          %max3A_1479 = arith.maximumf %while3A_1432, %select_n3A_1478 : vector<16xf32>
          scf.yield %max3A_1479 : vector<16xf32>
        }
        %while3A_1209 = arith.constant 1 : i32
        %while3A_1210 = scf.for %while3A_1431 = %while3A_1206 to %while3A_1202 step %while3A_1209 iter_args(%while3A_1432 = %while3A_1208) -> (vector<16xf32>)  : i32 {
          %mul3A_1433 = arith.constant 16 : i32
          %mul3A_1434 = arith.muli %while3A_1431, %mul3A_1433 : i32
          %get3A_1435 = arith.index_cast %mul3A_1434 : i32 to index
          %get3A_1436 = tpu.vector_load %arg11[%get3A_1435] {strides = array<i32>} : memref<112xf32, #tpu.memory_space<vmem>>, vector<16xf32>,
          %max3A_1437 = arith.maximumf %sub3A, %get3A_1436 : vector<16xf32>
          %mul3A_1438 = arith.constant 16 : i32
          %mul3A_1439 = arith.muli %while3A_1431, %mul3A_1438 : i32
          %get3A_1440 = arith.index_cast %mul3A_1439 : i32 to index
          %get3A_1441 = tpu.vector_load %arg12[%get3A_1440] {strides = array<i32>} : memref<112xf32, #tpu.memory_space<vmem>>, vector<16xf32>,
          %max3A_1442 = arith.maximumf %sub3A_1164, %get3A_1441 : vector<16xf32>
          %mul3A_1443 = arith.constant 16 : i32
          %mul3A_1444 = arith.muli %while3A_1431, %mul3A_1443 : i32
          %get3A_1445 = arith.index_cast %mul3A_1444 : i32 to index
          %get3A_1446 = tpu.vector_load %arg13[%get3A_1445] {strides = array<i32>} : memref<112xf32, #tpu.memory_space<vmem>>, vector<16xf32>,
          %min3A = arith.minimumf %add3A_1168, %get3A_1446 : vector<16xf32>
          %mul3A_1447 = arith.constant 16 : i32
          %mul3A_1448 = arith.muli %while3A_1431, %mul3A_1447 : i32
          %get3A_1449 = arith.index_cast %mul3A_1448 : i32 to index
          %get3A_1450 = tpu.vector_load %arg14[%get3A_1449] {strides = array<i32>} : memref<112xf32, #tpu.memory_space<vmem>>, vector<16xf32>,
          %min3A_1451 = arith.minimumf %add3A_1172, %get3A_1450 : vector<16xf32>
          %sub3A_1452 = arith.subf %min3A, %max3A_1437 : vector<16xf32>
          %max3A_1453 = arith.constant 0.000000e+00 : f32
          %max3A_1454 = vector.broadcast %max3A_1453 : f32 to vector<16xf32>
          %max3A_1455 = arith.maximumf %sub3A_1452, %max3A_1454 : vector<16xf32>
          %sub3A_1456 = arith.subf %min3A_1451, %max3A_1442 : vector<16xf32>
          %max3A_1457 = arith.constant 0.000000e+00 : f32
          %max3A_1458 = vector.broadcast %max3A_1457 : f32 to vector<16xf32>
          %max3A_1459 = arith.maximumf %sub3A_1456, %max3A_1458 : vector<16xf32>
          %mul3A_1460 = arith.mulf %max3A_1455, %max3A_1459 : vector<16xf32>
          %mul3A_1461 = arith.constant 16 : i32
          %mul3A_1462 = arith.muli %while3A_1431, %mul3A_1461 : i32
          %get3A_1463 = arith.index_cast %mul3A_1462 : i32 to index
          %get3A_1464 = tpu.vector_load %arg15[%get3A_1463] {strides = array<i32>} : memref<112xf32, #tpu.memory_space<vmem>>, vector<16xf32>,
          %add3A_1465 = arith.addf %mul3A_1175, %get3A_1464 : vector<16xf32>
          %sub3A_1466 = arith.subf %add3A_1465, %mul3A_1460 : vector<16xf32>
          %max3A_1467 = arith.constant 9.99999971E-10 : f32
          %max3A_1468 = vector.broadcast %max3A_1467 : f32 to vector<16xf32>
          %max3A_1469 = arith.maximumf %sub3A_1466, %max3A_1468 : vector<16xf32>
          %div3A_1470 = arith.divf %mul3A_1460, %max3A_1469 : vector<16xf32>
          %gt3A_1471 = arith.constant 0.699999988 : f32
          %gt3A_1472 = vector.broadcast %gt3A_1471 : f32 to vector<16xf32>
          %gt3A_1473 = arith.cmpf ogt, %div3A_1470, %gt3A_1472 : vector<16xf32>
          %jit3A_1474 = arith.constant 1.000000e+00 : f32
          %jit3A_1475 = arith.constant 0.000000e+00 : f32
          %broadcast_in_dim3A_1476 = vector.broadcast %jit3A_1474 : f32 to vector<16xf32>
          %broadcast_in_dim3A_1477 = vector.broadcast %jit3A_1475 : f32 to vector<16xf32>
          %select_n3A_1478 = arith.select %gt3A_1473, %broadcast_in_dim3A_1476, %broadcast_in_dim3A_1477 : vector<16xi1>, vector<16xf32>
          %max3A_1479 = arith.maximumf %while3A_1432, %select_n3A_1478 : vector<16xf32>
          scf.yield %max3A_1479 : vector<16xf32>
        }
        %reduce_max3A_1211 = arith.constant true
        %reduce_max3A_1212 = vector.broadcast %reduce_max3A_1211 : i1 to vector<16xi1>
        %reduce_max3A_1213 = tpu.scan <max>, %while3A_1210 masked %reduce_max3A_1212 : vector<16xf32>, vector<16xi1> -> vector<16xf32>
        %reduce_max3A_1214 = vector.extract %reduce_max3A_1213[15] : f32 from vector<16xf32>
        %gt3A_1215 = arith.constant 0.000000e+00 : f32
        %gt3A_1216 = arith.cmpf ogt, %reduce_max3A_1214, %gt3A_1215 : f32
        %not3A = arith.constant true
        %not3A_1217 = arith.xori %gt3A_1216, %not3A : i1
        %and3A_1218 = arith.andi %gt3A_1142, %not3A_1217 : i1
        %get3A_1219 = arith.constant 0 : index
        %get3A_1220 = tpu.vector_load %arg10[%get3A_1219] {strides = array<i32>} : memref<80xf32, #tpu.memory_space<vmem>>, vector<16xf32>,
        %get3A_1221 = arith.constant 16 : index
        %get3A_1222 = tpu.vector_load %arg10[%get3A_1221] {strides = array<i32>} : memref<80xf32, #tpu.memory_space<vmem>>, vector<16xf32>,
        %max3A_1223 = arith.maximumf %get3A_1220, %get3A_1222 : vector<16xf32>
        %get3A_1224 = arith.constant 32 : index
        %get3A_1225 = tpu.vector_load %arg10[%get3A_1224] {strides = array<i32>} : memref<80xf32, #tpu.memory_space<vmem>>, vector<16xf32>,
        %max3A_1226 = arith.maximumf %max3A_1223, %get3A_1225 : vector<16xf32>
        %get3A_1227 = arith.constant 48 : index
        %get3A_1228 = tpu.vector_load %arg10[%get3A_1227] {strides = array<i32>} : memref<80xf32, #tpu.memory_space<vmem>>, vector<16xf32>,
        %max3A_1229 = arith.maximumf %max3A_1226, %get3A_1228 : vector<16xf32>
        %get3A_1230 = arith.constant 64 : index
        %get3A_1231 = tpu.vector_load %arg10[%get3A_1230] {strides = array<i32>} : memref<80xf32, #tpu.memory_space<vmem>>, vector<16xf32>,
        %max3A_1232 = arith.maximumf %max3A_1229, %get3A_1231 : vector<16xf32>
        %reduce_max3A_1233 = arith.constant true
        %reduce_max3A_1234 = vector.broadcast %reduce_max3A_1233 : i1 to vector<16xi1>
        %reduce_max3A_1235 = tpu.scan <max>, %max3A_1232 masked %reduce_max3A_1234 : vector<16xf32>, vector<16xi1> -> vector<16xf32>
        %reduce_max3A_1236 = vector.extract %reduce_max3A_1235[15] : f32 from vector<16xf32>
        %broadcast_in_dim3A_1237 = vector.broadcast %reduce_max3A_1236 : f32 to vector<16xf32>
        %get3A_1238 = arith.constant 0 : index
        %get3A_1239 = tpu.vector_load %arg10[%get3A_1238] {strides = array<i32>} : memref<80xf32, #tpu.memory_space<vmem>>, vector<16xf32>,
        %eq3A_1240 = arith.cmpf oeq, %get3A_1239, %broadcast_in_dim3A_1237 : vector<16xf32>
        %jit3A_1241 = arith.constant 16 : i32
        %broadcast_in_dim3A_1242 = vector.broadcast %jit3A_1241 : i32 to vector<16xi32>
        %select_n3A_1243 = arith.select %eq3A_1240, %iota3A, %broadcast_in_dim3A_1242 : vector<16xi1>, vector<16xi32>
        %reduce_min3A_1244 = arith.constant true
        %reduce_min3A_1245 = vector.broadcast %reduce_min3A_1244 : i1 to vector<16xi1>
        %reduce_min3A_1246 = arith.constant -2147483648 : i32
        %reduce_min3A_1247 = vector.broadcast %reduce_min3A_1246 : i32 to vector<16xi32>
        %reduce_min3A_1248 = arith.xori %select_n3A_1243, %reduce_min3A_1247 : vector<16xi32>
        %reduce_min3A_1249 = tpu.scan <min>, %reduce_min3A_1248 masked %reduce_min3A_1245 : vector<16xi32>, vector<16xi1> -> vector<16xi32>
        %reduce_min3A_1250 = arith.xori %reduce_min3A_1249, %reduce_min3A_1247 : vector<16xi32>
        %reduce_min3A_1251 = vector.extract %reduce_min3A_1250[15] : i32 from vector<16xi32>
        %lt3A_1252 = arith.constant 16 : i32
        %lt3A_1253 = arith.cmpi slt, %reduce_min3A_1251, %lt3A_1252 : i32
        %eq3A_1254 = arith.constant 0 : i32
        %eq3A_1255 = arith.constant 0 : i32
        %eq3A_1256 = arith.cmpi eq, %eq3A_1254, %eq3A_1255 : i32
        %and3A_1257 = arith.andi %lt3A_1253, %eq3A_1256 : i1
        %add3A_1258 = arith.constant 0 : i32
        %add3A_1259 = arith.addi %add3A_1258, %reduce_min3A_1251 : i32
        %jit3A_1260 = arith.constant 0 : i32
        %select_n3A_1261 = arith.select %and3A_1257, %add3A_1259, %jit3A_1260 : i32
        %jit3A_1262 = arith.constant 1 : i32
        %jit3A_1263 = arith.constant 0 : i32
        %select_n3A_1264 = arith.select %lt3A_1253, %jit3A_1262, %jit3A_1263 : i32
        %get3A_1265 = arith.constant 16 : index
        %get3A_1266 = tpu.vector_load %arg10[%get3A_1265] {strides = array<i32>} : memref<80xf32, #tpu.memory_space<vmem>>, vector<16xf32>,
        %eq3A_1267 = arith.cmpf oeq, %get3A_1266, %broadcast_in_dim3A_1237 : vector<16xf32>
        %jit3A_1268 = arith.constant 16 : i32
        %broadcast_in_dim3A_1269 = vector.broadcast %jit3A_1268 : i32 to vector<16xi32>
        %select_n3A_1270 = arith.select %eq3A_1267, %iota3A, %broadcast_in_dim3A_1269 : vector<16xi1>, vector<16xi32>
        %reduce_min3A_1271 = arith.constant true
        %reduce_min3A_1272 = vector.broadcast %reduce_min3A_1271 : i1 to vector<16xi1>
        %reduce_min3A_1273 = arith.constant -2147483648 : i32
        %reduce_min3A_1274 = vector.broadcast %reduce_min3A_1273 : i32 to vector<16xi32>
        %reduce_min3A_1275 = arith.xori %select_n3A_1270, %reduce_min3A_1274 : vector<16xi32>
        %reduce_min3A_1276 = tpu.scan <min>, %reduce_min3A_1275 masked %reduce_min3A_1272 : vector<16xi32>, vector<16xi1> -> vector<16xi32>
        %reduce_min3A_1277 = arith.xori %reduce_min3A_1276, %reduce_min3A_1274 : vector<16xi32>
        %reduce_min3A_1278 = vector.extract %reduce_min3A_1277[15] : i32 from vector<16xi32>
        %lt3A_1279 = arith.constant 16 : i32
        %lt3A_1280 = arith.cmpi slt, %reduce_min3A_1278, %lt3A_1279 : i32
        %eq3A_1281 = arith.constant 0 : i32
        %eq3A_1282 = arith.cmpi eq, %select_n3A_1264, %eq3A_1281 : i32
        %and3A_1283 = arith.andi %lt3A_1280, %eq3A_1282 : i1
        %add3A_1284 = arith.constant 16 : i32
        %add3A_1285 = arith.addi %add3A_1284, %reduce_min3A_1278 : i32
        %select_n3A_1286 = arith.select %and3A_1283, %add3A_1285, %select_n3A_1261 : i32
        %jit3A_1287 = arith.constant 1 : i32
        %select_n3A_1288 = arith.select %lt3A_1280, %jit3A_1287, %select_n3A_1264 : i32
        %get3A_1289 = arith.constant 32 : index
        %get3A_1290 = tpu.vector_load %arg10[%get3A_1289] {strides = array<i32>} : memref<80xf32, #tpu.memory_space<vmem>>, vector<16xf32>,
        %eq3A_1291 = arith.cmpf oeq, %get3A_1290, %broadcast_in_dim3A_1237 : vector<16xf32>
        %jit3A_1292 = arith.constant 16 : i32
        %broadcast_in_dim3A_1293 = vector.broadcast %jit3A_1292 : i32 to vector<16xi32>
        %select_n3A_1294 = arith.select %eq3A_1291, %iota3A, %broadcast_in_dim3A_1293 : vector<16xi1>, vector<16xi32>
        %reduce_min3A_1295 = arith.constant true
        %reduce_min3A_1296 = vector.broadcast %reduce_min3A_1295 : i1 to vector<16xi1>
        %reduce_min3A_1297 = arith.constant -2147483648 : i32
        %reduce_min3A_1298 = vector.broadcast %reduce_min3A_1297 : i32 to vector<16xi32>
        %reduce_min3A_1299 = arith.xori %select_n3A_1294, %reduce_min3A_1298 : vector<16xi32>
        %reduce_min3A_1300 = tpu.scan <min>, %reduce_min3A_1299 masked %reduce_min3A_1296 : vector<16xi32>, vector<16xi1> -> vector<16xi32>
        %reduce_min3A_1301 = arith.xori %reduce_min3A_1300, %reduce_min3A_1298 : vector<16xi32>
        %reduce_min3A_1302 = vector.extract %reduce_min3A_1301[15] : i32 from vector<16xi32>
        %lt3A_1303 = arith.constant 16 : i32
        %lt3A_1304 = arith.cmpi slt, %reduce_min3A_1302, %lt3A_1303 : i32
        %eq3A_1305 = arith.constant 0 : i32
        %eq3A_1306 = arith.cmpi eq, %select_n3A_1288, %eq3A_1305 : i32
        %and3A_1307 = arith.andi %lt3A_1304, %eq3A_1306 : i1
        %add3A_1308 = arith.constant 32 : i32
        %add3A_1309 = arith.addi %add3A_1308, %reduce_min3A_1302 : i32
        %select_n3A_1310 = arith.select %and3A_1307, %add3A_1309, %select_n3A_1286 : i32
        %jit3A_1311 = arith.constant 1 : i32
        %select_n3A_1312 = arith.select %lt3A_1304, %jit3A_1311, %select_n3A_1288 : i32
        %get3A_1313 = arith.constant 48 : index
        %get3A_1314 = tpu.vector_load %arg10[%get3A_1313] {strides = array<i32>} : memref<80xf32, #tpu.memory_space<vmem>>, vector<16xf32>,
        %eq3A_1315 = arith.cmpf oeq, %get3A_1314, %broadcast_in_dim3A_1237 : vector<16xf32>
        %jit3A_1316 = arith.constant 16 : i32
        %broadcast_in_dim3A_1317 = vector.broadcast %jit3A_1316 : i32 to vector<16xi32>
        %select_n3A_1318 = arith.select %eq3A_1315, %iota3A, %broadcast_in_dim3A_1317 : vector<16xi1>, vector<16xi32>
        %reduce_min3A_1319 = arith.constant true
        %reduce_min3A_1320 = vector.broadcast %reduce_min3A_1319 : i1 to vector<16xi1>
        %reduce_min3A_1321 = arith.constant -2147483648 : i32
        %reduce_min3A_1322 = vector.broadcast %reduce_min3A_1321 : i32 to vector<16xi32>
        %reduce_min3A_1323 = arith.xori %select_n3A_1318, %reduce_min3A_1322 : vector<16xi32>
        %reduce_min3A_1324 = tpu.scan <min>, %reduce_min3A_1323 masked %reduce_min3A_1320 : vector<16xi32>, vector<16xi1> -> vector<16xi32>
        %reduce_min3A_1325 = arith.xori %reduce_min3A_1324, %reduce_min3A_1322 : vector<16xi32>
        %reduce_min3A_1326 = vector.extract %reduce_min3A_1325[15] : i32 from vector<16xi32>
        %lt3A_1327 = arith.constant 16 : i32
        %lt3A_1328 = arith.cmpi slt, %reduce_min3A_1326, %lt3A_1327 : i32
        %eq3A_1329 = arith.constant 0 : i32
        %eq3A_1330 = arith.cmpi eq, %select_n3A_1312, %eq3A_1329 : i32
        %and3A_1331 = arith.andi %lt3A_1328, %eq3A_1330 : i1
        %add3A_1332 = arith.constant 48 : i32
        %add3A_1333 = arith.addi %add3A_1332, %reduce_min3A_1326 : i32
        %select_n3A_1334 = arith.select %and3A_1331, %add3A_1333, %select_n3A_1310 : i32
        %jit3A_1335 = arith.constant 1 : i32
        %select_n3A_1336 = arith.select %lt3A_1328, %jit3A_1335, %select_n3A_1312 : i32
        %get3A_1337 = arith.constant 64 : index
        %get3A_1338 = tpu.vector_load %arg10[%get3A_1337] {strides = array<i32>} : memref<80xf32, #tpu.memory_space<vmem>>, vector<16xf32>,
        %eq3A_1339 = arith.cmpf oeq, %get3A_1338, %broadcast_in_dim3A_1237 : vector<16xf32>
        %jit3A_1340 = arith.constant 16 : i32
        %broadcast_in_dim3A_1341 = vector.broadcast %jit3A_1340 : i32 to vector<16xi32>
        %select_n3A_1342 = arith.select %eq3A_1339, %iota3A, %broadcast_in_dim3A_1341 : vector<16xi1>, vector<16xi32>
        %reduce_min3A_1343 = arith.constant true
        %reduce_min3A_1344 = vector.broadcast %reduce_min3A_1343 : i1 to vector<16xi1>
        %reduce_min3A_1345 = arith.constant -2147483648 : i32
        %reduce_min3A_1346 = vector.broadcast %reduce_min3A_1345 : i32 to vector<16xi32>
        %reduce_min3A_1347 = arith.xori %select_n3A_1342, %reduce_min3A_1346 : vector<16xi32>
        %reduce_min3A_1348 = tpu.scan <min>, %reduce_min3A_1347 masked %reduce_min3A_1344 : vector<16xi32>, vector<16xi1> -> vector<16xi32>
        %reduce_min3A_1349 = arith.xori %reduce_min3A_1348, %reduce_min3A_1346 : vector<16xi32>
        %reduce_min3A_1350 = vector.extract %reduce_min3A_1349[15] : i32 from vector<16xi32>
        %lt3A_1351 = arith.constant 16 : i32
        %lt3A_1352 = arith.cmpi slt, %reduce_min3A_1350, %lt3A_1351 : i32
        %eq3A_1353 = arith.constant 0 : i32
        %eq3A_1354 = arith.cmpi eq, %select_n3A_1336, %eq3A_1353 : i32
        %and3A_1355 = arith.andi %lt3A_1352, %eq3A_1354 : i1
        %add3A_1356 = arith.constant 64 : i32
        %add3A_1357 = arith.addi %add3A_1356, %reduce_min3A_1350 : i32
        %select_n3A_1358 = arith.select %and3A_1355, %add3A_1357, %select_n3A_1334 : i32
        %jit3A_1359 = arith.constant 1 : i32
        %select_n3A_1360 = arith.select %lt3A_1352, %jit3A_1359, %select_n3A_1336 : i32
        %mul3A_1361 = arith.constant 16 : i32
        %mul3A_1362 = arith.muli %select_n3A_1358, %mul3A_1361 : i32
        %get3A_1363 = arith.index_cast %mul3A_1362 : i32 to index
        %get3A_1364 = tpu.vector_load %arg9[%get3A_1363] {strides = array<i32>} : memref<1280xf32, #tpu.memory_space<vmem>>, vector<16xf32>,
        %eq3A_1365 = arith.cmpf oeq, %get3A_1364, %broadcast_in_dim3A_1237 : vector<16xf32>
        %jit3A_1366 = arith.constant 16 : i32
        %broadcast_in_dim3A_1367 = vector.broadcast %jit3A_1366 : i32 to vector<16xi32>
        %select_n3A_1368 = arith.select %eq3A_1365, %iota3A, %broadcast_in_dim3A_1367 : vector<16xi1>, vector<16xi32>
        %reduce_min3A_1369 = arith.constant true
        %reduce_min3A_1370 = vector.broadcast %reduce_min3A_1369 : i1 to vector<16xi1>
        %reduce_min3A_1371 = arith.constant -2147483648 : i32
        %reduce_min3A_1372 = vector.broadcast %reduce_min3A_1371 : i32 to vector<16xi32>
        %reduce_min3A_1373 = arith.xori %select_n3A_1368, %reduce_min3A_1372 : vector<16xi32>
        %reduce_min3A_1374 = tpu.scan <min>, %reduce_min3A_1373 masked %reduce_min3A_1370 : vector<16xi32>, vector<16xi1> -> vector<16xi32>
        %reduce_min3A_1375 = arith.xori %reduce_min3A_1374, %reduce_min3A_1372 : vector<16xi32>
        %reduce_min3A_1376 = vector.extract %reduce_min3A_1375[15] : i32 from vector<16xi32>
        %mul3A_1377 = arith.constant 16 : i32
        %mul3A_1378 = arith.muli %select_n3A_1358, %mul3A_1377 : i32
        %add3A_1379 = arith.addi %mul3A_1378, %reduce_min3A_1376 : i32
        %mul3A_1380 = arith.constant 16 : i32
        %mul3A_1381 = arith.muli %add3A_1379, %mul3A_1380 : i32
        %get3A_1382 = arith.index_cast %mul3A_1381 : i32 to index
        %get3A_1383 = tpu.vector_load %arg8[%get3A_1382] {strides = array<i32>} : memref<20000xf32, #tpu.memory_space<vmem>>, vector<16xf32>,
        %eq3A_1384 = arith.cmpf oeq, %get3A_1383, %broadcast_in_dim3A_1237 : vector<16xf32>
        %jit3A_1385 = arith.constant 16 : i32
        %broadcast_in_dim3A_1386 = vector.broadcast %jit3A_1385 : i32 to vector<16xi32>
        %select_n3A_1387 = arith.select %eq3A_1384, %iota3A, %broadcast_in_dim3A_1386 : vector<16xi1>, vector<16xi32>
        %reduce_min3A_1388 = arith.constant true
        %reduce_min3A_1389 = vector.broadcast %reduce_min3A_1388 : i1 to vector<16xi1>
        %reduce_min3A_1390 = arith.constant -2147483648 : i32
        %reduce_min3A_1391 = vector.broadcast %reduce_min3A_1390 : i32 to vector<16xi32>
        %reduce_min3A_1392 = arith.xori %select_n3A_1387, %reduce_min3A_1391 : vector<16xi32>
        %reduce_min3A_1393 = tpu.scan <min>, %reduce_min3A_1392 masked %reduce_min3A_1389 : vector<16xi32>, vector<16xi1> -> vector<16xi32>
        %reduce_min3A_1394 = arith.xori %reduce_min3A_1393, %reduce_min3A_1391 : vector<16xi32>
        %reduce_min3A_1395 = vector.extract %reduce_min3A_1394[15] : i32 from vector<16xi32>
        %mul3A_1396 = arith.constant 16 : i32
        %mul3A_1397 = arith.muli %add3A_1379, %mul3A_1396 : i32
        %add3A_1398 = arith.addi %mul3A_1397, %reduce_min3A_1395 : i32
        %eq3A_1399 = vector.broadcast %reduce_min3A_1395 : i32 to vector<16xi32>
        %eq3A_1400 = arith.cmpi eq, %iota3A, %eq3A_1399 : vector<16xi32>
        %select_n3A_1401 = arith.select %eq3A_1400, %broadcast_in_dim3A_14, %get3A_1383 : vector<16xi1>, vector<16xf32>
        %reduce_max3A_1402 = arith.constant true
        %reduce_max3A_1403 = vector.broadcast %reduce_max3A_1402 : i1 to vector<16xi1>
        %reduce_max3A_1404 = tpu.scan <max>, %select_n3A_1401 masked %reduce_max3A_1403 : vector<16xf32>, vector<16xi1> -> vector<16xf32>
        %reduce_max3A_1405 = vector.extract %reduce_max3A_1404[15] : f32 from vector<16xf32>
        %eq3A_1406 = vector.broadcast %reduce_min3A_1376 : i32 to vector<16xi32>
        %eq3A_1407 = arith.cmpi eq, %iota3A, %eq3A_1406 : vector<16xi32>
        %broadcast_in_dim3A_1408 = vector.broadcast %reduce_max3A_1405 : f32 to vector<16xf32>
        %select_n3A_1409 = arith.select %eq3A_1407, %broadcast_in_dim3A_1408, %get3A_1364 : vector<16xi1>, vector<16xf32>
        %reduce_max3A_1410 = arith.constant true
        %reduce_max3A_1411 = vector.broadcast %reduce_max3A_1410 : i1 to vector<16xi1>
        %reduce_max3A_1412 = tpu.scan <max>, %select_n3A_1409 masked %reduce_max3A_1411 : vector<16xf32>, vector<16xi1> -> vector<16xf32>
        %reduce_max3A_1413 = vector.extract %reduce_max3A_1412[15] : f32 from vector<16xf32>
        %gt3A_1414 = arith.constant 5.000000e-01 : f32
        %gt3A_1415 = arith.cmpf ogt, %reduce_max3A_1236, %gt3A_1414 : f32
        %convert_element_type3A_1416 = arith.extui %gt3A_1415 : i1 to i32
        %cond3A_1417 = arith.constant 0 : i32
        %cond3A_1418 = arith.cmpi ne, %convert_element_type3A_1416, %cond3A_1417 : i32
        scf.if %cond3A_1418 {
          %mul3A_1431 = arith.constant 16 : i32
          %mul3A_1432 = arith.muli %add3A_1379, %mul3A_1431 : i32
          %swap3A_1433 = arith.index_cast %mul3A_1432 : i32 to index
          %swap3A_1434 = tpu.vector_load %arg8[%swap3A_1433] {strides = array<i32>} : memref<20000xf32, #tpu.memory_space<vmem>>, vector<16xf32>,
          tpu.vector_store %arg8[%swap3A_1433], %select_n3A_1401 {strides = array<i32>} : memref<20000xf32, #tpu.memory_space<vmem>>, vector<16xf32>,
          %jit3A_1435 = arith.constant 16 : i32
          %div3A_1436 = arith.divsi %add3A_1379, %jit3A_1435 : i32
          %sign3A_1437 = arith.constant 0 : i32
          %sign3A_1438 = arith.cmpi sgt, %add3A_1379, %sign3A_1437 : i32
          %sign3A_1439 = arith.extui %sign3A_1438 : i1 to i32
          %sign3A_1440 = arith.constant 0 : i32
          %sign3A_1441 = arith.cmpi slt, %add3A_1379, %sign3A_1440 : i32
          %sign3A_1442 = arith.extui %sign3A_1441 : i1 to i32
          %sign3A_1443 = arith.subi %sign3A_1439, %sign3A_1442 : i32
          %sign3A_1444 = arith.constant 0 : i32
          %sign3A_1445 = arith.cmpi sgt, %jit3A_1435, %sign3A_1444 : i32
          %sign3A_1446 = arith.extui %sign3A_1445 : i1 to i32
          %sign3A_1447 = arith.constant 0 : i32
          %sign3A_1448 = arith.cmpi slt, %jit3A_1435, %sign3A_1447 : i32
          %sign3A_1449 = arith.extui %sign3A_1448 : i1 to i32
          %sign3A_1450 = arith.subi %sign3A_1446, %sign3A_1449 : i32
          %ne3A_1451 = arith.cmpi ne, %sign3A_1443, %sign3A_1450 : i32
          %rem3A_1452 = arith.remsi %add3A_1379, %jit3A_1435 : i32
          %ne3A_1453 = arith.constant 0 : i32
          %ne3A_1454 = arith.cmpi ne, %rem3A_1452, %ne3A_1453 : i32
          %and3A_1455 = arith.andi %ne3A_1451, %ne3A_1454 : i1
          %sub3A_1456 = arith.constant 1 : i32
          %sub3A_1457 = arith.subi %div3A_1436, %sub3A_1456 : i32
          %select_n3A_1458 = arith.select %and3A_1455, %sub3A_1457, %div3A_1436 : i32
          %mul3A_1459 = arith.constant 16 : i32
          %mul3A_1460 = arith.muli %select_n3A_1458, %mul3A_1459 : i32
          %sub3A_1461 = arith.subi %add3A_1379, %mul3A_1460 : i32
          %get3A_1462 = arith.index_cast %mul3A_1460 : i32 to index
          %get3A_1463 = tpu.vector_load %arg9[%get3A_1462] {strides = array<i32>} : memref<1280xf32, #tpu.memory_space<vmem>>, vector<16xf32>,
          %eq3A_1464 = vector.broadcast %sub3A_1461 : i32 to vector<16xi32>
          %eq3A_1465 = arith.cmpi eq, %iota3A, %eq3A_1464 : vector<16xi32>
          %broadcast_in_dim3A_1466 = vector.broadcast %reduce_max3A_1405 : f32 to vector<16xf32>
          %select_n3A_1467 = arith.select %eq3A_1465, %broadcast_in_dim3A_1466, %get3A_1463 : vector<16xi1>, vector<16xf32>
          %swap3A_1468 = arith.index_cast %mul3A_1460 : i32 to index
          %swap3A_1469 = tpu.vector_load %arg9[%swap3A_1468] {strides = array<i32>} : memref<1280xf32, #tpu.memory_space<vmem>>, vector<16xf32>,
          tpu.vector_store %arg9[%swap3A_1468], %select_n3A_1467 {strides = array<i32>} : memref<1280xf32, #tpu.memory_space<vmem>>, vector<16xf32>,
          %jit3A_1470 = arith.constant 16 : i32
          %div3A_1471 = arith.divsi %select_n3A_1358, %jit3A_1470 : i32
          %sign3A_1472 = arith.constant 0 : i32
          %sign3A_1473 = arith.cmpi sgt, %select_n3A_1358, %sign3A_1472 : i32
          %sign3A_1474 = arith.extui %sign3A_1473 : i1 to i32
          %sign3A_1475 = arith.constant 0 : i32
          %sign3A_1476 = arith.cmpi slt, %select_n3A_1358, %sign3A_1475 : i32
          %sign3A_1477 = arith.extui %sign3A_1476 : i1 to i32
          %sign3A_1478 = arith.subi %sign3A_1474, %sign3A_1477 : i32
          %sign3A_1479 = arith.constant 0 : i32
          %sign3A_1480 = arith.cmpi sgt, %jit3A_1470, %sign3A_1479 : i32
          %sign3A_1481 = arith.extui %sign3A_1480 : i1 to i32
          %sign3A_1482 = arith.constant 0 : i32
          %sign3A_1483 = arith.cmpi slt, %jit3A_1470, %sign3A_1482 : i32
          %sign3A_1484 = arith.extui %sign3A_1483 : i1 to i32
          %sign3A_1485 = arith.subi %sign3A_1481, %sign3A_1484 : i32
          %ne3A_1486 = arith.cmpi ne, %sign3A_1478, %sign3A_1485 : i32
          %rem3A_1487 = arith.remsi %select_n3A_1358, %jit3A_1470 : i32
          %ne3A_1488 = arith.constant 0 : i32
          %ne3A_1489 = arith.cmpi ne, %rem3A_1487, %ne3A_1488 : i32
          %and3A_1490 = arith.andi %ne3A_1486, %ne3A_1489 : i1
          %sub3A_1491 = arith.constant 1 : i32
          %sub3A_1492 = arith.subi %div3A_1471, %sub3A_1491 : i32
          %select_n3A_1493 = arith.select %and3A_1490, %sub3A_1492, %div3A_1471 : i32
          %mul3A_1494 = arith.constant 16 : i32
          %mul3A_1495 = arith.muli %select_n3A_1493, %mul3A_1494 : i32
          %sub3A_1496 = arith.subi %select_n3A_1358, %mul3A_1495 : i32
          %get3A_1497 = arith.index_cast %mul3A_1495 : i32 to index
          %get3A_1498 = tpu.vector_load %arg10[%get3A_1497] {strides = array<i32>} : memref<80xf32, #tpu.memory_space<vmem>>, vector<16xf32>,
          %eq3A_1499 = vector.broadcast %sub3A_1496 : i32 to vector<16xi32>
          %eq3A_1500 = arith.cmpi eq, %iota3A, %eq3A_1499 : vector<16xi32>
          %broadcast_in_dim3A_1501 = vector.broadcast %reduce_max3A_1413 : f32 to vector<16xf32>
          %select_n3A_1502 = arith.select %eq3A_1500, %broadcast_in_dim3A_1501, %get3A_1498 : vector<16xi1>, vector<16xf32>
          %swap3A_1503 = arith.index_cast %mul3A_1495 : i32 to index
          %swap3A_1504 = tpu.vector_load %arg10[%swap3A_1503] {strides = array<i32>} : memref<80xf32, #tpu.memory_space<vmem>>, vector<16xf32>,
          tpu.vector_store %arg10[%swap3A_1503], %select_n3A_1502 {strides = array<i32>} : memref<80xf32, #tpu.memory_space<vmem>>, vector<16xf32>,
        } else {
        }
        %convert_element_type3A_1419 = arith.extui %and3A_1218 : i1 to i32
        %cond3A_1420 = arith.constant 0 : i32
        %cond3A_1421 = arith.cmpi ne, %convert_element_type3A_1419, %cond3A_1420 : i32
        scf.if %cond3A_1421 {
          %reduce_max3A_1431 = arith.constant true
          %reduce_max3A_1432 = vector.broadcast %reduce_max3A_1431 : i1 to vector<16xi1>
          %reduce_max3A_1433 = tpu.scan <max>, %sub3A masked %reduce_max3A_1432 : vector<16xf32>, vector<16xi1> -> vector<16xf32>
          %reduce_max3A_1434 = vector.extract %reduce_max3A_1433[15] : f32 from vector<16xf32>
          %jit3A_1435 = arith.constant 16 : i32
          %div3A_1436 = arith.divsi %while3A_1137, %jit3A_1435 : i32
          %sign3A_1437 = arith.constant 0 : i32
          %sign3A_1438 = arith.cmpi sgt, %while3A_1137, %sign3A_1437 : i32
          %sign3A_1439 = arith.extui %sign3A_1438 : i1 to i32
          %sign3A_1440 = arith.constant 0 : i32
          %sign3A_1441 = arith.cmpi slt, %while3A_1137, %sign3A_1440 : i32
          %sign3A_1442 = arith.extui %sign3A_1441 : i1 to i32
          %sign3A_1443 = arith.subi %sign3A_1439, %sign3A_1442 : i32
          %sign3A_1444 = arith.constant 0 : i32
          %sign3A_1445 = arith.cmpi sgt, %jit3A_1435, %sign3A_1444 : i32
          %sign3A_1446 = arith.extui %sign3A_1445 : i1 to i32
          %sign3A_1447 = arith.constant 0 : i32
          %sign3A_1448 = arith.cmpi slt, %jit3A_1435, %sign3A_1447 : i32
          %sign3A_1449 = arith.extui %sign3A_1448 : i1 to i32
          %sign3A_1450 = arith.subi %sign3A_1446, %sign3A_1449 : i32
          %ne3A_1451 = arith.cmpi ne, %sign3A_1443, %sign3A_1450 : i32
          %rem3A_1452 = arith.remsi %while3A_1137, %jit3A_1435 : i32
          %ne3A_1453 = arith.constant 0 : i32
          %ne3A_1454 = arith.cmpi ne, %rem3A_1452, %ne3A_1453 : i32
          %and3A_1455 = arith.andi %ne3A_1451, %ne3A_1454 : i1
          %sub3A_1456 = arith.constant 1 : i32
          %sub3A_1457 = arith.subi %div3A_1436, %sub3A_1456 : i32
          %select_n3A_1458 = arith.select %and3A_1455, %sub3A_1457, %div3A_1436 : i32
          %mul3A_1459 = arith.constant 16 : i32
          %mul3A_1460 = arith.muli %select_n3A_1458, %mul3A_1459 : i32
          %sub3A_1461 = arith.subi %while3A_1137, %mul3A_1460 : i32
          %get3A_1462 = arith.index_cast %mul3A_1460 : i32 to index
          %get3A_1463 = tpu.vector_load %arg11[%get3A_1462] {strides = array<i32>} : memref<112xf32, #tpu.memory_space<vmem>>, vector<16xf32>,
          %eq3A_1464 = vector.broadcast %sub3A_1461 : i32 to vector<16xi32>
          %eq3A_1465 = arith.cmpi eq, %iota3A, %eq3A_1464 : vector<16xi32>
          %broadcast_in_dim3A_1466 = vector.broadcast %reduce_max3A_1434 : f32 to vector<16xf32>
          %select_n3A_1467 = arith.select %eq3A_1465, %broadcast_in_dim3A_1466, %get3A_1463 : vector<16xi1>, vector<16xf32>
          %swap3A_1468 = arith.index_cast %mul3A_1460 : i32 to index
          %swap3A_1469 = tpu.vector_load %arg11[%swap3A_1468] {strides = array<i32>} : memref<112xf32, #tpu.memory_space<vmem>>, vector<16xf32>,
          tpu.vector_store %arg11[%swap3A_1468], %select_n3A_1467 {strides = array<i32>} : memref<112xf32, #tpu.memory_space<vmem>>, vector<16xf32>,
          %reduce_max3A_1470 = arith.constant true
          %reduce_max3A_1471 = vector.broadcast %reduce_max3A_1470 : i1 to vector<16xi1>
          %reduce_max3A_1472 = tpu.scan <max>, %sub3A_1164 masked %reduce_max3A_1471 : vector<16xf32>, vector<16xi1> -> vector<16xf32>
          %reduce_max3A_1473 = vector.extract %reduce_max3A_1472[15] : f32 from vector<16xf32>
          %jit3A_1474 = arith.constant 16 : i32
          %div3A_1475 = arith.divsi %while3A_1137, %jit3A_1474 : i32
          %sign3A_1476 = arith.constant 0 : i32
          %sign3A_1477 = arith.cmpi sgt, %while3A_1137, %sign3A_1476 : i32
          %sign3A_1478 = arith.extui %sign3A_1477 : i1 to i32
          %sign3A_1479 = arith.constant 0 : i32
          %sign3A_1480 = arith.cmpi slt, %while3A_1137, %sign3A_1479 : i32
          %sign3A_1481 = arith.extui %sign3A_1480 : i1 to i32
          %sign3A_1482 = arith.subi %sign3A_1478, %sign3A_1481 : i32
          %sign3A_1483 = arith.constant 0 : i32
          %sign3A_1484 = arith.cmpi sgt, %jit3A_1474, %sign3A_1483 : i32
          %sign3A_1485 = arith.extui %sign3A_1484 : i1 to i32
          %sign3A_1486 = arith.constant 0 : i32
          %sign3A_1487 = arith.cmpi slt, %jit3A_1474, %sign3A_1486 : i32
          %sign3A_1488 = arith.extui %sign3A_1487 : i1 to i32
          %sign3A_1489 = arith.subi %sign3A_1485, %sign3A_1488 : i32
          %ne3A_1490 = arith.cmpi ne, %sign3A_1482, %sign3A_1489 : i32
          %rem3A_1491 = arith.remsi %while3A_1137, %jit3A_1474 : i32
          %ne3A_1492 = arith.constant 0 : i32
          %ne3A_1493 = arith.cmpi ne, %rem3A_1491, %ne3A_1492 : i32
          %and3A_1494 = arith.andi %ne3A_1490, %ne3A_1493 : i1
          %sub3A_1495 = arith.constant 1 : i32
          %sub3A_1496 = arith.subi %div3A_1475, %sub3A_1495 : i32
          %select_n3A_1497 = arith.select %and3A_1494, %sub3A_1496, %div3A_1475 : i32
          %mul3A_1498 = arith.constant 16 : i32
          %mul3A_1499 = arith.muli %select_n3A_1497, %mul3A_1498 : i32
          %sub3A_1500 = arith.subi %while3A_1137, %mul3A_1499 : i32
          %get3A_1501 = arith.index_cast %mul3A_1499 : i32 to index
          %get3A_1502 = tpu.vector_load %arg12[%get3A_1501] {strides = array<i32>} : memref<112xf32, #tpu.memory_space<vmem>>, vector<16xf32>,
          %eq3A_1503 = vector.broadcast %sub3A_1500 : i32 to vector<16xi32>
          %eq3A_1504 = arith.cmpi eq, %iota3A, %eq3A_1503 : vector<16xi32>
          %broadcast_in_dim3A_1505 = vector.broadcast %reduce_max3A_1473 : f32 to vector<16xf32>
          %select_n3A_1506 = arith.select %eq3A_1504, %broadcast_in_dim3A_1505, %get3A_1502 : vector<16xi1>, vector<16xf32>
          %swap3A_1507 = arith.index_cast %mul3A_1499 : i32 to index
          %swap3A_1508 = tpu.vector_load %arg12[%swap3A_1507] {strides = array<i32>} : memref<112xf32, #tpu.memory_space<vmem>>, vector<16xf32>,
          tpu.vector_store %arg12[%swap3A_1507], %select_n3A_1506 {strides = array<i32>} : memref<112xf32, #tpu.memory_space<vmem>>, vector<16xf32>,
          %reduce_max3A_1509 = arith.constant true
          %reduce_max3A_1510 = vector.broadcast %reduce_max3A_1509 : i1 to vector<16xi1>
          %reduce_max3A_1511 = tpu.scan <max>, %add3A_1168 masked %reduce_max3A_1510 : vector<16xf32>, vector<16xi1> -> vector<16xf32>
          %reduce_max3A_1512 = vector.extract %reduce_max3A_1511[15] : f32 from vector<16xf32>
          %jit3A_1513 = arith.constant 16 : i32
          %div3A_1514 = arith.divsi %while3A_1137, %jit3A_1513 : i32
          %sign3A_1515 = arith.constant 0 : i32
          %sign3A_1516 = arith.cmpi sgt, %while3A_1137, %sign3A_1515 : i32
          %sign3A_1517 = arith.extui %sign3A_1516 : i1 to i32
          %sign3A_1518 = arith.constant 0 : i32
          %sign3A_1519 = arith.cmpi slt, %while3A_1137, %sign3A_1518 : i32
          %sign3A_1520 = arith.extui %sign3A_1519 : i1 to i32
          %sign3A_1521 = arith.subi %sign3A_1517, %sign3A_1520 : i32
          %sign3A_1522 = arith.constant 0 : i32
          %sign3A_1523 = arith.cmpi sgt, %jit3A_1513, %sign3A_1522 : i32
          %sign3A_1524 = arith.extui %sign3A_1523 : i1 to i32
          %sign3A_1525 = arith.constant 0 : i32
          %sign3A_1526 = arith.cmpi slt, %jit3A_1513, %sign3A_1525 : i32
          %sign3A_1527 = arith.extui %sign3A_1526 : i1 to i32
          %sign3A_1528 = arith.subi %sign3A_1524, %sign3A_1527 : i32
          %ne3A_1529 = arith.cmpi ne, %sign3A_1521, %sign3A_1528 : i32
          %rem3A_1530 = arith.remsi %while3A_1137, %jit3A_1513 : i32
          %ne3A_1531 = arith.constant 0 : i32
          %ne3A_1532 = arith.cmpi ne, %rem3A_1530, %ne3A_1531 : i32
          %and3A_1533 = arith.andi %ne3A_1529, %ne3A_1532 : i1
          %sub3A_1534 = arith.constant 1 : i32
          %sub3A_1535 = arith.subi %div3A_1514, %sub3A_1534 : i32
          %select_n3A_1536 = arith.select %and3A_1533, %sub3A_1535, %div3A_1514 : i32
          %mul3A_1537 = arith.constant 16 : i32
          %mul3A_1538 = arith.muli %select_n3A_1536, %mul3A_1537 : i32
          %sub3A_1539 = arith.subi %while3A_1137, %mul3A_1538 : i32
          %get3A_1540 = arith.index_cast %mul3A_1538 : i32 to index
          %get3A_1541 = tpu.vector_load %arg13[%get3A_1540] {strides = array<i32>} : memref<112xf32, #tpu.memory_space<vmem>>, vector<16xf32>,
          %eq3A_1542 = vector.broadcast %sub3A_1539 : i32 to vector<16xi32>
          %eq3A_1543 = arith.cmpi eq, %iota3A, %eq3A_1542 : vector<16xi32>
          %broadcast_in_dim3A_1544 = vector.broadcast %reduce_max3A_1512 : f32 to vector<16xf32>
          %select_n3A_1545 = arith.select %eq3A_1543, %broadcast_in_dim3A_1544, %get3A_1541 : vector<16xi1>, vector<16xf32>
          %swap3A_1546 = arith.index_cast %mul3A_1538 : i32 to index
          %swap3A_1547 = tpu.vector_load %arg13[%swap3A_1546] {strides = array<i32>} : memref<112xf32, #tpu.memory_space<vmem>>, vector<16xf32>,
          tpu.vector_store %arg13[%swap3A_1546], %select_n3A_1545 {strides = array<i32>} : memref<112xf32, #tpu.memory_space<vmem>>, vector<16xf32>,
          %reduce_max3A_1548 = arith.constant true
          %reduce_max3A_1549 = vector.broadcast %reduce_max3A_1548 : i1 to vector<16xi1>
          %reduce_max3A_1550 = tpu.scan <max>, %add3A_1172 masked %reduce_max3A_1549 : vector<16xf32>, vector<16xi1> -> vector<16xf32>
          %reduce_max3A_1551 = vector.extract %reduce_max3A_1550[15] : f32 from vector<16xf32>
          %jit3A_1552 = arith.constant 16 : i32
          %div3A_1553 = arith.divsi %while3A_1137, %jit3A_1552 : i32
          %sign3A_1554 = arith.constant 0 : i32
          %sign3A_1555 = arith.cmpi sgt, %while3A_1137, %sign3A_1554 : i32
          %sign3A_1556 = arith.extui %sign3A_1555 : i1 to i32
          %sign3A_1557 = arith.constant 0 : i32
          %sign3A_1558 = arith.cmpi slt, %while3A_1137, %sign3A_1557 : i32
          %sign3A_1559 = arith.extui %sign3A_1558 : i1 to i32
          %sign3A_1560 = arith.subi %sign3A_1556, %sign3A_1559 : i32
          %sign3A_1561 = arith.constant 0 : i32
          %sign3A_1562 = arith.cmpi sgt, %jit3A_1552, %sign3A_1561 : i32
          %sign3A_1563 = arith.extui %sign3A_1562 : i1 to i32
          %sign3A_1564 = arith.constant 0 : i32
          %sign3A_1565 = arith.cmpi slt, %jit3A_1552, %sign3A_1564 : i32
          %sign3A_1566 = arith.extui %sign3A_1565 : i1 to i32
          %sign3A_1567 = arith.subi %sign3A_1563, %sign3A_1566 : i32
          %ne3A_1568 = arith.cmpi ne, %sign3A_1560, %sign3A_1567 : i32
          %rem3A_1569 = arith.remsi %while3A_1137, %jit3A_1552 : i32
          %ne3A_1570 = arith.constant 0 : i32
          %ne3A_1571 = arith.cmpi ne, %rem3A_1569, %ne3A_1570 : i32
          %and3A_1572 = arith.andi %ne3A_1568, %ne3A_1571 : i1
          %sub3A_1573 = arith.constant 1 : i32
          %sub3A_1574 = arith.subi %div3A_1553, %sub3A_1573 : i32
          %select_n3A_1575 = arith.select %and3A_1572, %sub3A_1574, %div3A_1553 : i32
          %mul3A_1576 = arith.constant 16 : i32
          %mul3A_1577 = arith.muli %select_n3A_1575, %mul3A_1576 : i32
          %sub3A_1578 = arith.subi %while3A_1137, %mul3A_1577 : i32
          %get3A_1579 = arith.index_cast %mul3A_1577 : i32 to index
          %get3A_1580 = tpu.vector_load %arg14[%get3A_1579] {strides = array<i32>} : memref<112xf32, #tpu.memory_space<vmem>>, vector<16xf32>,
          %eq3A_1581 = vector.broadcast %sub3A_1578 : i32 to vector<16xi32>
          %eq3A_1582 = arith.cmpi eq, %iota3A, %eq3A_1581 : vector<16xi32>
          %broadcast_in_dim3A_1583 = vector.broadcast %reduce_max3A_1551 : f32 to vector<16xf32>
          %select_n3A_1584 = arith.select %eq3A_1582, %broadcast_in_dim3A_1583, %get3A_1580 : vector<16xi1>, vector<16xf32>
          %swap3A_1585 = arith.index_cast %mul3A_1577 : i32 to index
          %swap3A_1586 = tpu.vector_load %arg14[%swap3A_1585] {strides = array<i32>} : memref<112xf32, #tpu.memory_space<vmem>>, vector<16xf32>,
          tpu.vector_store %arg14[%swap3A_1585], %select_n3A_1584 {strides = array<i32>} : memref<112xf32, #tpu.memory_space<vmem>>, vector<16xf32>,
          %reduce_max3A_1587 = arith.constant true
          %reduce_max3A_1588 = vector.broadcast %reduce_max3A_1587 : i1 to vector<16xi1>
          %reduce_max3A_1589 = tpu.scan <max>, %mul3A_1175 masked %reduce_max3A_1588 : vector<16xf32>, vector<16xi1> -> vector<16xf32>
          %reduce_max3A_1590 = vector.extract %reduce_max3A_1589[15] : f32 from vector<16xf32>
          %jit3A_1591 = arith.constant 16 : i32
          %div3A_1592 = arith.divsi %while3A_1137, %jit3A_1591 : i32
          %sign3A_1593 = arith.constant 0 : i32
          %sign3A_1594 = arith.cmpi sgt, %while3A_1137, %sign3A_1593 : i32
          %sign3A_1595 = arith.extui %sign3A_1594 : i1 to i32
          %sign3A_1596 = arith.constant 0 : i32
          %sign3A_1597 = arith.cmpi slt, %while3A_1137, %sign3A_1596 : i32
          %sign3A_1598 = arith.extui %sign3A_1597 : i1 to i32
          %sign3A_1599 = arith.subi %sign3A_1595, %sign3A_1598 : i32
          %sign3A_1600 = arith.constant 0 : i32
          %sign3A_1601 = arith.cmpi sgt, %jit3A_1591, %sign3A_1600 : i32
          %sign3A_1602 = arith.extui %sign3A_1601 : i1 to i32
          %sign3A_1603 = arith.constant 0 : i32
          %sign3A_1604 = arith.cmpi slt, %jit3A_1591, %sign3A_1603 : i32
          %sign3A_1605 = arith.extui %sign3A_1604 : i1 to i32
          %sign3A_1606 = arith.subi %sign3A_1602, %sign3A_1605 : i32
          %ne3A_1607 = arith.cmpi ne, %sign3A_1599, %sign3A_1606 : i32
          %rem3A_1608 = arith.remsi %while3A_1137, %jit3A_1591 : i32
          %ne3A_1609 = arith.constant 0 : i32
          %ne3A_1610 = arith.cmpi ne, %rem3A_1608, %ne3A_1609 : i32
          %and3A_1611 = arith.andi %ne3A_1607, %ne3A_1610 : i1
          %sub3A_1612 = arith.constant 1 : i32
          %sub3A_1613 = arith.subi %div3A_1592, %sub3A_1612 : i32
          %select_n3A_1614 = arith.select %and3A_1611, %sub3A_1613, %div3A_1592 : i32
          %mul3A_1615 = arith.constant 16 : i32
          %mul3A_1616 = arith.muli %select_n3A_1614, %mul3A_1615 : i32
          %sub3A_1617 = arith.subi %while3A_1137, %mul3A_1616 : i32
          %get3A_1618 = arith.index_cast %mul3A_1616 : i32 to index
          %get3A_1619 = tpu.vector_load %arg15[%get3A_1618] {strides = array<i32>} : memref<112xf32, #tpu.memory_space<vmem>>, vector<16xf32>,
          %eq3A_1620 = vector.broadcast %sub3A_1617 : i32 to vector<16xi32>
          %eq3A_1621 = arith.cmpi eq, %iota3A, %eq3A_1620 : vector<16xi32>
          %broadcast_in_dim3A_1622 = vector.broadcast %reduce_max3A_1590 : f32 to vector<16xf32>
          %select_n3A_1623 = arith.select %eq3A_1621, %broadcast_in_dim3A_1622, %get3A_1619 : vector<16xi1>, vector<16xf32>
          %swap3A_1624 = arith.index_cast %mul3A_1616 : i32 to index
          %swap3A_1625 = tpu.vector_load %arg15[%swap3A_1624] {strides = array<i32>} : memref<112xf32, #tpu.memory_space<vmem>>, vector<16xf32>,
          tpu.vector_store %arg15[%swap3A_1624], %select_n3A_1623 {strides = array<i32>} : memref<112xf32, #tpu.memory_space<vmem>>, vector<16xf32>,
          %jit3A_1626 = arith.constant 16 : i32
          %div3A_1627 = arith.divsi %while3A_1137, %jit3A_1626 : i32
          %sign3A_1628 = arith.constant 0 : i32
          %sign3A_1629 = arith.cmpi sgt, %while3A_1137, %sign3A_1628 : i32
          %sign3A_1630 = arith.extui %sign3A_1629 : i1 to i32
          %sign3A_1631 = arith.constant 0 : i32
          %sign3A_1632 = arith.cmpi slt, %while3A_1137, %sign3A_1631 : i32
          %sign3A_1633 = arith.extui %sign3A_1632 : i1 to i32
          %sign3A_1634 = arith.subi %sign3A_1630, %sign3A_1633 : i32
          %sign3A_1635 = arith.constant 0 : i32
          %sign3A_1636 = arith.cmpi sgt, %jit3A_1626, %sign3A_1635 : i32
          %sign3A_1637 = arith.extui %sign3A_1636 : i1 to i32
          %sign3A_1638 = arith.constant 0 : i32
          %sign3A_1639 = arith.cmpi slt, %jit3A_1626, %sign3A_1638 : i32
          %sign3A_1640 = arith.extui %sign3A_1639 : i1 to i32
          %sign3A_1641 = arith.subi %sign3A_1637, %sign3A_1640 : i32
          %ne3A_1642 = arith.cmpi ne, %sign3A_1634, %sign3A_1641 : i32
          %rem3A_1643 = arith.remsi %while3A_1137, %jit3A_1626 : i32
          %ne3A_1644 = arith.constant 0 : i32
          %ne3A_1645 = arith.cmpi ne, %rem3A_1643, %ne3A_1644 : i32
          %and3A_1646 = arith.andi %ne3A_1642, %ne3A_1645 : i1
          %sub3A_1647 = arith.constant 1 : i32
          %sub3A_1648 = arith.subi %div3A_1627, %sub3A_1647 : i32
          %select_n3A_1649 = arith.select %and3A_1646, %sub3A_1648, %div3A_1627 : i32
          %mul3A_1650 = arith.constant 16 : i32
          %mul3A_1651 = arith.muli %select_n3A_1649, %mul3A_1650 : i32
          %sub3A_1652 = arith.subi %while3A_1137, %mul3A_1651 : i32
          %get3A_1653 = arith.index_cast %mul3A_1651 : i32 to index
          %get3A_1654 = tpu.vector_load %arg17[%get3A_1653] {strides = array<i32>} : memref<112xf32, #tpu.memory_space<vmem>>, vector<16xf32>,
          %eq3A_1655 = vector.broadcast %sub3A_1652 : i32 to vector<16xi32>
          %eq3A_1656 = arith.cmpi eq, %iota3A, %eq3A_1655 : vector<16xi32>
          %broadcast_in_dim3A_1657 = vector.broadcast %while3A_1139 : f32 to vector<16xf32>
          %select_n3A_1658 = arith.select %eq3A_1656, %broadcast_in_dim3A_1657, %get3A_1654 : vector<16xi1>, vector<16xf32>
          %swap3A_1659 = arith.index_cast %mul3A_1651 : i32 to index
          %swap3A_1660 = tpu.vector_load %arg17[%swap3A_1659] {strides = array<i32>} : memref<112xf32, #tpu.memory_space<vmem>>, vector<16xf32>,
          tpu.vector_store %arg17[%swap3A_1659], %select_n3A_1658 {strides = array<i32>} : memref<112xf32, #tpu.memory_space<vmem>>, vector<16xf32>,
          %jit3A_1661 = arith.constant 4 : i32
          %div3A_1662 = arith.divsi %while3A_1137, %jit3A_1661 : i32
          %sign3A_1663 = arith.constant 0 : i32
          %sign3A_1664 = arith.cmpi sgt, %while3A_1137, %sign3A_1663 : i32
          %sign3A_1665 = arith.extui %sign3A_1664 : i1 to i32
          %sign3A_1666 = arith.constant 0 : i32
          %sign3A_1667 = arith.cmpi slt, %while3A_1137, %sign3A_1666 : i32
          %sign3A_1668 = arith.extui %sign3A_1667 : i1 to i32
          %sign3A_1669 = arith.subi %sign3A_1665, %sign3A_1668 : i32
          %sign3A_1670 = arith.constant 0 : i32
          %sign3A_1671 = arith.cmpi sgt, %jit3A_1661, %sign3A_1670 : i32
          %sign3A_1672 = arith.extui %sign3A_1671 : i1 to i32
          %sign3A_1673 = arith.constant 0 : i32
          %sign3A_1674 = arith.cmpi slt, %jit3A_1661, %sign3A_1673 : i32
          %sign3A_1675 = arith.extui %sign3A_1674 : i1 to i32
          %sign3A_1676 = arith.subi %sign3A_1672, %sign3A_1675 : i32
          %ne3A_1677 = arith.cmpi ne, %sign3A_1669, %sign3A_1676 : i32
          %rem3A_1678 = arith.remsi %while3A_1137, %jit3A_1661 : i32
          %ne3A_1679 = arith.constant 0 : i32
          %ne3A_1680 = arith.cmpi ne, %rem3A_1678, %ne3A_1679 : i32
          %and3A_1681 = arith.andi %ne3A_1677, %ne3A_1680 : i1
          %sub3A_1682 = arith.constant 1 : i32
          %sub3A_1683 = arith.subi %div3A_1662, %sub3A_1682 : i32
          %select_n3A_1684 = arith.select %and3A_1681, %sub3A_1683, %div3A_1662 : i32
          %mul3A_1685 = arith.constant 16 : i32
          %mul3A_1686 = arith.muli %select_n3A_1684, %mul3A_1685 : i32
          %jit3A_1687 = arith.constant 4 : i32
          %div3A_1688 = arith.divsi %while3A_1137, %jit3A_1687 : i32
          %sign3A_1689 = arith.constant 0 : i32
          %sign3A_1690 = arith.cmpi sgt, %while3A_1137, %sign3A_1689 : i32
          %sign3A_1691 = arith.extui %sign3A_1690 : i1 to i32
          %sign3A_1692 = arith.constant 0 : i32
          %sign3A_1693 = arith.cmpi slt, %while3A_1137, %sign3A_1692 : i32
          %sign3A_1694 = arith.extui %sign3A_1693 : i1 to i32
          %sign3A_1695 = arith.subi %sign3A_1691, %sign3A_1694 : i32
          %sign3A_1696 = arith.constant 0 : i32
          %sign3A_1697 = arith.cmpi sgt, %jit3A_1687, %sign3A_1696 : i32
          %sign3A_1698 = arith.extui %sign3A_1697 : i1 to i32
          %sign3A_1699 = arith.constant 0 : i32
          %sign3A_1700 = arith.cmpi slt, %jit3A_1687, %sign3A_1699 : i32
          %sign3A_1701 = arith.extui %sign3A_1700 : i1 to i32
          %sign3A_1702 = arith.subi %sign3A_1698, %sign3A_1701 : i32
          %ne3A_1703 = arith.cmpi ne, %sign3A_1695, %sign3A_1702 : i32
          %rem3A_1704 = arith.remsi %while3A_1137, %jit3A_1687 : i32
          %ne3A_1705 = arith.constant 0 : i32
          %ne3A_1706 = arith.cmpi ne, %rem3A_1704, %ne3A_1705 : i32
          %and3A_1707 = arith.andi %ne3A_1703, %ne3A_1706 : i1
          %sub3A_1708 = arith.constant 1 : i32
          %sub3A_1709 = arith.subi %div3A_1688, %sub3A_1708 : i32
          %select_n3A_1710 = arith.select %and3A_1707, %sub3A_1709, %div3A_1688 : i32
          %mul3A_1711 = arith.constant 4 : i32
          %mul3A_1712 = arith.muli %select_n3A_1710, %mul3A_1711 : i32
          %sub3A_1713 = arith.subi %while3A_1137, %mul3A_1712 : i32
          %mul3A_1714 = arith.constant 4 : i32
          %mul3A_1715 = arith.muli %sub3A_1713, %mul3A_1714 : i32
          %get3A_1716 = arith.index_cast %mul3A_1686 : i32 to index
          %get3A_1717 = tpu.vector_load %arg16[%get3A_1716] {strides = array<i32>} : memref<400xf32, #tpu.memory_space<vmem>>, vector<16xf32>,
          %eq3A_1718 = vector.broadcast %mul3A_1715 : i32 to vector<16xi32>
          %eq3A_1719 = arith.cmpi eq, %iota3A, %eq3A_1718 : vector<16xi32>
          %add3A_1720 = arith.constant 1 : i32
          %add3A_1721 = arith.addi %mul3A_1715, %add3A_1720 : i32
          %eq3A_1722 = vector.broadcast %add3A_1721 : i32 to vector<16xi32>
          %eq3A_1723 = arith.cmpi eq, %iota3A, %eq3A_1722 : vector<16xi32>
          %add3A_1724 = arith.constant 2 : i32
          %add3A_1725 = arith.addi %mul3A_1715, %add3A_1724 : i32
          %eq3A_1726 = vector.broadcast %add3A_1725 : i32 to vector<16xi32>
          %eq3A_1727 = arith.cmpi eq, %iota3A, %eq3A_1726 : vector<16xi32>
          %add3A_1728 = arith.constant 3 : i32
          %add3A_1729 = arith.addi %mul3A_1715, %add3A_1728 : i32
          %eq3A_1730 = vector.broadcast %add3A_1729 : i32 to vector<16xi32>
          %eq3A_1731 = arith.cmpi eq, %iota3A, %eq3A_1730 : vector<16xi32>
          %select_n3A_1732 = arith.select %eq3A_1731, %gather3A_1157, %get3A_1717 : vector<16xi1>, vector<16xf32>
          %select_n3A_1733 = arith.select %eq3A_1727, %gather3A_1153, %select_n3A_1732 : vector<16xi1>, vector<16xf32>
          %select_n3A_1734 = arith.select %eq3A_1723, %gather3A_1149, %select_n3A_1733 : vector<16xi1>, vector<16xf32>
          %select_n3A_1735 = arith.select %eq3A_1719, %gather3A, %select_n3A_1734 : vector<16xi1>, vector<16xf32>
          %swap3A_1736 = arith.index_cast %mul3A_1686 : i32 to index
          %swap3A_1737 = tpu.vector_load %arg16[%swap3A_1736] {strides = array<i32>} : memref<400xf32, #tpu.memory_space<vmem>>, vector<16xf32>,
          tpu.vector_store %arg16[%swap3A_1736], %select_n3A_1735 {strides = array<i32>} : memref<400xf32, #tpu.memory_space<vmem>>, vector<16xf32>,
        } else {
        }
        %add3A_1422 = arith.constant 1 : i32
        %add3A_1423 = arith.addi %while3A_1137, %add3A_1422 : i32
        %select_n3A_1424 = arith.select %and3A_1218, %add3A_1423, %while3A_1137 : i32
        %not3A_1425 = arith.constant true
        %not3A_1426 = arith.xori %gt3A_1142, %not3A_1425 : i1
        %ge3A = arith.constant 100 : i32
        %ge3A_1427 = arith.cmpi sge, %select_n3A_1424, %ge3A : i32
        %or3A = arith.ori %not3A_1426, %ge3A_1427 : i1
        %jit3A_1428 = arith.constant 1 : i32
        %jit3A_1429 = arith.constant 0 : i32
        %select_n3A_1430 = arith.select %or3A, %jit3A_1428, %jit3A_1429 : i32
        scf.yield %select_n3A_1424, %select_n3A_1430, %reduce_max3A_1236, %add3A_1398 : i32, i32, f32, i32
      }
      %eq3A_1128 = arith.constant 0 : i32
      %eq3A_1129 = vector.broadcast %eq3A_1128 : i32 to vector<16xi32>
      %eq3A_1130 = arith.cmpi eq, %iota3A, %eq3A_1129 : vector<16xi32>
      %jit3A_1131 = arith.constant 0 : i32
      %broadcast_in_dim3A_1132 = vector.broadcast %while3A_1127#0 : i32 to vector<16xi32>
      %broadcast_in_dim3A_1133 = vector.broadcast %jit3A_1131 : i32 to vector<16xi32>
      %select_n3A_1134 = arith.select %eq3A_1130, %broadcast_in_dim3A_1132, %broadcast_in_dim3A_1133 : vector<16xi1>, vector<16xi32>
      %swap3A_1135 = arith.constant 0 : index
      %swap3A_1136 = tpu.vector_load %arg18[%swap3A_1135] {strides = array<i32>} : memref<16xi32, #tpu.memory_space<vmem>>, vector<16xi32>,
      tpu.vector_store %arg18[%swap3A_1135], %select_n3A_1134 {strides = array<i32>} : memref<16xi32, #tpu.memory_space<vmem>>, vector<16xi32>,
      "tpu.region"() ({
        %run_scoped3A = tpu.sem_alloc : memref<!tpu.dma_semaphore, #tpu.memory_space<semaphore_mem>>
        %dma_start3A_1137 = arith.constant 0 : i32
        %dma_start3A_1138 = tpu.memref_slice %arg4[%add3A, %dma_start3A_1137] : memref<8x400xf32, #tpu.memory_space<hbm>> -> memref<1x400xf32, #tpu.memory_space<hbm>>
        %dma_start3A_1139 = tpu.memref_squeeze %dma_start3A_1138 : memref<1x400xf32, #tpu.memory_space<hbm>> -> memref<400xf32, #tpu.memory_space<hbm>>
        %dma_start3A_1140 = arith.constant 0 : i32
        %dma_start3A_1141 = tpu.memref_slice %arg4[%add3A, %dma_start3A_1140] : memref<8x400xf32, #tpu.memory_space<hbm>> -> memref<1x400xf32, #tpu.memory_space<hbm>>
        %dma_start3A_1142 = tpu.memref_squeeze %dma_start3A_1141 : memref<1x400xf32, #tpu.memory_space<hbm>> -> memref<400xf32, #tpu.memory_space<hbm>>
        tpu.enqueue_dma source(%arg16 : memref<400xf32, #tpu.memory_space<vmem>>) target(%dma_start3A_1142 : memref<400xf32, #tpu.memory_space<hbm>>) target_semaphore(%run_scoped3A : memref<!tpu.dma_semaphore, #tpu.memory_space<semaphore_mem>>)
        %dma_wait3A_1143 = arith.constant 0 : i32
        %dma_wait3A_1144 = tpu.memref_slice %arg4[%add3A, %dma_wait3A_1143] : memref<8x400xf32, #tpu.memory_space<hbm>> -> memref<1x400xf32, #tpu.memory_space<hbm>>
        %dma_wait3A_1145 = tpu.memref_squeeze %dma_wait3A_1144 : memref<1x400xf32, #tpu.memory_space<hbm>> -> memref<400xf32, #tpu.memory_space<hbm>>
        %dma_wait3A_1146 = arith.constant 0 : i32
        %dma_wait3A_1147 = tpu.memref_slice %arg4[%add3A, %dma_wait3A_1146] : memref<8x400xf32, #tpu.memory_space<hbm>> -> memref<1x400xf32, #tpu.memory_space<hbm>>
        %dma_wait3A_1148 = tpu.memref_squeeze %dma_wait3A_1147 : memref<1x400xf32, #tpu.memory_space<hbm>> -> memref<400xf32, #tpu.memory_space<hbm>>
        tpu.wait_dma2 semaphore(%run_scoped3A : memref<!tpu.dma_semaphore, #tpu.memory_space<semaphore_mem>>) src(%arg16 : memref<400xf32, #tpu.memory_space<vmem>>) dst(%dma_wait3A_1148 : memref<400xf32, #tpu.memory_space<hbm>>)
        tpu.yield
      }) : () -> ()
      "tpu.region"() ({
        %run_scoped3A = tpu.sem_alloc : memref<!tpu.dma_semaphore, #tpu.memory_space<semaphore_mem>>
        %dma_start3A_1137 = arith.constant 0 : i32
        %dma_start3A_1138 = tpu.memref_slice %arg5[%add3A, %dma_start3A_1137] : memref<8x112xf32, #tpu.memory_space<hbm>> -> memref<1x112xf32, #tpu.memory_space<hbm>>
        %dma_start3A_1139 = tpu.memref_squeeze %dma_start3A_1138 : memref<1x112xf32, #tpu.memory_space<hbm>> -> memref<112xf32, #tpu.memory_space<hbm>>
        %dma_start3A_1140 = arith.constant 0 : i32
        %dma_start3A_1141 = tpu.memref_slice %arg5[%add3A, %dma_start3A_1140] : memref<8x112xf32, #tpu.memory_space<hbm>> -> memref<1x112xf32, #tpu.memory_space<hbm>>
        %dma_start3A_1142 = tpu.memref_squeeze %dma_start3A_1141 : memref<1x112xf32, #tpu.memory_space<hbm>> -> memref<112xf32, #tpu.memory_space<hbm>>
        tpu.enqueue_dma source(%arg17 : memref<112xf32, #tpu.memory_space<vmem>>) target(%dma_start3A_1142 : memref<112xf32, #tpu.memory_space<hbm>>) target_semaphore(%run_scoped3A : memref<!tpu.dma_semaphore, #tpu.memory_space<semaphore_mem>>)
        %dma_wait3A_1143 = arith.constant 0 : i32
        %dma_wait3A_1144 = tpu.memref_slice %arg5[%add3A, %dma_wait3A_1143] : memref<8x112xf32, #tpu.memory_space<hbm>> -> memref<1x112xf32, #tpu.memory_space<hbm>>
        %dma_wait3A_1145 = tpu.memref_squeeze %dma_wait3A_1144 : memref<1x112xf32, #tpu.memory_space<hbm>> -> memref<112xf32, #tpu.memory_space<hbm>>
        %dma_wait3A_1146 = arith.constant 0 : i32
        %dma_wait3A_1147 = tpu.memref_slice %arg5[%add3A, %dma_wait3A_1146] : memref<8x112xf32, #tpu.memory_space<hbm>> -> memref<1x112xf32, #tpu.memory_space<hbm>>
        %dma_wait3A_1148 = tpu.memref_squeeze %dma_wait3A_1147 : memref<1x112xf32, #tpu.memory_space<hbm>> -> memref<112xf32, #tpu.memory_space<hbm>>
        tpu.wait_dma2 semaphore(%run_scoped3A : memref<!tpu.dma_semaphore, #tpu.memory_space<semaphore_mem>>) src(%arg17 : memref<112xf32, #tpu.memory_space<vmem>>) dst(%dma_wait3A_1148 : memref<112xf32, #tpu.memory_space<hbm>>)
        tpu.yield
      }) : () -> ()
      "tpu.region"() ({
        %run_scoped3A = tpu.sem_alloc : memref<!tpu.dma_semaphore, #tpu.memory_space<semaphore_mem>>
        %dma_start3A_1137 = arith.constant 0 : i32
        %dma_start3A_1138 = tpu.memref_slice %arg6[%add3A, %dma_start3A_1137] : memref<8x16xi32, #tpu.memory_space<hbm>> -> memref<1x16xi32, #tpu.memory_space<hbm>>
        %dma_start3A_1139 = tpu.memref_squeeze %dma_start3A_1138 : memref<1x16xi32, #tpu.memory_space<hbm>> -> memref<16xi32, #tpu.memory_space<hbm>>
        %dma_start3A_1140 = arith.constant 0 : i32
        %dma_start3A_1141 = tpu.memref_slice %arg6[%add3A, %dma_start3A_1140] : memref<8x16xi32, #tpu.memory_space<hbm>> -> memref<1x16xi32, #tpu.memory_space<hbm>>
        %dma_start3A_1142 = tpu.memref_squeeze %dma_start3A_1141 : memref<1x16xi32, #tpu.memory_space<hbm>> -> memref<16xi32, #tpu.memory_space<hbm>>
        tpu.enqueue_dma source(%arg18 : memref<16xi32, #tpu.memory_space<vmem>>) target(%dma_start3A_1142 : memref<16xi32, #tpu.memory_space<hbm>>) target_semaphore(%run_scoped3A : memref<!tpu.dma_semaphore, #tpu.memory_space<semaphore_mem>>)
        %dma_wait3A_1143 = arith.constant 0 : i32
        %dma_wait3A_1144 = tpu.memref_slice %arg6[%add3A, %dma_wait3A_1143] : memref<8x16xi32, #tpu.memory_space<hbm>> -> memref<1x16xi32, #tpu.memory_space<hbm>>
        %dma_wait3A_1145 = tpu.memref_squeeze %dma_wait3A_1144 : memref<1x16xi32, #tpu.memory_space<hbm>> -> memref<16xi32, #tpu.memory_space<hbm>>
        %dma_wait3A_1146 = arith.constant 0 : i32
        %dma_wait3A_1147 = tpu.memref_slice %arg6[%add3A, %dma_wait3A_1146] : memref<8x16xi32, #tpu.memory_space<hbm>> -> memref<1x16xi32, #tpu.memory_space<hbm>>
        %dma_wait3A_1148 = tpu.memref_squeeze %dma_wait3A_1147 : memref<1x16xi32, #tpu.memory_space<hbm>> -> memref<16xi32, #tpu.memory_space<hbm>>
        tpu.wait_dma2 semaphore(%run_scoped3A : memref<!tpu.dma_semaphore, #tpu.memory_space<semaphore_mem>>) src(%arg18 : memref<16xi32, #tpu.memory_space<vmem>>) dst(%dma_wait3A_1148 : memref<16xi32, #tpu.memory_space<hbm>>)
        tpu.yield
      }) : () -> ()
    } else {
    }
    return
  }
}

</mosaic_0001>

<sc_bundles>
// kernel: kernel.3.cloned.1.call-start
scs
__scs_entry_jumppad:
0x0: {  	(pc) =	sbr.rel $0x88, $3  }
0x1: {  	(tag) =	ssettag $0x0;
	lr =	simm.s32 $0x1  }
0x2: {  	[smem:$0x3F9F] =	sst lr;
	_ =	strace $0xD0000000  }
0x3: {  	_ = 	snop  }
0x4: {  	_ = 	snop  }
0x5: {  	_ = 	snop  }
0x6: {  	_ = 	snop  }
0x7: {  	_ = 	snop  }
__scs_overlays_trampoline_lowered:
0x8: {  	[smem:$0x3FAE] =	sst s0  }
0x9: {  	[smem:$0x3FAF] =	sst s1  }
0xa: {  	[smem:$0x3FB0] =	sst s2  }
0xb: {  	[smem:$0x3FB1] =	sst s3  }
0xc: {  	[smem:$0x3FB2] =	sst s4  }
0xd: {  	[smem:$0x3FB3] =	sst s5  }
0xe: {  	[smem:$0x3FB4] =	sst s6  }
0xf: {  	[smem:$0x3FB5] =	sst s7  }
0x10: {  	[smem:$0x3FB6] =	sst s8  }
0x11: {  	[smem:$0x3FB7] =	sst s9;
	s0 =	simm.s32 @!p0 $0x0  }
0x12: {  	s1 =	sld [smem:$0x3F9D];
	s0 =	simm.s32 @p0 $0x1  }
0x13: {  	[smem:$0x3FB8] =	sst s0;
	s0 =	simm.s32 @!p1 $0x0  }
0x14: {  	s2 =	sld [smem:$0x3F9C];
	s0 =	simm.s32 @p1 $0x1  }
0x15: {  	[smem:$0x3FB9] =	sst s0;
	s0 =	simm.s32 @!p2 $0x0  }
0x16: {  	s3 =	sld [smem:$0x3FDB];
	s0 =	simm.s32 @p2 $0x1  }
0x17: {  	s4 =	simm.s32 $0x1BF5;
	[smem:$0x3FBB] =	sst s0  }
0x18: {  	s0 =	sld [smem:$0x3F9E];
	_ =	swait.ge [sflag:s4], $0x0  }
0x19: {  	s7 =	sld [smem:$0x3F9F]  }
0x1a: {  	s8 =	sadd.s32 $0xFFFFE003, lr  }
0x1b: {  	s9 =	sadd.s32 $0xFFFFFEF7, lr;
	s5 =	simm.s32 $0xFFFFFFFF;
	p2 =	slt.u32 s8, $0xFFFFF086  }
0x1c: {  	p1 =	slt.u32 s9, $0xF7A;
	s5 =	simm.s32 @!p2 $0x0  }
0x1d: {  	s5 =	simm.s32 @p1 $0x1;
	p0 =	seq.s32 s7, s2  }
0x1e: {  	s7 =	smul.u32 @!p0 $0xF7A, s2;
	p2 =	seq.s32 @!p0 s5, $0x0  }
0x1f: {  	s9 =	smul.u32 $0xF7A, s1;
	s8 =	simm.s32 @!p0 $0x1BF5;
	p2 =	por !p2, p0  }
0x20: {  	[sflag:s8] =	ssyncset.s32 @!p0 $0xFFFFF086;
	s6 =	sadd.s32 @!p0 s3, s7;
	s7 =	simm.s32 @!p0 $0x108  }
0x21: {  	s3 =	sadd.s32 s3, s9;
	s6 =	sadd.s32 @!p0 $0x88, s6;
	s7 =	simm.s32 @p2 $0x1082  }
0x22: {  	[simem:s7], [sflag:s8] =	dma.local @!p0 [hbm:s6], $0xF7A  }
0x23: {  	s9 =	sor.u32 $0xD0000000, s2;
	s6 =	simm.s32 $0x108;
	_ =	swait.ge @!p0 [sflag:s8], $0x0  }
0x24: {  	s3 =	sadd.s32 $0x88, s3;
	s6 =	simm.s32 @!p1 $0x1082;
	[sflag:s4] =	ssyncset.s32 $0xFFFFF086  }
0x25: {  	[simem:s6], [sflag:s4] =	dma.local [hbm:s3], $0xF7A  }
0x26: {  	[smem:$0x3F9F] =	sst s1;
	(tag) =	ssettag s2;
	_ =	strace s9  }
0x27: {  	s1 =	sld [smem:$0x3FAF]  }
0x28: {  	s2 =	sld [smem:$0x3FB0]  }
0x29: {  	s4 =	sld [smem:$0x3FB2]  }
0x2a: {  	p0 =	seq.s32 s5, $0x0;
	s5 =	sld [smem:$0x3FB3]  }
0x2b: {  	s6 =	sld [smem:$0x3FB4]  }
0x2c: {  	s7 =	sld [smem:$0x3FB5]  }
0x2d: {  	s3 =	simm.s32 $0x108;
	s8 =	sld [smem:$0x3FB6]  }
0x2e: {  	s3 =	simm.s32 @!p0 $0x1082;
	s9 =	sld [smem:$0x3FB7]  }
0x2f: {  	lr =	sadd.s32 s0, s3;
	s0 =	sld [smem:$0x3FAE]  }
0x30: {  	s3 =	sld [smem:$0x3FB1]  }
0x31: {  	[smem:$0x3FBA] =	sst s10  }
0x32: {  	s10 =	sld [smem:$0x3FB8];
	_ =	sdelay $0x3  }
0x33: {  	p0 =	seq.s32 s10, $0x1;
	s10 =	sld [smem:$0x3FBA];
	_ =	sdelay $0x3  }
0x34: {  	[smem:$0x3FBA] =	sst s10  }
0x35: {  	s10 =	sld [smem:$0x3FB9];
	_ =	sdelay $0x3  }
0x36: {  	p1 =	seq.s32 s10, $0x1;
	s10 =	sld [smem:$0x3FBA];
	_ =	sdelay $0x3  }
0x37: {  	[smem:$0x3FBA] =	sst s10  }
0x38: {  	s10 =	sld [smem:$0x3FBB]  }
0x39: {  	_ = 	snop;
	(pc) =	sbr.ind lr, $3  }
0x3a: {  	_ = 	snop  }
0x3b: {  	_ = 	snop  }
0x3c: {  	p2 =	seq.s32 s10, $0x1;
	s10 =	sld [smem:$0x3FBA]  }
0x3d: {  	_ =	shalt  }
0x3e: {  	_ =	shalt  }
0x3f: {  	_ =	shalt  }
0x40: {  	_ =	shalt  }
0x41: {  	_ =	shalt  }
0x42: {  	_ =	shalt  }
0x43: {  	_ =	shalt  }
0x44: {  	_ =	shalt  }
0x45: {  	_ =	shalt  }
0x46: {  	_ =	shalt  }
0x47: {  	_ =	shalt  }
0x48: {  	_ =	shalt  }
0x49: {  	_ =	shalt  }
0x4a: {  	_ =	shalt  }
0x4b: {  	_ =	shalt  }
0x4c: {  	_ =	shalt  }
0x4d: {  	_ =	shalt  }
0x4e: {  	_ =	shalt  }
0x4f: {  	_ =	shalt  }
0x50: {  	_ =	shalt  }
0x51: {  	_ =	shalt  }
0x52: {  	_ =	shalt  }
0x53: {  	_ =	shalt  }
0x54: {  	_ =	shalt  }
0x55: {  	_ =	shalt  }
0x56: {  	_ =	shalt  }
0x57: {  	_ =	shalt  }
0x58: {  	_ =	shalt  }
0x59: {  	_ =	shalt  }
0x5a: {  	_ =	shalt  }
0x5b: {  	_ =	shalt  }
0x5c: {  	_ =	shalt  }
0x5d: {  	_ =	shalt  }
0x5e: {  	_ =	shalt  }
0x5f: {  	_ =	shalt  }
0x60: {  	_ =	shalt  }
0x61: {  	_ =	shalt  }
0x62: {  	_ =	shalt  }
0x63: {  	_ =	shalt  }
0x64: {  	_ =	shalt  }
0x65: {  	_ =	shalt  }
0x66: {  	_ =	shalt  }
0x67: {  	_ =	shalt  }
0x68: {  	_ =	shalt  }
0x69: {  	_ =	shalt  }
0x6a: {  	_ =	shalt  }
0x6b: {  	_ =	shalt  }
0x6c: {  	_ =	shalt  }
0x6d: {  	_ =	shalt  }
0x6e: {  	_ =	shalt  }
0x6f: {  	_ =	shalt  }
0x70: {  	_ =	shalt  }
0x71: {  	_ =	shalt  }
0x72: {  	_ =	shalt  }
0x73: {  	_ =	shalt  }
0x74: {  	_ =	shalt  }
0x75: {  	_ =	shalt  }
0x76: {  	_ =	shalt  }
0x77: {  	_ =	shalt  }
0x78: {  	_ =	shalt  }
0x79: {  	_ =	shalt  }
0x7a: {  	_ =	shalt  }
0x7b: {  	_ =	shalt  }
0x7c: {  	_ =	shalt  }
0x7d: {  	_ =	shalt  }
0x7e: {  	_ =	shalt  }
0x7f: {  	_ =	shalt  }
0x80: {  	_ =	shalt  }
0x81: {  	_ =	shalt  }
0x82: {  	_ =	shalt  }
0x83: {  	_ =	shalt  }
0x84: {  	_ =	shalt  }
0x85: {  	_ =	shalt  }
0x86: {  	_ =	shalt  }
0x87: {  	_ =	shalt  }
.Lfunc_end0:
.L_simem_size_0:
called_computation_lowered:
.L_overlay_start_0:
0x88: {  	s2 =	sld [smem:$0x3FD9]  }
0x89: {  	s3 =	sld [smem:$0x3FFE];
	_ =	sdelay $0x1  }
0x8a: {  	s1 =	srdreg.scid  }
0x8b: {  	s0 =	sand.u32 $0x1, s1  }
0x8c: {  	s14 =	sshll.u32 s0, $0xA;
	s2 =	sadd.s32 s3, s2  }
0x8d: {  	s2 =	sadd.s32 s2, s14  }
0x8e: {  	[smem:$0x3FC6] =	sst s2  }
0x8f: {  	_ = 	snop  }
0x90: {  	s2 =	sld [smem:$0x3FD0];
	_ =	sdelay $0x1  }
0x91: {  	s15 =	sld [smem:$0x3FC9]  }
0x92: {  	s5 =	simm.s32 $0xA;
	s6 =	simm.s32 $0x10;
	s4 =	sld [smem:$0x3FC8]  }
0x93: {  	[smem:s6], [sflag:s5] =	dma.local [hbm:s2], $0x1  }
0x94: {  	_ =	swait.eq [sflag:s5], $0x1  }
0x95: {  	[sflag:s5] =	ssyncset.done $0x0  }
0x96: {  	s16 =	sld [smem:$0x10];
	[sflag:s5] =	ssyncadd.s32 $0xFFFFFFFF  }
0x97: {  	s17 =	sld [smem:$0x11];
	(tm) =	ssettm $0x1  }
0x98: {  	s18 =	sld [smem:$0x3FFB];
	_ =	sdelay $0x3  }
0x99: {  	_ =	strace s18  }
0x9a: {  	s6 =	sld [smem:$0x3FFC];
	_ =	sdelay $0x3  }
0x9b: {  	_ =	strace s6  }
0x9c: {  	s6 =	sld [smem:$0x3FFD];
	_ =	sdelay $0x3  }
0x9d: {  	_ =	strace s6  }
0x9e: {  	_ =	strace $0x8FFFFFFF  }
0x9f: {  	s19 =	sld [smem:$0x3FDB];
	_ =	sdelay $0x1  }
0xa0: {  	s7 =	simm.s32 $_scs_section_size  }
0xa1: {  	s8 =	simm.s32 $_size__tile_overlayer_lowered;
	s9 =	simm.s32 $_tile_overlayer_lowered  }
0xa2: {  	s22 =	simm.s32 $0x1BFF;
	s21 =	sshll.u32 s9, $0x1;
	s6 =	sadd.s32 s7, s19  }
0xa3: {  	s10 =	simm.s32 $0x0;
	s20 =	sshll.u32 s8, $0x1;
	s8 =	sadd.s32 s21, s6  }
0xa4: {  	[timem:s10], [sflag:s22] =	dma.local [hbm:s8], s20  }
0xa5: {  	_ =	swait.ge [sflag:s22], s20  }
0xa6: {  	s7 =	ssub.s32 $0x0, s20;
	[sflag:s22] =	ssyncset.done $0x0  }
0xa7: {  	[sflag:s22] =	ssyncadd.s32 s7;
	_ =	sdelay $0x1  }
0xa8: {  	s23 =	simm.s32 $0x1B8B  }
0xa9: {  	_ =	swait.ge [sflag:s23], $0x1  }
0xaa: {  	[sflag:s23] =	ssyncset.done $0x0  }
0xab: {  	s25 =	simm.s32 $0x1B8E;
	s24 =	sld [smem:$0x3FFE];
	[sflag:s23] =	ssyncadd.s32 $0xFFFFFFFF  }
0xac: {  	s26 =	simm.s32 $execute0_lowered;
	[smem:$0x3FD2] =	sst s25  }
0xad: {  	s8 =	sshll.u32 s26, $0x1;
	_ =	strace $0x80000046;
	[dreg:$0x1] =	wrdreg $0xFFFFFFFF  }
0xae: {  	s28 =	simm.s32 $_size_execute0_lowered;
	s6 =	sadd.s32 s6, s8;
	[dreg:$0x0] =	wrdreg $0x0  }
0xaf: {  	s8 =	sshll.u32 s28, $0x1;
	[dreg:$0x2] =	wrdreg s6  }
0xb0: {  	[dreg:$0x3] =	wrdreg s8  }
0xb1: {  	[dreg:$0x4] =	wrdreg $0xC0  }
0xb2: {  	_ =	task [dreg:s10], $0x5FFFF  }
0xb3: {  	[dreg:$0x1] =	wrdreg $0xFFFFFFFF  }
0xb4: {  	[dreg:$0x0] =	wrdreg $0x60  }
0xb5: {  	[dreg:$0x2] =	wrdreg s15  }
0xb6: {  	[dreg:$0x3] =	wrdreg s4  }
0xb7: {  	[dreg:$0x4] =	wrdreg s16  }
0xb8: {  	[dreg:$0x5] =	wrdreg s17  }
0xb9: {  	[dreg:$0x6] =	wrdreg s24  }
0xba: {  	[dreg:$0x7] =	wrdreg $0x9  }
0xbb: {  	_ =	task.clear_ibuf [dreg:s10], $0x8FFFF;
	_ =	strace $0x90000046  }
0xbc: {  	s29 =	simm.s32 $0x9;
	_ =	strace $0x80000048  }
0xbd: {  	_ =	swait.ge [sflag:s29], $0x1  }
0xbe: {  	[sflag:s29] =	ssyncadd.s32 $0xFFFFFFFF  }
0xbf: {  	_ =	strace $0x90000048  }
0xc0: {  	_ =	sfence  }
0xc1: {  	s30 =	sld [smem:$0x0];
	_ =	sdelay $0x2  }
0xc2: {  	s31 =	sshll.u32 s1, $0xD;
	s1 =	sshrl.u32 s1, $0x2  }
0xc3: {  	s3 =	sand.u32 $0x4000, s31;
	s1 =	sadd.s32 s1, s30  }
0xc4: {  	s0 =	sor.u32 s3, s0;
	s1 =	sshll.u32 s1, $0x11  }
0xc5: {  	s0 =	sor.u32 s1, s0  }
0xc6: {  	s0 =	sadd.s32 $0x8F2B, s0  }
0xc7: {  	[sflag:s0] =	ssyncadd.remote.s32 $0x1  }
0xc8: {  	_ =	sfence.sel $0xFFFF  }
0xc9: {  	[dreg:$0x0] =	wrdreg $0xFFFFFFFF;
	(pc) =	sbr.abs _section_cstart, $3  }
0xca: {  	[dreg:$0x1] =	wrdreg $0xFFFFFFFF  }
0xcb: {  	_ =	task.clear_ibuf [dreg:s10], $0x2FFFF;
	_ =	strace $0x9FFFFFFF  }
0xcc: {  	(tm) =	ssettm $0x7FFFFFFF  }
0xcd: {  	_ =	shalt  }
tec
execute0_lowered:
.L_overlay_start_1:
0x0: {  	(tag) =	ssettag $0x1  }
0x1: {  	s6 =	stileid.u32  }
0x2: {  	s3 =	rddreg [dreg:$0x0];
	p0 =	sgt.u32 s6, $0x3  }
.Ltmp0:
0x3: {  	s0 =	rddreg [dreg:$0x1];
	(pc) =	sbr.rel @p0 .LBB2_23-.Ltmp0, $4  }
0x4: {  	s1 =	rddreg [dreg:$0x2]  }
0x5: {  	s5 =	rddreg [dreg:$0x3];
	s2 =	simm.s32 $0x0  }
0x6: {  	[smem:$0x7FF] =	sst s2  }
0x7: {  	s4 =	rddreg [dreg:$0x4];
	_ =	strace $0x80000047  }
0x8: {  	vm15 =	vmmov $0x1;
	v2 =	vimm.s32 $0x0  }
0x9: {  	v3 =	vimm.s32 $0x0;
	v2 =	vsel vm15, $0xFFFFFFFF, v2;
	vm15 =	vmmov $0x3  }
0xa: {  	v3 =	vsel vm15, $0xFFFFFFFF, v3  }
0xb: {  	vm15 =	vmmov $0x7;
	[tilespmem:$0x1FF20] =	vst v3;
	v3 =	vimm.s32 $0x0  }
0xc: {  	v3 =	vsel vm15, $0xFFFFFFFF, v3  }
0xd: {  	vm15 =	vmmov $0xf;
	[tilespmem:$0x1FF30] =	vst v3;
	v3 =	vimm.s32 $0x0  }
0xe: {  	v3 =	vsel vm15, $0xFFFFFFFF, v3  }
0xf: {  	vm15 =	vmmov $0x1f;
	[tilespmem:$0x1FF40] =	vst v3;
	v3 =	vimm.s32 $0x0  }
0x10: {  	v3 =	vsel vm15, $0xFFFFFFFF, v3  }
0x11: {  	vm15 =	vmmov $0x3f;
	[tilespmem:$0x1FF50] =	vst v3;
	v3 =	vimm.s32 $0x0  }
0x12: {  	v3 =	vsel vm15, $0xFFFFFFFF, v3  }
0x13: {  	vm15 =	vmmov $0x7f;
	[tilespmem:$0x1FF60] =	vst v3;
	v3 =	vimm.s32 $0x0  }
0x14: {  	v3 =	vsel vm15, $0xFFFFFFFF, v3  }
0x15: {  	vm15 =	vmmov $0xff;
	[tilespmem:$0x1FF70] =	vst v3;
	v3 =	vimm.s32 $0x0  }
0x16: {  	v3 =	vsel vm15, $0xFFFFFFFF, v3  }
0x17: {  	vm15 =	vmmov $0x1ff;
	[tilespmem:$0x1FF80] =	vst v3;
	v3 =	vimm.s32 $0x0  }
0x18: {  	v3 =	vsel vm15, $0xFFFFFFFF, v3  }
0x19: {  	vm15 =	vmmov $0x3ff;
	[tilespmem:$0x1FF90] =	vst v3;
	v3 =	vimm.s32 $0x0  }
0x1a: {  	v3 =	vsel vm15, $0xFFFFFFFF, v3  }
0x1b: {  	v0 =	vimm.f32 $0.0e+00;
	vm15 =	vmmov $0x7ff;
	[tilespmem:$0x1FFA0] =	vst v3;
	v3 =	vimm.s32 $0x0  }
0x1c: {  	v1 =	vimm.f32 $1.000000020e+30;
	vm0 =	vcmask $0x300;
	v3 =	vsel vm15, $0xFFFFFFFF, v3  }
0x1d: {  	vm1 =	vcmask $0x704;
	vm15 =	vmmov $0xfff;
	[tilespmem:$0x1FFB0] =	vst v3;
	v3 =	vimm.s32 $0x0  }
0x1e: {  	s6 =	srdreg.scid;
	s7 =	stileid.u32;
	vm2 =	vcmask $0xB08;
	vm3 =	vcmask $0xF0C;
	v3 =	vsel vm15, $0xFFFFFFFF, v3  }
0x1f: {  	vm4 =	vcmask $0x1310;
	s10 =	simm.s32 $0x400;
	s12 =	simm.s32 $0x2;
	s13 =	simm.s32 $0x1;
	vm15 =	vmmov $0x1fff;
	[tilespmem:$0x1FFC0] =	vst v3;
	v3 =	vimm.s32 $0x0  }
0x20: {  	vm5 =	vcmask $0x1714;
	vm6 =	vcmask $0x1B18;
	s17 =	simm.s32 $0x0;
	s6 =	sand.u32 $0x1, s6;
	s7 =	sshll.u32 s7, $0x1;
	v3 =	vsel vm15, $0xFFFFFFFF, v3  }
.Ltmp1:
0x21: {  	vm7 =	vcmask $0x1F1C;
	s7 =	sor.u32 s6, s7;
	s6 =	ssub.s32 $0x2, s6;
	vm15 =	vmmov $0x3fff;
	[tilespmem:$0x1FFD0] =	vst v3;
	v3 =	vimm.s32 $0x0;
	(pc) =	sbr.rel .LBB2_2-.Ltmp1, $4  }
0x22: {  	vm8 =	vcmask $0x2320;
	vm9 =	vcmask $0x2724;
	s8 =	smul.u32 $0x2740, s7;
	s7 =	sshll.u32 s7, $0x4;
	s30 =	sshrl.u32 s6, $0x1;
	v3 =	vsel vm15, $0xFFFFFFFF, v3  }
0x23: {  	vm10 =	vcmask $0x2B28;
	s9 =	sadd.s32 s7, s4;
	s4 =	sadd.s32 s1, s7;
	s5 =	sadd.s32 s5, s7;
	vm15 =	vmmov $0x7fff;
	[tilespmem:$0x1FFE0] =	vst v3;
	v3 =	vimm.s32 $0x0  }
0x24: {  	vm11 =	vcmask $0x2F2C;
	vm12 =	vcmask $0x3330;
	[tilespmem:$0x1FF10] =	vst v2;
	s31 =	ssub.s32 s6, s30;
	s7 =	sadd.s32 s0, s7;
	s0 =	simm.s32 $0x80;
	v3 =	vsel vm15, $0xFFFFFFFF, v3  }
0x25: {  	vm13 =	vcmask $0x3734;
	vm14 =	vcmask $0x3B38;
	v2 =	vlaneseq.u32;
	s3 =	sadd.s32 s3, s8;
	s6 =	sadd.s32 $0x400, s9;
	s8 =	smax.u32 s31, $0x1;
	[tilespmem:$0x1FFF0] =	vst v3  }
.LBB2_21:
0x26: {  	s19 =	smov.u32 @p1 s19;
	vm0 =	vcmask $0x300  }
.LBB2_22:
0x27: {  	v3 =	vmov s19  }
0x28: {  	v3 =	vnsel vm0, $0x0, v3  }
0x29: {  	s0 =	simm.s32 $0x80;
	s1 =	simm.s32 $0x19080;
	[tilespmem:$0x19300] =	vst v3  }
0x2a: {  	[hbm4b:s4+s0] =	stream.strided.scatter [tilespmem:s1], [sflag:$0x2], $0x200, s10, s0, $0x38;
	[tilespmem:$0x19380] =	vst v63  }
0x2b: {  	_ =	swait.ge [sflag:s12], $0x200  }
0x2c: {  	[sflag:s12] =	ssyncset.done $0x0  }
0x2d: {  	s30 =	simm.s32 $0x19280;
	[sflag:s12] =	ssyncadd.s32 $0xFFFFFE00  }
0x2e: {  	[hbm4b:s5+s2] =	stream.linear.scatter [tilespmem:s30], [sflag:$0x2], $0x80, $0x38;
	[tilespmem:$0x19380] =	vst v63  }
0x2f: {  	s17 =	sadd.s32 $0x1, s17;
	_ =	swait.ge [sflag:s12], $0x80  }
0x30: {  	p0 =	sne.s32 s17, s8;
	[sflag:s12] =	ssyncset.done $0x0  }
.Ltmp2:
0x31: {  	s31 =	simm.s32 $0x19300;
	[sflag:s12] =	ssyncadd.s32 $0xFFFFFF80;
	(pc) =	sbr.rel @!p0 .LBB2_23-.Ltmp2, $4  }
0x32: {  	[hbm4b:s6+s2] =	stream.linear.scatter [tilespmem:s31], [sflag:$0x2], $0x80, $0x38;
	[tilespmem:$0x19380] =	vst v63  }
0x33: {  	_ =	swait.ge [sflag:s12], $0x80  }
0x34: {  	[sflag:s12] =	ssyncset.done $0x0  }
0x35: {  	[sflag:s12] =	ssyncadd.s32 $0xFFFFFF80  }
.LBB2_2:
0x36: {  	s1 =	simm.s32 $0x13A00  }
0x37: {  	[tilespmem:s1], [sflag:$0x2] =	stream.strided.gather [hbm4b:s7+s0], $0x4E80, s10, s0, $0x38;
	[tilespmem:$0x19380] =	vst v63  }
0x38: {  	_ =	swait.ge [sflag:s12], $0x4E80  }
0x39: {  	[sflag:s12] =	ssyncset.done $0x0  }
0x3a: {  	s0 =	simm.s32 $0x0;
	[sflag:s12] =	ssyncadd.s32 $0xFFFFB180  }
0x3b: {  	[tilespmem:s0], [sflag:$0x1] =	stream.linear.gather [hbm4b:s3+s0], $0x13A00, $0x38;
	[tilespmem:$0x19380] =	vst v63  }
0x3c: {  	[tilespmem:$0x19080] =	vst v0  }
0x3d: {  	[tilespmem:$0x19090] =	vst v0  }
0x3e: {  	[tilespmem:$0x190A0] =	vst v0  }
0x3f: {  	[tilespmem:$0x190B0] =	vst v0  }
0x40: {  	[tilespmem:$0x190C0] =	vst v0  }
0x41: {  	[tilespmem:$0x190D0] =	vst v0  }
0x42: {  	[tilespmem:$0x190E0] =	vst v0  }
0x43: {  	[tilespmem:$0x190F0] =	vst v0  }
0x44: {  	[tilespmem:$0x19100] =	vst v0  }
0x45: {  	[tilespmem:$0x19110] =	vst v0  }
0x46: {  	[tilespmem:$0x19120] =	vst v0  }
0x47: {  	[tilespmem:$0x19130] =	vst v0  }
0x48: {  	[tilespmem:$0x19140] =	vst v0  }
0x49: {  	[tilespmem:$0x19150] =	vst v0  }
0x4a: {  	[tilespmem:$0x19160] =	vst v0  }
0x4b: {  	[tilespmem:$0x19170] =	vst v0  }
0x4c: {  	[tilespmem:$0x19180] =	vst v0  }
0x4d: {  	[tilespmem:$0x19190] =	vst v0  }
0x4e: {  	[tilespmem:$0x191A0] =	vst v0  }
0x4f: {  	[tilespmem:$0x191B0] =	vst v0  }
0x50: {  	[tilespmem:$0x191C0] =	vst v0  }
0x51: {  	[tilespmem:$0x191D0] =	vst v0  }
0x52: {  	[tilespmem:$0x191E0] =	vst v0  }
0x53: {  	[tilespmem:$0x191F0] =	vst v0  }
0x54: {  	[tilespmem:$0x19200] =	vst v0  }
0x55: {  	[tilespmem:$0x19280] =	vst v0  }
0x56: {  	[tilespmem:$0x18E00] =	vst v1  }
0x57: {  	[tilespmem:$0x18E80] =	vst v1  }
0x58: {  	[tilespmem:$0x18F00] =	vst v1  }
0x59: {  	[tilespmem:$0x18F80] =	vst v1  }
0x5a: {  	[tilespmem:$0x19000] =	vst v0  }
0x5b: {  	[tilespmem:$0x19290] =	vst v0  }
0x5c: {  	[tilespmem:$0x18E10] =	vst v1  }
0x5d: {  	[tilespmem:$0x18E90] =	vst v1  }
0x5e: {  	[tilespmem:$0x18F10] =	vst v1  }
0x5f: {  	[tilespmem:$0x18F90] =	vst v1  }
0x60: {  	[tilespmem:$0x19010] =	vst v0  }
0x61: {  	[tilespmem:$0x192A0] =	vst v0  }
0x62: {  	[tilespmem:$0x18E20] =	vst v1  }
0x63: {  	[tilespmem:$0x18EA0] =	vst v1  }
0x64: {  	[tilespmem:$0x18F20] =	vst v1  }
0x65: {  	[tilespmem:$0x18FA0] =	vst v1  }
0x66: {  	[tilespmem:$0x19020] =	vst v0  }
0x67: {  	[tilespmem:$0x192B0] =	vst v0  }
0x68: {  	[tilespmem:$0x18E30] =	vst v1  }
0x69: {  	[tilespmem:$0x18EB0] =	vst v1  }
0x6a: {  	[tilespmem:$0x18F30] =	vst v1  }
0x6b: {  	[tilespmem:$0x18FB0] =	vst v1  }
0x6c: {  	[tilespmem:$0x19030] =	vst v0  }
0x6d: {  	[tilespmem:$0x192C0] =	vst v0  }
0x6e: {  	[tilespmem:$0x18E40] =	vst v1  }
0x6f: {  	[tilespmem:$0x18EC0] =	vst v1  }
0x70: {  	[tilespmem:$0x18F40] =	vst v1  }
0x71: {  	[tilespmem:$0x18FC0] =	vst v1  }
0x72: {  	[tilespmem:$0x19040] =	vst v0  }
0x73: {  	[tilespmem:$0x192D0] =	vst v0  }
0x74: {  	[tilespmem:$0x18E50] =	vst v1  }
0x75: {  	[tilespmem:$0x18ED0] =	vst v1  }
0x76: {  	[tilespmem:$0x18F50] =	vst v1  }
0x77: {  	[tilespmem:$0x18FD0] =	vst v1  }
0x78: {  	[tilespmem:$0x19050] =	vst v0  }
0x79: {  	[tilespmem:$0x192E0] =	vst v0  }
0x7a: {  	[tilespmem:$0x18E60] =	vst v1  }
0x7b: {  	[tilespmem:$0x18EE0] =	vst v1  }
0x7c: {  	[tilespmem:$0x18F60] =	vst v1  }
0x7d: {  	p1 =	por $0x1, $0x1;
	s1 =	simm.s32 $0xF0;
	[tilespmem:$0x18FE0] =	vst v1  }
0x7e: {  	p0 =	por $0x0, $0x0;
	s1 =	simm.s32 @!p1 $0x0;
	[tilespmem:$0x19060] =	vst v0  }
0x7f: {  	s11 =	simm.s32 $0x10;
	s0 =	simm.s32 @p0 $0x0;
	v3 =	vld [tilespmem:s1+$0x13A00]  }
0x80: {  	s11 =	simm.s32 @p0 $0x0;
	p1 =	por $0x1, $0x1;
	s1 =	simm.s32 $0x20;
	v4 =	vld [tilespmem:s0+$0x13A00]  }
0x81: {  	s0 =	simm.s32 $0x30;
	v5 =	vld [tilespmem:s11+$0x13A00];
	s1 =	simm.s32 @!p1 $0x0;
	p1 =	por $0x1, $0x1  }
0x82: {  	s11 =	simm.s32 $0x40;
	v6 =	vld [tilespmem:s1+$0x13A00];
	s0 =	simm.s32 @!p1 $0x0;
	p1 =	por $0x1, $0x1  }
0x83: {  	s1 =	simm.s32 $0x50;
	v7 =	vld [tilespmem:s0+$0x13A00];
	s11 =	simm.s32 @!p1 $0x0;
	p1 =	por $0x1, $0x1  }
0x84: {  	s0 =	simm.s32 $0x60;
	v8 =	vld [tilespmem:s11+$0x13A00];
	s1 =	simm.s32 @!p1 $0x0;
	p1 =	por $0x1, $0x1;
	(xrf0) =	vmax.scan.msk.f32 $0xffff, v3  }
0x85: {  	s11 =	simm.s32 $0x70;
	v3 =	vld [tilespmem:s1+$0x13A00];
	s0 =	simm.s32 @!p1 $0x0;
	p1 =	por $0x1, $0x1;
	(xrf0) =	vmax.scan.msk.f32 $0xffff, v4  }
0x86: {  	s1 =	simm.s32 $0x80;
	v4 =	vld [tilespmem:s0+$0x13A00];
	s11 =	simm.s32 @!p1 $0x0;
	p1 =	por $0x1, $0x1;
	(xrf0) =	vmax.scan.msk.f32 $0xffff, v5  }
0x87: {  	s0 =	simm.s32 $0x90;
	v5 =	vld [tilespmem:s11+$0x13A00];
	s1 =	simm.s32 @!p1 $0x0;
	p1 =	por $0x1, $0x1;
	(xrf0) =	vmax.scan.msk.f32 $0xffff, v6  }
0x88: {  	p5 =	por $0x1, $0x1;
	s11 =	simm.s32 $0xA0;
	v61 =	vld [tilespmem:s1+$0x13A00];
	s0 =	simm.s32 @!p1 $0x0;
	(xrf0) =	vmax.scan.msk.f32 $0xffff, v7  }
0x89: {  	p4 =	por $0x1, $0x1;
	s1 =	simm.s32 $0xB0;
	s11 =	simm.s32 @!p5 $0x0;
	v62 =	vld [tilespmem:s0+$0x13A00];
	(xrf0) =	vmax.scan.msk.f32 $0xffff, v8  }
0x8a: {  	p3 =	por $0x1, $0x1;
	s0 =	simm.s32 $0xC0;
	v63 =	vld [tilespmem:s11+$0x13A00];
	s1 =	simm.s32 @!p4 $0x0;
	(xrf0) =	vmax.scan.msk.f32 $0xffff, v3;
	v3, _, _ =	vpop (xrf0)  }
0x8b: {  	v9 =	vld [tilespmem:s1+$0x13A00];
	s0 =	simm.s32 @!p3 $0x0;
	v10, _, _ =	vpop (xrf0);
	(xrf0) =	vmax.scan.msk.f32 $0xffff, v4;
	(v2sf) =	vpush v3, $0xF  }
0x8c: {  	v3 =	vld [tilespmem:s0+$0x13A00];
	(v2sf) =	vpush v10, $0xF;
	v4, _, _ =	vpop (xrf0);
	(xrf0) =	vmax.scan.msk.f32 $0xffff, v5  }
0x8d: {  	(v2sf) =	vpush v4, $0xF;
	v4, _, _ =	vpop (xrf0);
	(xrf0) =	vmax.scan.msk.f32 $0xffff, v61  }
0x8e: {  	p1 =	por $0x1, $0x1;
	s11 =	simm.s32 $0xD0;
	(v2sf) =	vpush v4, $0xF;
	v4, _, _ =	vpop (xrf0);
	(xrf0) =	vmax.scan.msk.f32 $0xffff, v62  }
0x8f: {  	p2 =	por $0x1, $0x1;
	s11 =	simm.s32 @!p1 $0x0;
	s0 =	simm.s32 $0xE0;
	(v2sf) =	vpush v4, $0xF;
	v4, _, _ =	vpop (xrf0);
	(xrf0) =	vmax.scan.msk.f32 $0xffff, v63  }
0x90: {  	v5 =	vld [tilespmem:s11+$0x13A00];
	s0 =	simm.s32 @!p2 $0x0;
	(v2sf) =	vpush v4, $0xF;
	v4, _, _ =	vpop (xrf0);
	(xrf0) =	vmax.scan.msk.f32 $0xffff, v9  }
0x91: {  	(v2sf) =	vpush v4, $0xF;
	v4, _, _ =	vpop (xrf0);
	(xrf0) =	vmax.scan.msk.f32 $0xffff, v3;
	v3 =	vld [tilespmem:s0+$0x13A00];
	_ =	sdelay $0x3  }
0x92: {  	(v2sf) =	vpush v4, $0xF;
	v4, _, _ =	vpop (xrf0);
	(xrf0) =	vmax.scan.msk.f32 $0xffff, v5  }
0x93: {  	(v2sf) =	vpush v4, $0xF;
	v4, _, _ =	vpop (xrf0);
	(xrf0) =	vmax.scan.msk.f32 $0xffff, v3  }
0x94: {  	(v2sf) =	vpush v4, $0xF;
	v4, _, _ =	vpop (xrf0)  }
0x95: {  	(v2sf) =	vpush v4, $0xF;
	v4, _, _ =	vpop (xrf0)  }
0x96: {  	(v2sf) =	vpush v4, $0xF;
	v4, _, _ =	vpop (xrf0)  }
0x97: {  	(v2sf) =	vpush v4, $0xF;
	v3, _, _ =	vpop (xrf0)  }
0x98: {  	p6 =	por $0x1, $0x1;
	s20 =	simm.s32 $0x100;
	(v2sf) =	vpush v3, $0xF;
	v3, _, _ =	vpop (xrf0)  }
0x99: {  	s21 =	simm.s32 $0x1D0;
	s22 =	simm.s32 $0x1C0;
	s24 =	simm.s32 $0x1B0;
	(v2sf) =	vpush v3, $0xF;
	v3, _, _ =	vpop (xrf0)  }
0x9a: {  	s25 =	simm.s32 $0x1A0;
	s26 =	simm.s32 $0x190;
	s0 =	spop (v2sf);
	(v2sf) =	vpush v3, $0xF  }
0x9b: {  	s29 =	simm.s32 $0x170;
	s0 =	simm.s32 @!p6 $0xF149F2CA;
	s1 =	spop (v2sf)  }
0x9c: {  	s30 =	simm.s32 $0x160;
	s1 =	simm.s32 @p0 $0xF149F2CA;
	s11 =	spop (v2sf);
	v3 =	vmov s0  }
0x9d: {  	s11 =	simm.s32 @p0 $0xF149F2CA;
	s14 =	spop (v2sf);
	p0 =	por $0x1, $0x1;
	v3 =	vsel vm0, s1, v3  }
0x9e: {  	s14 =	simm.s32 @!p0 $0xF149F2CA;
	s18 =	spop (v2sf);
	p0 =	por $0x1, $0x1;
	v3 =	vsel vm1, s11, v3  }
0x9f: {  	s18 =	simm.s32 @!p0 $0xF149F2CA;
	s19 =	spop (v2sf);
	p0 =	por $0x1, $0x1;
	v3 =	vsel vm2, s14, v3  }
0xa0: {  	s19 =	simm.s32 @!p0 $0xF149F2CA;
	s0 =	spop (v2sf);
	p0 =	por $0x1, $0x1;
	v3 =	vsel vm3, s18, v3  }
0xa1: {  	s0 =	simm.s32 @!p0 $0xF149F2CA;
	s1 =	spop (v2sf);
	p0 =	por $0x1, $0x1;
	v3 =	vsel vm4, s19, v3  }
0xa2: {  	s1 =	simm.s32 @!p0 $0xF149F2CA;
	s11 =	spop (v2sf);
	p0 =	por $0x1, $0x1;
	v3 =	vsel vm5, s0, v3  }
0xa3: {  	s11 =	simm.s32 @!p0 $0xF149F2CA;
	s14 =	spop (v2sf);
	p0 =	por $0x1, $0x1;
	v3 =	vsel vm6, s1, v3  }
0xa4: {  	s14 =	simm.s32 @!p0 $0xF149F2CA;
	s23 =	spop (v2sf);
	p0 =	por $0x1, $0x1;
	v3 =	vsel vm7, s11, v3  }
0xa5: {  	s31 =	simm.s32 $0x150;
	s23 =	simm.s32 @!p0 $0xF149F2CA;
	s28 =	spop (v2sf);
	v3 =	vsel vm8, s14, v3  }
0xa6: {  	s18 =	simm.s32 $0x18880;
	s28 =	simm.s32 @!p5 $0xF149F2CA;
	s0 =	spop (v2sf);
	v3 =	vsel vm9, s23, v3  }
0xa7: {  	s19 =	simm.s32 $0x1F;
	s0 =	simm.s32 @!p4 $0xF149F2CA;
	s1 =	spop (v2sf);
	v3 =	vsel vm10, s28, v3  }
0xa8: {  	s11 =	simm.s32 $0x120;
	s1 =	simm.s32 @!p3 $0xF149F2CA;
	s15 =	spop (v2sf);
	v3 =	vsel vm11, s0, v3  }
0xa9: {  	s14 =	simm.s32 $0x1F0;
	s15 =	simm.s32 @!p1 $0xF149F2CA;
	v3 =	vsel vm12, s1, v3;
	s16 =	spop (v2sf)  }
0xaa: {  	s23 =	simm.s32 $0x200;
	s28 =	simm.s32 $0x180;
	v3 =	vsel vm13, s15, v3;
	s16 =	simm.s32 @!p2 $0xF149F2CA  }
0xab: {  	s0 =	simm.s32 $0x140;
	p1 =	por $0x1, $0x1;
	s1 =	simm.s32 $0x130;
	v3 =	vsel vm14, s16, v3  }
.LBB2_3:
0xac: {  	p0 =	sne.s32 s23, $0x4F00  }
0xad: {  	p2 =	seq.s32 s20, $0x4F00;
	s14 =	simm.s32 @!p1 $0x0;
	s9 =	simm.s32 @!p0 $0x0  }
0xae: {  	[tilespmem:s18+$0x0] =	vst v3;
	s15 =	smov.u32 s20;
	s16 =	sadd.s32 $0x10, s20;
	s9 =	simm.s32 @p0 $0x1  }
0xaf: {  	s15 =	simm.s32 @p2 $0x0;
	v3 =	vld [tilespmem:s14+$0x13A00];
	[smem:$0x7FD] =	sst s9;
	s9 =	sadd.s32 $0xFFFFFFF3, s19  }
0xb0: {  	s16 =	simm.s32 @p2 $0x0;
	s14 =	sadd.s32 $0xFFFFFFF7, s19;
	v4 =	vld [tilespmem:s15+$0x13A00];
	p0 =	slt.u32 s9, $0x4E2  }
0xb1: {  	s15 =	sadd.s32 $0xFFFFFFF4, s19;
	v5 =	vld [tilespmem:s16+$0x13A00];
	s16 =	sadd.s32 $0xFFFFFFF5, s19;
	s9 =	simm.s32 @!p0 $0x0  }
0xb2: {  	s11 =	simm.s32 @!p0 $0x0;
	s9 =	simm.s32 @p0 $0x1;
	p0 =	slt.u32 s15, $0x4E2  }
0xb3: {  	v6 =	vld [tilespmem:s11+$0x13A00];
	s11 =	sadd.s32 $0xFFFFFFF6, s19;
	[smem:$0x7F5] =	sst s9;
	s9 =	simm.s32 @!p0 $0x0  }
0xb4: {  	s1 =	simm.s32 @!p0 $0x0;
	s9 =	simm.s32 @p0 $0x1;
	p0 =	slt.u32 s16, $0x4E2  }
0xb5: {  	s15 =	sadd.s32 $0xFFFFFFF8, s19;
	[smem:$0x7F6] =	sst s9;
	s9 =	simm.s32 @!p0 $0x0  }
0xb6: {  	s16 =	sadd.s32 $0xFFFFFFF9, s19;
	s0 =	simm.s32 @!p0 $0x0;
	s9 =	simm.s32 @p0 $0x1  }
0xb7: {  	p0 =	slt.u32 s11, $0x4E2;
	s11 =	sadd.s32 $0xFFFFFFFC, s19;
	[smem:$0x7F7] =	sst s9  }
0xb8: {  	v7 =	vld [tilespmem:s1+$0x13A00];
	s1 =	simm.s32 @!p0 $0x0;
	s31 =	simm.s32 @!p0 $0x0;
	s9 =	sadd.s32 $0xFFFFFFFB, s19  }
0xb9: {  	p5 =	slt.u32 s11, $0x4E2;
	s1 =	simm.s32 @p0 $0x1;
	p0 =	slt.u32 s14, $0x4E2  }
0xba: {  	v8 =	vld [tilespmem:s0+$0x13A00];
	p6 =	slt.u32 s9, $0x4E2;
	[smem:$0x7F8] =	sst s1;
	s0 =	simm.s32 @!p0 $0x0  }
0xbb: {  	s30 =	simm.s32 @!p0 $0x0;
	s0 =	simm.s32 @p0 $0x1;
	p0 =	slt.u32 s15, $0x4E2  }
0xbc: {  	(xrf0) =	vmax.scan.msk.f32 $0xffff, v3;
	s14 =	sadd.s32 $0xFFFFFFFD, s19;
	[smem:$0x7F9] =	sst s0;
	s0 =	simm.s32 @!p0 $0x0  }
0xbd: {  	(xrf0) =	vmax.scan.msk.f32 $0xffff, v4;
	v3 =	vld [tilespmem:s31+$0x13A00];
	s29 =	simm.s32 @!p0 $0x0;
	s0 =	simm.s32 @p0 $0x1;
	p0 =	slt.u32 s16, $0x4E2  }
0xbe: {  	(xrf0) =	vmax.scan.msk.f32 $0xffff, v5;
	s1 =	sadd.s32 $0xFFFFFFFA, s19;
	v4 =	vld [tilespmem:s30+$0x13A00];
	[smem:$0x7FA] =	sst s0;
	s0 =	simm.s32 @!p0 $0x0  }
0xbf: {  	(xrf0) =	vmax.scan.msk.f32 $0xffff, v6;
	v5 =	vld [tilespmem:s29+$0x13A00];
	s28 =	simm.s32 @!p0 $0x0;
	s0 =	simm.s32 @p0 $0x1;
	p0 =	slt.u32 s1, $0x4E2  }
0xc0: {  	s24 =	simm.s32 @!p5 $0x0;
	(xrf0) =	vmax.scan.msk.f32 $0xffff, v7;
	p4 =	slt.u32 s14, $0x4E2;
	v60 =	vld [tilespmem:s28+$0x13A00];
	s26 =	simm.s32 @!p0 $0x0  }
0xc1: {  	s25 =	simm.s32 @!p6 $0x0;
	s15 =	sadd.s32 $0xFFFFFFFE, s19;
	s22 =	simm.s32 @!p4 $0x0;
	(xrf0) =	vmax.scan.msk.f32 $0xffff, v8;
	v61 =	vld [tilespmem:s26+$0x13A00]  }
0xc2: {  	v62 =	vld [tilespmem:s25+$0x13A00];
	p3 =	slt.u32 s15, $0x4E2;
	(xrf0) =	vmax.scan.msk.f32 $0xffff, v3;
	v3, _, _ =	vpop (xrf0);
	[smem:$0x7FB] =	sst s0;
	s0 =	simm.s32 @!p0 $0x0  }
0xc3: {  	v9 =	vld [tilespmem:s24+$0x13A00];
	s16 =	sadd.s32 $0xFFFFFFFF, s19;
	s21 =	simm.s32 @!p3 $0x0;
	v10, _, _ =	vpop (xrf0);
	(v2sf) =	vpush v3, $0xF;
	(xrf0) =	vmax.scan.msk.f32 $0xffff, v4;
	s0 =	simm.s32 @p0 $0x1  }
0xc4: {  	v3 =	vld [tilespmem:s22+$0x13A00];
	(v2sf) =	vpush v10, $0xF;
	v4, _, _ =	vpop (xrf0);
	p0 =	slt.u32 s16, $0x4E2;
	[smem:$0x7FC] =	sst s0;
	s0 =	sadd.s32 $0xE0, s20;
	(xrf0) =	vmax.scan.msk.f32 $0xffff, v5  }
0xc5: {  	(v2sf) =	vpush v4, $0xF;
	v4, _, _ =	vpop (xrf0);
	v5 =	vld [tilespmem:s21+$0x13A00];
	s0 =	simm.s32 @!p0 $0x0;
	(xrf0) =	vmax.scan.msk.f32 $0xffff, v60  }
0xc6: {  	(v2sf) =	vpush v4, $0xF;
	v4, _, _ =	vpop (xrf0);
	v63 =	vld [tilespmem:s0+$0x13A00];
	(xrf0) =	vmax.scan.msk.f32 $0xffff, v61  }
0xc7: {  	(v2sf) =	vpush v4, $0xF;
	v4, _, _ =	vpop (xrf0);
	(xrf0) =	vmax.scan.msk.f32 $0xffff, v62  }
0xc8: {  	(v2sf) =	vpush v4, $0xF;
	v4, _, _ =	vpop (xrf0);
	(xrf0) =	vmax.scan.msk.f32 $0xffff, v9  }
0xc9: {  	(v2sf) =	vpush v4, $0xF;
	v4, _, _ =	vpop (xrf0);
	(xrf0) =	vmax.scan.msk.f32 $0xffff, v3  }
0xca: {  	(v2sf) =	vpush v4, $0xF;
	v3, _, _ =	vpop (xrf0);
	(xrf0) =	vmax.scan.msk.f32 $0xffff, v5  }
0xcb: {  	(v2sf) =	vpush v3, $0xF;
	v3, _, _ =	vpop (xrf0);
	(xrf0) =	vmax.scan.msk.f32 $0xffff, v63  }
0xcc: {  	(v2sf) =	vpush v3, $0xF;
	v3, _, _ =	vpop (xrf0)  }
0xcd: {  	s24 =	sld [smem:$0x7F7];
	(v2sf) =	vpush v3, $0xF;
	v3, _, _ =	vpop (xrf0)  }
0xce: {  	s25 =	sld [smem:$0x7F8];
	(v2sf) =	vpush v3, $0xF;
	v3, _, _ =	vpop (xrf0)  }
0xcf: {  	s22 =	sld [smem:$0x7F6];
	(v2sf) =	vpush v3, $0xF;
	v3, _, _ =	vpop (xrf0)  }
0xd0: {  	s11 =	sld [smem:$0x7FA];
	(v2sf) =	vpush v3, $0xF;
	v3, _, _ =	vpop (xrf0)  }
0xd1: {  	s26 =	sld [smem:$0x7F9];
	(v2sf) =	vpush v3, $0xF;
	v3, _, _ =	vpop (xrf0)  }
0xd2: {  	s21 =	sld [smem:$0x7F5];
	s0 =	spop (v2sf);
	(v2sf) =	vpush v3, $0xF  }
0xd3: {  	s14 =	sld [smem:$0x7FB];
	s0 =	simm.s32 @!p1 $0xF149F2CA;
	s1 =	spop (v2sf)  }
0xd4: {  	s15 =	sld [smem:$0x7FC];
	s1 =	simm.s32 @p2 $0xF149F2CA;
	v3 =	vmov s0;
	s0 =	spop (v2sf)  }
0xd5: {  	p1 =	seq.s32 s21, $0x1;
	s0 =	simm.s32 @p2 $0xF149F2CA;
	v3 =	vsel vm0, s1, v3;
	s1 =	spop (v2sf)  }
0xd6: {  	s1 =	simm.s32 @!p1 $0xF149F2CA;
	v3 =	vsel vm1, s0, v3;
	s0 =	spop (v2sf);
	p1 =	seq.s32 s22, $0x1  }
0xd7: {  	s0 =	simm.s32 @!p1 $0xF149F2CA;
	v3 =	vsel vm2, s1, v3;
	s1 =	spop (v2sf);
	p1 =	seq.s32 s24, $0x1  }
0xd8: {  	s1 =	simm.s32 @!p1 $0xF149F2CA;
	v3 =	vsel vm3, s0, v3;
	s0 =	spop (v2sf);
	p1 =	seq.s32 s25, $0x1  }
0xd9: {  	s0 =	simm.s32 @!p1 $0xF149F2CA;
	v3 =	vsel vm4, s1, v3;
	s1 =	spop (v2sf);
	p1 =	seq.s32 s26, $0x1  }
0xda: {  	s1 =	simm.s32 @!p1 $0xF149F2CA;
	v3 =	vsel vm5, s0, v3;
	p1 =	seq.s32 s11, $0x1;
	s0 =	spop (v2sf)  }
0xdb: {  	v3 =	vsel vm6, s1, v3;
	s0 =	simm.s32 @!p1 $0xF149F2CA;
	s1 =	spop (v2sf);
	p1 =	seq.s32 s14, $0x1  }
0xdc: {  	s1 =	simm.s32 @!p1 $0xF149F2CA;
	v3 =	vsel vm7, s0, v3;
	p1 =	seq.s32 s15, $0x1;
	s0 =	spop (v2sf)  }
0xdd: {  	v3 =	vsel vm8, s1, v3;
	s0 =	simm.s32 @!p1 $0xF149F2CA;
	s1 =	spop (v2sf)  }
0xde: {  	s18 =	sadd.s32 $0x10, s18;
	s1 =	simm.s32 @!p6 $0xF149F2CA;
	v3 =	vsel vm9, s0, v3;
	s0 =	spop (v2sf)  }
0xdf: {  	s31 =	sadd.s32 $0x50, s23;
	s16 =	sld [smem:$0x7FD];
	v3 =	vsel vm10, s1, v3;
	s1 =	spop (v2sf)  }
0xe0: {  	s30 =	sadd.s32 $0x60, s23;
	s19 =	sadd.s32 $0x10, s19;
	s9 =	spop (v2sf)  }
0xe1: {  	s29 =	sadd.s32 $0x70, s23;
	s28 =	sadd.s32 $0x80, s23;
	s15 =	spop (v2sf)  }
0xe2: {  	s20 =	smov.u32 s23;
	s15 =	simm.s32 @!p0 $0xF149F2CA;
	p0 =	seq.s32 s16, $0x1  }
.Ltmp3:
0xe3: {  	s21 =	sadd.s32 $0xD0, s23;
	s0 =	simm.s32 @!p5 $0xF149F2CA;
	(pc) =	sbr.rel @p0 .LBB2_3-.Ltmp3, $4  }
0xe4: {  	s22 =	sadd.s32 $0xC0, s23;
	s24 =	sadd.s32 $0xB0, s23;
	s1 =	simm.s32 @!p4 $0xF149F2CA;
	v3 =	vsel vm11, s0, v3  }
0xe5: {  	s25 =	sadd.s32 $0xA0, s23;
	s26 =	sadd.s32 $0x90, s23;
	s9 =	simm.s32 @!p3 $0xF149F2CA;
	v3 =	vsel vm12, s1, v3  }
0xe6: {  	s11 =	sadd.s32 $0x20, s23;
	s14 =	sadd.s32 $0xF0, s20;
	p1 =	slt.u32 s19, $0x4E2;
	v3 =	vsel vm13, s9, v3  }
0xe7: {  	s0 =	sadd.s32 $0x40, s23;
	s1 =	sadd.s32 $0x30, s23;
	s23 =	sadd.s32 $0x100, s23;
	v3 =	vsel vm14, s15, v3  }
0xe8: {  	p0 =	seq.s32 s20, $0x4F00;
	s14 =	simm.s32 @!p1 $0x0  }
0xe9: {  	[tilespmem:s18+$0x0] =	vst v3;
	s9 =	smov.u32 s20;
	s15 =	sadd.s32 $0x10, s20;
	s16 =	sadd.s32 $0xFFFFFFF3, s19  }
0xea: {  	s23 =	sadd.s32 $0xFFFFFFF4, s19;
	s9 =	simm.s32 @p0 $0x0;
	v3 =	vld [tilespmem:s14+$0x13A00];
	s15 =	simm.s32 @p0 $0x0  }
0xeb: {  	p2 =	slt.u32 s16, $0x4E2;
	s14 =	sadd.s32 $0xFFFFFFF5, s19;
	s16 =	sadd.s32 $0xFFFFFFF7, s19;
	v4 =	vld [tilespmem:s9+$0x13A00]  }
0xec: {  	s9 =	simm.s32 @!p2 $0x0;
	v5 =	vld [tilespmem:s15+$0x13A00];
	s11 =	simm.s32 @!p2 $0x0;
	s15 =	sadd.s32 $0xFFFFFFF6, s19  }
0xed: {  	s9 =	simm.s32 @p2 $0x1;
	p2 =	slt.u32 s23, $0x4E2;
	s23 =	sadd.s32 $0xFFFFFFF8, s19  }
0xee: {  	v6 =	vld [tilespmem:s11+$0x13A00];
	s11 =	sadd.s32 $0xFFFFFFFB, s19;
	[smem:$0x7ED] =	sst s9;
	s9 =	simm.s32 @!p2 $0x0  }
0xef: {  	s1 =	simm.s32 @!p2 $0x0;
	s9 =	simm.s32 @p2 $0x1;
	p2 =	slt.u32 s14, $0x4E2  }
0xf0: {  	p6 =	slt.u32 s11, $0x4E2;
	[smem:$0x7EE] =	sst s9;
	s9 =	simm.s32 @!p2 $0x0  }
0xf1: {  	s0 =	simm.s32 @!p2 $0x0;
	s9 =	simm.s32 @p2 $0x1;
	p2 =	slt.u32 s15, $0x4E2  }
0xf2: {  	v7 =	vld [tilespmem:s1+$0x13A00];
	s14 =	sadd.s32 $0xFFFFFFFC, s19;
	s25 =	simm.s32 @!p6 $0x0;
	s1 =	simm.s32 @!p2 $0x0  }
0xf3: {  	s31 =	simm.s32 @!p2 $0x0;
	s1 =	simm.s32 @p2 $0x1;
	p2 =	slt.u32 s16, $0x4E2  }
0xf4: {  	v8 =	vld [tilespmem:s0+$0x13A00];
	s15 =	sadd.s32 $0xFFFFFFFD, s19;
	[smem:$0x7EF] =	sst s9;
	s0 =	simm.s32 @!p2 $0x0  }
0xf5: {  	s30 =	simm.s32 @!p2 $0x0;
	s0 =	simm.s32 @p2 $0x1;
	p2 =	slt.u32 s23, $0x4E2  }
0xf6: {  	(xrf0) =	vmax.scan.msk.f32 $0xffff, v3;
	v3 =	vld [tilespmem:s31+$0x13A00];
	s31 =	sadd.s32 $0xFFFFFFF9, s19;
	[smem:$0x7F1] =	sst s0;
	s0 =	simm.s32 @!p2 $0x0  }
0xf7: {  	(xrf0) =	vmax.scan.msk.f32 $0xffff, v4;
	s29 =	simm.s32 @!p2 $0x0;
	s0 =	simm.s32 @p2 $0x1;
	p2 =	slt.u32 s31, $0x4E2  }
0xf8: {  	s9 =	sadd.s32 $0xFFFFFFFA, s19;
	(xrf0) =	vmax.scan.msk.f32 $0xffff, v5;
	[smem:$0x7F0] =	sst s1;
	v4 =	vld [tilespmem:s30+$0x13A00];
	s1 =	simm.s32 @!p2 $0x0  }
0xf9: {  	(xrf0) =	vmax.scan.msk.f32 $0xffff, v6;
	v5 =	vld [tilespmem:s29+$0x13A00];
	s28 =	simm.s32 @!p2 $0x0;
	s1 =	simm.s32 @p2 $0x1;
	p2 =	slt.u32 s9, $0x4E2  }
0xfa: {  	p5 =	slt.u32 s14, $0x4E2;
	p4 =	slt.u32 s15, $0x4E2;
	(xrf0) =	vmax.scan.msk.f32 $0xffff, v7;
	v6 =	vld [tilespmem:s28+$0x13A00];
	s26 =	simm.s32 @!p2 $0x0  }
0xfb: {  	s24 =	simm.s32 @!p5 $0x0;
	s16 =	sadd.s32 $0xFFFFFFFE, s19;
	s22 =	simm.s32 @!p4 $0x0;
	(xrf0) =	vmax.scan.msk.f32 $0xffff, v8;
	v7 =	vld [tilespmem:s26+$0x13A00]  }
0xfc: {  	p3 =	slt.u32 s16, $0x4E2;
	v8 =	vld [tilespmem:s25+$0x13A00];
	[smem:$0x7F2] =	sst s0;
	(xrf0) =	vmax.scan.msk.f32 $0xffff, v3;
	v3, _, _ =	vpop (xrf0);
	s0 =	simm.s32 @!p2 $0x0  }
0xfd: {  	v9 =	vld [tilespmem:s24+$0x13A00];
	s19 =	sadd.s32 $0xFFFFFFFF, s19;
	s21 =	simm.s32 @!p3 $0x0;
	v10, _, _ =	vpop (xrf0);
	(v2sf) =	vpush v3, $0xF;
	(xrf0) =	vmax.scan.msk.f32 $0xffff, v4;
	s0 =	simm.s32 @p2 $0x1  }
0xfe: {  	v3 =	vld [tilespmem:s22+$0x13A00];
	(v2sf) =	vpush v10, $0xF;
	v4, _, _ =	vpop (xrf0);
	p2 =	slt.u32 s19, $0x4E2;
	[smem:$0x7F4] =	sst s0;
	s0 =	sadd.s32 $0xE0, s20;
	(xrf0) =	vmax.scan.msk.f32 $0xffff, v5  }
0xff: {  	(v2sf) =	vpush v4, $0xF;
	v4, _, _ =	vpop (xrf0);
	v5 =	vld [tilespmem:s21+$0x13A00];
	s0 =	simm.s32 @!p2 $0x0;
	(xrf0) =	vmax.scan.msk.f32 $0xffff, v6  }
0x100: {  	(v2sf) =	vpush v4, $0xF;
	v4, _, _ =	vpop (xrf0);
	v6 =	vld [tilespmem:s0+$0x13A00];
	(xrf0) =	vmax.scan.msk.f32 $0xffff, v7  }
0x101: {  	(v2sf) =	vpush v4, $0xF;
	v4, _, _ =	vpop (xrf0);
	(xrf0) =	vmax.scan.msk.f32 $0xffff, v8  }
0x102: {  	(v2sf) =	vpush v4, $0xF;
	v4, _, _ =	vpop (xrf0);
	(xrf0) =	vmax.scan.msk.f32 $0xffff, v9  }
0x103: {  	(v2sf) =	vpush v4, $0xF;
	v4, _, _ =	vpop (xrf0);
	(xrf0) =	vmax.scan.msk.f32 $0xffff, v3  }
0x104: {  	(v2sf) =	vpush v4, $0xF;
	v3, _, _ =	vpop (xrf0);
	(xrf0) =	vmax.scan.msk.f32 $0xffff, v5  }
0x105: {  	(v2sf) =	vpush v3, $0xF;
	v3, _, _ =	vpop (xrf0);
	(xrf0) =	vmax.scan.msk.f32 $0xffff, v6  }
0x106: {  	s24 =	sld [smem:$0x7EF];
	(v2sf) =	vpush v3, $0xF;
	v3, _, _ =	vpop (xrf0)  }
0x107: {  	s23 =	sld [smem:$0x7EE];
	(v2sf) =	vpush v3, $0xF;
	v3, _, _ =	vpop (xrf0)  }
0x108: {  	s25 =	sld [smem:$0x7F0];
	(v2sf) =	vpush v3, $0xF;
	v3, _, _ =	vpop (xrf0)  }
0x109: {  	s22 =	sld [smem:$0x7ED];
	(v2sf) =	vpush v3, $0xF;
	v3, _, _ =	vpop (xrf0)  }
0x10a: {  	s28 =	sld [smem:$0x7F2];
	(v2sf) =	vpush v3, $0xF;
	v3, _, _ =	vpop (xrf0)  }
0x10b: {  	[smem:$0x7F3] =	sst s1;
	(v2sf) =	vpush v3, $0xF;
	v3, _, _ =	vpop (xrf0)  }
0x10c: {  	s26 =	sld [smem:$0x7F1];
	s0 =	spop (v2sf);
	(v2sf) =	vpush v3, $0xF  }
0x10d: {  	s29 =	sld [smem:$0x7F3];
	s0 =	simm.s32 @!p1 $0xF149F2CA;
	s1 =	spop (v2sf)  }
0x10e: {  	s30 =	sld [smem:$0x7F4];
	s1 =	simm.s32 @p0 $0xF149F2CA;
	v3 =	vmov s0;
	s0 =	spop (v2sf)  }
0x10f: {  	s0 =	simm.s32 @p0 $0xF149F2CA;
	v3 =	vsel vm0, s1, v3;
	s1 =	spop (v2sf);
	p0 =	seq.s32 s22, $0x1  }
0x110: {  	s1 =	simm.s32 @!p0 $0xF149F2CA;
	v3 =	vsel vm1, s0, v3;
	s0 =	spop (v2sf);
	p0 =	seq.s32 s23, $0x1  }
0x111: {  	s0 =	simm.s32 @!p0 $0xF149F2CA;
	v3 =	vsel vm2, s1, v3;
	s1 =	spop (v2sf);
	p0 =	seq.s32 s24, $0x1  }
0x112: {  	s1 =	simm.s32 @!p0 $0xF149F2CA;
	v3 =	vsel vm3, s0, v3;
	s0 =	spop (v2sf);
	p0 =	seq.s32 s25, $0x1  }
0x113: {  	s0 =	simm.s32 @!p0 $0xF149F2CA;
	v3 =	vsel vm4, s1, v3;
	s1 =	spop (v2sf);
	p0 =	seq.s32 s26, $0x1  }
0x114: {  	s1 =	simm.s32 @!p0 $0xF149F2CA;
	v3 =	vsel vm5, s0, v3;
	p0 =	seq.s32 s28, $0x1;
	s0 =	spop (v2sf)  }
0x115: {  	v3 =	vsel vm6, s1, v3;
	s0 =	simm.s32 @!p0 $0xF149F2CA;
	s1 =	spop (v2sf);
	p0 =	seq.s32 s29, $0x1  }
0x116: {  	s1 =	simm.s32 @!p0 $0xF149F2CA;
	v3 =	vsel vm7, s0, v3;
	p0 =	seq.s32 s30, $0x1;
	s0 =	spop (v2sf)  }
0x117: {  	v3 =	vsel vm8, s1, v3;
	s0 =	simm.s32 @!p0 $0xF149F2CA;
	s1 =	spop (v2sf)  }
0x118: {  	v45 =	vld [tilespmem:$0x1FF20];
	s1 =	simm.s32 @!p6 $0xF149F2CA;
	v3 =	vsel vm9, s0, v3;
	s0 =	spop (v2sf)  }
0x119: {  	v47 =	vld [tilespmem:$0x1FF30];
	s0 =	simm.s32 @!p5 $0xF149F2CA;
	v3 =	vsel vm10, s1, v3;
	s1 =	spop (v2sf)  }
0x11a: {  	v50 =	vld [tilespmem:$0x1FF40];
	s1 =	simm.s32 @!p4 $0xF149F2CA;
	v3 =	vsel vm11, s0, v3;
	s0 =	spop (v2sf)  }
0x11b: {  	v52 =	vld [tilespmem:$0x1FF50];
	s0 =	simm.s32 @!p3 $0xF149F2CA;
	v3 =	vsel vm12, s1, v3;
	s1 =	spop (v2sf)  }
0x11c: {  	v55 =	vld [tilespmem:$0x1FF60];
	s1 =	simm.s32 @!p2 $0xF149F2CA;
	v3 =	vsel vm13, s0, v3  }
0x11d: {  	v58 =	vld [tilespmem:$0x1FF70];
	s31 =	sadd.s32 $0x10, s18;
	v3 =	vsel vm14, s1, v3  }
0x11e: {  	v61 =	vld [tilespmem:$0x1FF80];
	[tilespmem:s31+$0x0] =	vst v3  }
0x11f: {  	v3 =	vld [tilespmem:$0x18880]  }
0x120: {  	v4 =	vld [tilespmem:$0x18890]  }
0x121: {  	v5 =	vld [tilespmem:$0x188A0]  }
0x122: {  	v6 =	vld [tilespmem:$0x188B0]  }
0x123: {  	v7 =	vld [tilespmem:$0x188C0]  }
0x124: {  	v19 =	vld [tilespmem:$0x189C0]  }
0x125: {  	v21 =	vld [tilespmem:$0x189D0]  }
0x126: {  	(xrf0) =	vmax.scan.msk.f32 $0xffff, v3;
	v3 =	vld [tilespmem:$0x188D0]  }
0x127: {  	(xrf0) =	vmax.scan.msk.f32 $0xffff, v4;
	v4 =	vld [tilespmem:$0x188E0]  }
0x128: {  	(xrf0) =	vmax.scan.msk.f32 $0xffff, v5;
	v5 =	vld [tilespmem:$0x188F0]  }
0x129: {  	(xrf0) =	vmax.scan.msk.f32 $0xffff, v6;
	v6 =	vld [tilespmem:$0x18900]  }
0x12a: {  	(xrf0) =	vmax.scan.msk.f32 $0xffff, v7;
	v7 =	vld [tilespmem:$0x18910]  }
0x12b: {  	(xrf0) =	vmax.scan.msk.f32 $0xffff, v3;
	v3 =	vld [tilespmem:$0x18920]  }
0x12c: {  	v9, _, _ =	vpop (xrf0);
	(xrf0) =	vmax.scan.msk.f32 $0xffff, v4;
	v4 =	vld [tilespmem:$0x18930]  }
0x12d: {  	v10, _, _ =	vpop (xrf0);
	(xrf0) =	vmax.scan.msk.f32 $0xffff, v5;
	v5 =	vld [tilespmem:$0x18940]  }
0x12e: {  	v11, _, _ =	vpop (xrf0);
	(xrf0) =	vmax.scan.msk.f32 $0xffff, v6;
	v6 =	vld [tilespmem:$0x18950]  }
0x12f: {  	v12, _, _ =	vpop (xrf0);
	(xrf0) =	vmax.scan.msk.f32 $0xffff, v7;
	v7 =	vld [tilespmem:$0x18960]  }
0x130: {  	v13, _, _ =	vpop (xrf0);
	(xrf0) =	vmax.scan.msk.f32 $0xffff, v3;
	v3 =	vld [tilespmem:$0x18970]  }
0x131: {  	v14, _, _ =	vpop (xrf0);
	(xrf0) =	vmax.scan.msk.f32 $0xffff, v4;
	v4 =	vld [tilespmem:$0x18980]  }
0x132: {  	v15, _, _ =	vpop (xrf0);
	(xrf0) =	vmax.scan.msk.f32 $0xffff, v5;
	v5 =	vld [tilespmem:$0x18990]  }
0x133: {  	v16, _, _ =	vpop (xrf0);
	(xrf0) =	vmax.scan.msk.f32 $0xffff, v6;
	v6 =	vld [tilespmem:$0x189A0]  }
0x134: {  	v17, _, _ =	vpop (xrf0);
	(xrf0) =	vmax.scan.msk.f32 $0xffff, v7;
	v7 =	vld [tilespmem:$0x189B0]  }
0x135: {  	v37 =	vld [tilespmem:$0x18A10];
	v18, _, _ =	vpop (xrf0);
	(xrf0) =	vmax.scan.msk.f32 $0xffff, v3  }
0x136: {  	v38 =	vld [tilespmem:$0x18A20];
	v20, _, _ =	vpop (xrf0);
	(xrf0) =	vmax.scan.msk.f32 $0xffff, v4  }
0x137: {  	v22, _, _ =	vpop (xrf0);
	(xrf0) =	vmax.scan.msk.f32 $0xffff, v5;
	v5 =	vld [tilespmem:$0x189E0]  }
0x138: {  	v23, _, _ =	vpop (xrf0);
	(xrf0) =	vmax.scan.msk.f32 $0xffff, v6;
	v6 =	vld [tilespmem:$0x189F0]  }
0x139: {  	v8, _, _ =	vpop (xrf0);
	(xrf0) =	vmax.scan.msk.f32 $0xffff, v7;
	v7 =	vld [tilespmem:$0x18A00]  }
0x13a: {  	v39 =	vld [tilespmem:$0x18A60];
	v3, _, _ =	vpop (xrf0);
	(xrf0) =	vmax.scan.msk.f32 $0xffff, v19  }
0x13b: {  	v40 =	vld [tilespmem:$0x18A70];
	v4, _, _ =	vpop (xrf0);
	(xrf0) =	vmax.scan.msk.f32 $0xffff, v21  }
0x13c: {  	v24, _, _ =	vpop (xrf0);
	(xrf0) =	vmax.scan.msk.f32 $0xffff, v5;
	v5 =	vld [tilespmem:$0x18A30]  }
0x13d: {  	v25, _, _ =	vpop (xrf0);
	(xrf0) =	vmax.scan.msk.f32 $0xffff, v6;
	v6 =	vld [tilespmem:$0x18A40]  }
0x13e: {  	v26, _, _ =	vpop (xrf0);
	(xrf0) =	vmax.scan.msk.f32 $0xffff, v7;
	v7 =	vld [tilespmem:$0x18A50]  }
0x13f: {  	v41 =	vld [tilespmem:$0x18AB0];
	v27, _, _ =	vpop (xrf0);
	(xrf0) =	vmax.scan.msk.f32 $0xffff, v37  }
0x140: {  	v42 =	vld [tilespmem:$0x18AC0];
	v28, _, _ =	vpop (xrf0);
	(xrf0) =	vmax.scan.msk.f32 $0xffff, v38  }
0x141: {  	v29, _, _ =	vpop (xrf0);
	(xrf0) =	vmax.scan.msk.f32 $0xffff, v5;
	v5 =	vld [tilespmem:$0x18A80]  }
0x142: {  	v30, _, _ =	vpop (xrf0);
	(xrf0) =	vmax.scan.msk.f32 $0xffff, v6;
	v6 =	vld [tilespmem:$0x18A90]  }
0x143: {  	v38 =	vld [tilespmem:$0x1FF10];
	v31, _, _ =	vpop (xrf0);
	(xrf0) =	vmax.scan.msk.f32 $0xffff, v7  }
0x144: {  	v7 =	vld [tilespmem:$0x18AA0];
	v32, _, _ =	vpop (xrf0);
	(xrf0) =	vmax.scan.msk.f32 $0xffff, v39  }
0x145: {  	v35 =	vld [tilespmem:$0x18AD0];
	v33, _, _ =	vpop (xrf0);
	(xrf0) =	vmax.scan.msk.f32 $0xffff, v40  }
0x146: {  	v43 =	vld [tilespmem:$0x18B00];
	v34, _, _ =	vpop (xrf0);
	(xrf0) =	vmax.scan.msk.f32 $0xffff, v5  }
0x147: {  	v44 =	vld [tilespmem:$0x18B10];
	v5 =	vbroadcast v9, $0xF;
	v36, _, _ =	vpop (xrf0);
	(xrf0) =	vmax.scan.msk.f32 $0xffff, v6;
	v6 =	vbroadcast v10, $0xF  }
0x148: {  	v37 =	vld [tilespmem:$0x18AE0];
	vm15 =	vnez.u8 v38  }
0x149: {  	v10 =	vld [tilespmem:$0x18AF0];
	v9, _, _ =	vpop (xrf0);
	(xrf0) =	vmax.scan.msk.f32 $0xffff, v7;
	v5 =	vsel vm15, v5, v6  }
0x14a: {  	v46 =	vld [tilespmem:$0x18B20];
	v11 =	vbroadcast v11, $0xF;
	v7, _, _ =	vpop (xrf0);
	(xrf0) =	vmax.scan.msk.f32 $0xffff, v41  }
0x14b: {  	v49 =	vld [tilespmem:$0x18B30];
	vm15 =	vnez.u8 v45;
	v6, _, _ =	vpop (xrf0);
	(xrf0) =	vmax.scan.msk.f32 $0xffff, v42  }
0x14c: {  	v54 =	vld [tilespmem:$0x18B50];
	v11 =	vsel vm15, v5, v11;
	v5, _, _ =	vpop (xrf0);
	(xrf0) =	vmax.scan.msk.f32 $0xffff, v35  }
0x14d: {  	v57 =	vld [tilespmem:$0x18B60];
	v12 =	vbroadcast v12, $0xF;
	v48 =	vbroadcast v14, $0xF;
	v14, _, _ =	vpop (xrf0);
	(xrf0) =	vmax.scan.msk.f32 $0xffff, v37  }
0x14e: {  	v13 =	vbroadcast v13, $0xF;
	v51 =	vbroadcast v15, $0xF;
	v40 =	vld [tilespmem:$0x1FF90];
	vm15 =	vnez.u8 v47;
	v15, _, _ =	vpop (xrf0);
	(xrf0) =	vmax.scan.msk.f32 $0xffff, v10  }
0x14f: {  	v53 =	vbroadcast v16, $0xF;
	v11 =	vsel vm15, v11, v12;
	vm15 =	vnez.u8 v50;
	v10 =	vld [tilespmem:$0x18B40];
	v16, _, _ =	vpop (xrf0);
	(xrf0) =	vmax.scan.msk.f32 $0xffff, v43  }
0x150: {  	v56 =	vbroadcast v17, $0xF;
	v11 =	vsel vm15, v11, v13;
	vm15 =	vnez.u8 v52;
	v43 =	vld [tilespmem:$0x1FFA0];
	v17, _, _ =	vpop (xrf0);
	(xrf0) =	vmax.scan.msk.f32 $0xffff, v44  }
0x151: {  	v59 =	vbroadcast v18, $0xF;
	v11 =	vsel vm15, v11, v48;
	vm15 =	vnez.u8 v55;
	v18, _, _ =	vpop (xrf0);
	(xrf0) =	vmax.scan.msk.f32 $0xffff, v46;
	v46 =	vld [tilespmem:$0x1FF10]  }
0x152: {  	v62 =	vbroadcast v20, $0xF;
	v11 =	vsel vm15, v11, v51;
	vm15 =	vnez.u8 v58;
	v20, _, _ =	vpop (xrf0);
	(xrf0) =	vmax.scan.msk.f32 $0xffff, v49;
	v49 =	vld [tilespmem:$0x1FF20]  }
0x153: {  	v52 =	vld [tilespmem:$0x1FFB0];
	v11 =	vsel vm15, v11, v53;
	vm15 =	vnez.u8 v61  }
0x154: {  	v42 =	vbroadcast v25, $0xF;
	v53 =	vld [tilespmem:$0x1FF30];
	v11 =	vsel vm15, v11, v56;
	vm15 =	vnez.u8 v40;
	v25, _, _ =	vpop (xrf0);
	(xrf0) =	vmax.scan.msk.f32 $0xffff, v10  }
0x155: {  	v41 =	vbroadcast v24, $0xF;
	v56 =	vld [tilespmem:$0x1FFC0];
	v11 =	vsel vm15, v11, v59;
	vm15 =	vnez.u8 v43;
	(xrf0) =	vmax.scan.msk.f32 $0xffff, v54  }
0x156: {  	v44 =	vbroadcast v26, $0xF;
	v11 =	vsel vm15, v11, v62;
	(xrf0) =	vmax.scan.msk.f32 $0xffff, v57;
	v57 =	vld [tilespmem:$0x1FF40];
	vm15 =	vnez.u8 v46  }
0x157: {  	v22 =	vbroadcast v22, $0xF;
	v59 =	vld [tilespmem:$0x1FF50];
	v12 =	vsel vm15, v41, v42;
	vm15 =	vnez.u8 v49  }
0x158: {  	v47 =	vbroadcast v27, $0xF;
	v62 =	vld [tilespmem:$0x1FF60];
	v12 =	vsel vm15, v12, v44;
	vm15 =	vnez.u8 v52  }
0x159: {  	v23 =	vbroadcast v23, $0xF;
	v38 =	vld [tilespmem:$0x1FFD0];
	v11 =	vsel vm15, v11, v22;
	vm15 =	vnez.u8 v53  }
0x15a: {  	v50 =	vbroadcast v28, $0xF;
	v12 =	vsel vm15, v12, v47;
	vm15 =	vnez.u8 v56  }
0x15b: {  	v54 =	vbroadcast v29, $0xF;
	v11 =	vsel vm15, v11, v23;
	vm15 =	vnez.u8 v57  }
0x15c: {  	v58 =	vbroadcast v30, $0xF;
	v12 =	vsel vm15, v12, v50;
	vm15 =	vnez.u8 v59  }
0x15d: {  	v8 =	vbroadcast v8, $0xF;
	v12 =	vsel vm15, v12, v54;
	vm15 =	vnez.u8 v62  }
0x15e: {  	v60 =	vld [tilespmem:$0x18B70];
	v12 =	vsel vm15, v12, v58;
	vm15 =	vnez.u8 v38  }
0x15f: {  	v8 =	vsel vm15, v11, v8;
	v11 =	vld [tilespmem:$0x1FF70]  }
0x160: {  	v41 =	vld [tilespmem:$0x1FFE0];
	_ =	sdelay $0x2  }
0x161: {  	v26, _, _ =	vpop (xrf0);
	(xrf0) =	vmax.scan.msk.f32 $0xffff, v60;
	v60 =	vbroadcast v31, $0xF  }
0x162: {  	v3 =	vbroadcast v3, $0xF;
	vm15 =	vnez.u8 v11  }
0x163: {  	v63 =	vld [tilespmem:$0x18B80];
	v11 =	vsel vm15, v12, v60;
	vm15 =	vnez.u8 v41  }
0x164: {  	v8 =	vsel vm15, v8, v3;
	v3 =	vld [tilespmem:$0x1FF80]  }
0x165: {  	v44 =	vld [tilespmem:$0x1FF90]  }
0x166: {  	v47 =	vld [tilespmem:$0x1FFF0];
	_ =	sdelay $0x1  }
0x167: {  	v45 =	vld [tilespmem:$0x18BA0];
	v27, _, _ =	vpop (xrf0);
	(xrf0) =	vmax.scan.msk.f32 $0xffff, v63;
	v63 =	vbroadcast v32, $0xF  }
0x168: {  	v39 =	vbroadcast v33, $0xF;
	v48 =	vld [tilespmem:$0x18BB0];
	vm15 =	vnez.u8 v3  }
0x169: {  	v51 =	vld [tilespmem:$0x18BC0];
	v11 =	vsel vm15, v11, v63;
	vm15 =	vnez.u8 v44  }
0x16a: {  	v10 =	vld [tilespmem:$0x18B90];
	v11 =	vsel vm15, v11, v39;
	vm15 =	vnez.u8 v47  }
0x16b: {  	v4 =	vsel vm15, v8, v4;
	v8 =	vld [tilespmem:$0x1FFA0]  }
0x16c: {  	v50 =	vld [tilespmem:$0x1FF10]  }
0x16d: {  	v54 =	vld [tilespmem:$0x1FF20]  }
0x16e: {  	v28, _, _ =	vpop (xrf0);
	v58 =	vld [tilespmem:$0x1FFB0]  }
0x16f: {  	v24, _, _ =	vpop (xrf0);
	v42 =	vbroadcast v34, $0xF;
	(xrf0) =	vmax.scan.msk.f32 $0xffff, v10;
	v59 =	vld [tilespmem:$0x1FF30]  }
0x170: {  	v46 =	vbroadcast v15, $0xF;
	(xrf0) =	vmax.scan.msk.f32 $0xffff, v45;
	v45 =	vbroadcast v14, $0xF;
	v23, _, _ =	vpop (xrf0);
	v63 =	vld [tilespmem:$0x1FFC0];
	vm15 =	vnez.u8 v8  }
0x171: {  	v30, _, _ =	vpop (xrf0);
	v8 =	vsel vm15, v11, v42;
	v11 =	vbroadcast v16, $0xF;
	vm15 =	vnez.u8 v50  }
0x172: {  	v49 =	vbroadcast v36, $0xF;
	(xrf0) =	vmax.scan.msk.f32 $0xffff, v48;
	v31, _, _ =	vpop (xrf0);
	v12 =	vsel vm15, v45, v46;
	vm15 =	vnez.u8 v54  }
0x173: {  	v22, _, _ =	vpop (xrf0);
	(xrf0) =	vmax.scan.msk.f32 $0xffff, v51;
	v51 =	vbroadcast v17, $0xF;
	v11 =	vsel vm15, v12, v11;
	vm15 =	vnez.u8 v58  }
0x174: {  	v9 =	vbroadcast v9, $0xF;
	v8 =	vsel vm15, v8, v49;
	vm15 =	vnez.u8 v59  }
0x175: {  	v55 =	vld [tilespmem:$0x18BD0];
	v11 =	vsel vm15, v11, v51;
	vm15 =	vnez.u8 v63  }
0x176: {  	v8 =	vsel vm15, v8, v9;
	v9 =	vld [tilespmem:$0x1FF40]  }
0x177: {  	v34 =	vld [tilespmem:$0x1FF50]  }
0x178: {  	v38 =	vld [tilespmem:$0x1FF60]  }
0x179: {  	v41 =	vld [tilespmem:$0x1FFD0]  }
0x17a: {  	v3, _, _ =	vpop (xrf0);
	(xrf0) =	vmax.scan.msk.f32 $0xffff, v55;
	v55 =	vbroadcast v18, $0xF  }
0x17b: {  	v60 =	vbroadcast v20, $0xF;
	vm15 =	vnez.u8 v9  }
0x17c: {  	v9 =	vsel vm15, v11, v55;
	v11 =	vbroadcast v25, $0xF;
	vm15 =	vnez.u8 v34  }
0x17d: {  	v7 =	vbroadcast v7, $0xF;
	v9 =	vsel vm15, v9, v60;
	vm15 =	vnez.u8 v38  }
0x17e: {  	v9 =	vsel vm15, v9, v11;
	vm15 =	vnez.u8 v41  }
0x17f: {  	v7 =	vsel vm15, v8, v7;
	v8 =	vld [tilespmem:$0x1FF70]  }
0x180: {  	v44 =	vld [tilespmem:$0x1FFE0]  }
0x181: {  	v37 =	vld [tilespmem:$0x18C00]  }
0x182: {  	v61 =	vld [tilespmem:$0x18BF0]  }
0x183: {  	v40 =	vld [tilespmem:$0x18C10];
	v35 =	vbroadcast v26, $0xF  }
0x184: {  	v6 =	vbroadcast v6, $0xF;
	v43 =	vld [tilespmem:$0x18C20];
	vm15 =	vnez.u8 v8  }
0x185: {  	v10 =	vld [tilespmem:$0x18BE0];
	v8 =	vsel vm15, v9, v35;
	vm15 =	vnez.u8 v44  }
0x186: {  	v6 =	vsel vm15, v7, v6;
	v7 =	vld [tilespmem:$0x1FF80]  }
0x187: {  	v46 =	vld [tilespmem:$0x1FFF0]  }
0x188: {  	v53 =	vld [tilespmem:$0x18C50]  }
0x189: {  	v48 =	vld [tilespmem:$0x18C40]  }
0x18a: {  	v57 =	vld [tilespmem:$0x18C60];
	v11 =	vbroadcast v27, $0xF  }
0x18b: {  	v62 =	vld [tilespmem:$0x18C70];
	vm15 =	vnez.u8 v7  }
0x18c: {  	v15, _, _ =	vpop (xrf0);
	(xrf0) =	vmax.scan.msk.f32 $0xffff, v10;
	v10 =	vld [tilespmem:$0x18C30];
	v7 =	vsel vm15, v8, v11;
	vm15 =	vnez.u8 v46  }
0x18d: {  	v5 =	vsel vm15, v6, v5;
	v6 =	vld [tilespmem:$0x1FF90]  }
0x18e: {  	v13, _, _ =	vpop (xrf0);
	v47 =	vld [tilespmem:$0x1FFA0]  }
0x18f: {  	v52, _, _ =	vpop (xrf0);
	v49 =	vld [tilespmem:$0x1FFB0]  }
0x190: {  	v17 =	vbroadcast v52, $0xF;
	v52 =	vld [tilespmem:$0x1FF10]  }
0x191: {  	(xrf0) =	vmax.scan.msk.f32 $0xffff, v61;
	v55 =	vld [tilespmem:$0x1FFC0];
	v9 =	vbroadcast v28, $0xF  }
0x192: {  	(xrf0) =	vmax.scan.msk.f32 $0xffff, v37;
	v37 =	vld [tilespmem:$0x18C90];
	v13 =	vbroadcast v13, $0xF;
	v8 =	vbroadcast v24, $0xF;
	vm15 =	vnez.u8 v6  }
0x193: {  	v56, _, _ =	vpop (xrf0);
	(xrf0) =	vmax.scan.msk.f32 $0xffff, v40;
	v40 =	vld [tilespmem:$0x18CA0];
	v6 =	vsel vm15, v7, v9;
	v7 =	vbroadcast v23, $0xF;
	vm15 =	vnez.u8 v47  }
0x194: {  	v61, _, _ =	vpop (xrf0);
	(xrf0) =	vmax.scan.msk.f32 $0xffff, v43;
	v43 =	vld [tilespmem:$0x18CB0];
	v6 =	vsel vm15, v6, v8;
	v8 =	vbroadcast v15, $0xF;
	vm15 =	vnez.u8 v49  }
0x195: {  	v33, _, _ =	vpop (xrf0);
	(xrf0) =	vmax.scan.msk.f32 $0xffff, v10;
	v10 =	vld [tilespmem:$0x18C80];
	v6 =	vsel vm15, v6, v7;
	v7 =	vbroadcast v30, $0xF;
	vm15 =	vnez.u8 v52  }
0x196: {  	v36, _, _ =	vpop (xrf0);
	(xrf0) =	vmax.scan.msk.f32 $0xffff, v48;
	v48 =	vld [tilespmem:$0x18CE0];
	v8 =	vsel vm15, v8, v13;
	vm15 =	vnez.u8 v55  }
0x197: {  	v39, _, _ =	vpop (xrf0);
	(xrf0) =	vmax.scan.msk.f32 $0xffff, v53;
	v6 =	vsel vm15, v6, v7;
	v7 =	vld [tilespmem:$0x1FF20]  }
0x198: {  	v42, _, _ =	vpop (xrf0);
	(xrf0) =	vmax.scan.msk.f32 $0xffff, v57;
	v57 =	vld [tilespmem:$0x1FFD0]  }
0x199: {  	v58 =	vld [tilespmem:$0x1FF30]  }
0x19a: {  	v60 =	vld [tilespmem:$0x1FF40]  }
0x19b: {  	v45 =	vld [tilespmem:$0x18CC0]  }
0x19c: {  	v51 =	vbroadcast v31, $0xF;
	v63 =	vld [tilespmem:$0x1FF50];
	v11, _, _ =	vpop (xrf0);
	(xrf0) =	vmax.scan.msk.f32 $0xffff, v62;
	vm15 =	vnez.u8 v7  }
0x19d: {  	v53 =	vbroadcast v56, $0xF;
	v31 =	vld [tilespmem:$0x1FF60];
	v9, _, _ =	vpop (xrf0);
	(xrf0) =	vmax.scan.msk.f32 $0xffff, v10;
	v7 =	vsel vm15, v8, v17;
	vm15 =	vnez.u8 v57  }
0x19e: {  	v35 =	vld [tilespmem:$0x1FFE0];
	v15, _, _ =	vpop (xrf0);
	(xrf0) =	vmax.scan.msk.f32 $0xffff, v37;
	v8 =	vbroadcast v61, $0xF;
	v6 =	vsel vm15, v6, v51;
	vm15 =	vnez.u8 v58  }
0x19f: {  	v10 =	vld [tilespmem:$0x18CD0];
	v23, _, _ =	vpop (xrf0);
	v7 =	vsel vm15, v7, v53;
	vm15 =	vnez.u8 v60  }
0x1a0: {  	(xrf0) =	vmax.scan.msk.f32 $0xffff, v40;
	v18, _, _ =	vpop (xrf0);
	v7 =	vsel vm15, v7, v8;
	v8 =	vbroadcast v36, $0xF;
	v36 =	vld [tilespmem:$0x1FF70]  }
0x1a1: {  	v12 =	vbroadcast v33, $0xF;
	v40 =	vld [tilespmem:$0x1FF80];
	(xrf0) =	vmax.scan.msk.f32 $0xffff, v43;
	v17, _, _ =	vpop (xrf0)  }
0x1a2: {  	v14 =	vbroadcast v42, $0xF;
	v41 =	vld [tilespmem:$0x1FF10];
	v13, _, _ =	vpop (xrf0);
	vm15 =	vnez.u8 v63  }
0x1a3: {  	v59 =	vbroadcast v22, $0xF;
	v43 =	vld [tilespmem:$0x1FF20];
	(xrf0) =	vmax.scan.msk.f32 $0xffff, v45;
	v61, _, _ =	vpop (xrf0);
	v7 =	vsel vm15, v7, v12;
	vm15 =	vnez.u8 v31  }
0x1a4: {  	v28 =	vbroadcast v39, $0xF;
	v45 =	vld [tilespmem:$0x1FF30];
	(xrf0) =	vmax.scan.msk.f32 $0xffff, v10;
	v29, _, _ =	vpop (xrf0);
	v7 =	vsel vm15, v7, v8;
	vm15 =	vnez.u8 v35  }
0x1a5: {  	(xrf0) =	vmax.scan.msk.f32 $0xffff, v48;
	v48 =	vld [tilespmem:$0x1FF90];
	v32 =	vbroadcast v29, $0xF;
	v6 =	vsel vm15, v6, v59;
	vm15 =	vnez.u8 v36  }
0x1a6: {  	v50 =	vld [tilespmem:$0x18CF0];
	v33, _, _ =	vpop (xrf0);
	v8 =	vbroadcast v61, $0xF;
	v7 =	vsel vm15, v7, v28;
	vm15 =	vnez.u8 v40  }
0x1a7: {  	v54 =	vld [tilespmem:$0x18D00];
	v37 =	vbroadcast v33, $0xF;
	v38, _, _ =	vpop (xrf0);
	v7 =	vsel vm15, v7, v14;
	vm15 =	vnez.u8 v41  }
0x1a8: {  	v56 =	vld [tilespmem:$0x18D10];
	v42 =	vbroadcast v38, $0xF;
	v8 =	vsel vm15, v8, v32;
	vm15 =	vnez.u8 v43  }
0x1a9: {  	v11 =	vbroadcast v11, $0xF;
	v10 =	vld [tilespmem:$0x18D20];
	v8 =	vsel vm15, v8, v37;
	vm15 =	vnez.u8 v45  }
0x1aa: {  	v8 =	vsel vm15, v8, v42;
	vm15 =	vnez.u8 v48  }
0x1ab: {  	(xrf0) =	vmax.scan.msk.f32 $0xffff, v50;
	v7 =	vsel vm15, v7, v11;
	v11 =	vld [tilespmem:$0x1FF40]  }
0x1ac: {  	v49 =	vld [tilespmem:$0x1FFA0];
	(xrf0) =	vmax.scan.msk.f32 $0xffff, v54  }
0x1ad: {  	(xrf0) =	vmax.scan.msk.f32 $0xffff, v56  }
0x1ae: {  	v34 =	vld [tilespmem:$0x18D50];
	(xrf0) =	vmax.scan.msk.f32 $0xffff, v10;
	v10, _, _ =	vpop (xrf0)  }
0x1af: {  	v39 =	vld [tilespmem:$0x18D60];
	v10 =	vbroadcast v10, $0xF  }
0x1b0: {  	v62 =	vld [tilespmem:$0x18D30];
	v9 =	vbroadcast v9, $0xF;
	vm15 =	vnez.u8 v11  }
0x1b1: {  	v30 =	vld [tilespmem:$0x18D40];
	v8 =	vsel vm15, v8, v10;
	vm15 =	vnez.u8 v49  }
0x1b2: {  	v7 =	vsel vm15, v7, v9;
	v9 =	vld [tilespmem:$0x1FF50]  }
0x1b3: {  	v51 =	vld [tilespmem:$0x1FF60]  }
0x1b4: {  	v53 =	vld [tilespmem:$0x1FF70]  }
0x1b5: {  	v54 =	vld [tilespmem:$0x1FFB0];
	v44, _, _ =	vpop (xrf0)  }
0x1b6: {  	v55 =	vld [tilespmem:$0x1FF80];
	v12 =	vbroadcast v44, $0xF;
	v46, _, _ =	vpop (xrf0)  }
0x1b7: {  	v56 =	vld [tilespmem:$0x1FFC0];
	(xrf0) =	vmax.scan.msk.f32 $0xffff, v62;
	v11, _, _ =	vpop (xrf0);
	v10 =	vbroadcast v46, $0xF;
	vm15 =	vnez.u8 v9  }
0x1b8: {  	v57 =	vld [tilespmem:$0x1FF90];
	v9 =	vbroadcast v11, $0xF;
	v8 =	vsel vm15, v8, v12;
	vm15 =	vnez.u8 v51  }
0x1b9: {  	v50 =	vbroadcast v15, $0xF;
	v59 =	vld [tilespmem:$0x1FFA0];
	(xrf0) =	vmax.scan.msk.f32 $0xffff, v30;
	v11, _, _ =	vpop (xrf0);
	v8 =	vsel vm15, v8, v10;
	vm15 =	vnez.u8 v53  }
0x1ba: {  	v61 =	vld [tilespmem:$0x1FFB0];
	(xrf0) =	vmax.scan.msk.f32 $0xffff, v34;
	v10 =	vbroadcast v11, $0xF;
	v8 =	vsel vm15, v8, v9;
	vm15 =	vnez.u8 v54  }
0x1bb: {  	v52 =	vbroadcast v23, $0xF;
	v62 =	vld [tilespmem:$0x1FFD0];
	(xrf0) =	vmax.scan.msk.f32 $0xffff, v39;
	v11, _, _ =	vpop (xrf0);
	v7 =	vsel vm15, v7, v50;
	vm15 =	vnez.u8 v55  }
0x1bc: {  	v63 =	vld [tilespmem:$0x1FFC0];
	v9 =	vbroadcast v11, $0xF;
	v11, _, _ =	vpop (xrf0);
	v8 =	vsel vm15, v8, v10;
	vm15 =	vnez.u8 v56  }
0x1bd: {  	v10 =	vbroadcast v11, $0xF;
	v11, _, _ =	vpop (xrf0);
	v7 =	vsel vm15, v7, v52;
	vm15 =	vnez.u8 v57  }
0x1be: {  	v8 =	vsel vm15, v8, v9;
	v9 =	vbroadcast v11, $0xF;
	vm15 =	vnez.u8 v59  }
0x1bf: {  	v58 =	vbroadcast v18, $0xF;
	v11, _, _ =	vpop (xrf0);
	v8 =	vsel vm15, v8, v10;
	vm15 =	vnez.u8 v61  }
0x1c0: {  	v10 =	vbroadcast v11, $0xF;
	v11, _, _ =	vpop (xrf0);
	v8 =	vsel vm15, v8, v9;
	vm15 =	vnez.u8 v62  }
0x1c1: {  	v9 =	vbroadcast v11, $0xF;
	v11, _, _ =	vpop (xrf0);
	v7 =	vsel vm15, v7, v58;
	vm15 =	vnez.u8 v63  }
0x1c2: {  	v8 =	vsel vm15, v8, v10;
	v10 =	vbroadcast v11, $0xF;
	v11 =	vld [tilespmem:$0x1FFF0];
	_ =	sdelay $0x4  }
0x1c3: {  	vm15 =	vnez.u8 v11  }
0x1c4: {  	v6 =	vsel vm15, v6, v3;
	v3 =	vld [tilespmem:$0x1FFE0];
	_ =	sdelay $0x3  }
0x1c5: {  	v60 =	vbroadcast v17, $0xF  }
0x1c6: {  	vm15 =	vnez.u8 v3  }
0x1c7: {  	v3 =	vsel vm15, v7, v60;
	v7 =	vld [tilespmem:$0x1FFD0];
	_ =	sdelay $0x4  }
0x1c8: {  	vm15 =	vnez.u8 v7;
	v7 =	vld [tilespmem:$0x1FFF0];
	_ =	sdelay $0x4  }
0x1c9: {  	v47 =	vld [tilespmem:$0x18D70];
	v8 =	vsel vm15, v8, v9;
	vm15 =	vnez.u8 v7  }
0x1ca: {  	v7 =	vsel vm15, v3, v13;
	v3 =	vld [tilespmem:$0x1FFE0];
	_ =	sdelay $0x4  }
0x1cb: {  	(xrf0) =	vmax.scan.msk.f32 $0xffff, v47;
	vm15 =	vnez.u8 v3  }
0x1cc: {  	v3 =	vsel vm15, v8, v10;
	v10 =	vld [tilespmem:$0x1FFF0];
	_ =	sdelay $0x2  }
0x1cd: {  	[tilespmem:$0x18D80] =	vst v4  }
0x1ce: {  	[tilespmem:$0x18D90] =	vst v5  }
0x1cf: {  	[tilespmem:$0x18DA0] =	vst v6;
	v9 =	vmax.f32 v4, v5;
	v8, _, _ =	vpop (xrf0);
	vm15 =	vnez.u8 v10  }
0x1d0: {  	[tilespmem:$0x18DB0] =	vst v7;
	v3 =	vsel vm15, v3, v8;
	v8 =	vmax.f32 v9, v6  }
0x1d1: {  	[tilespmem:$0x18DC0] =	vst v3;
	v8 =	vmax.f32 v8, v7  }
0x1d2: {  	_ =	swait.ge [sflag:s13], $0x13A00;
	v8 =	vmax.f32 v8, v3  }
0x1d3: {  	(xrf0) =	vmax.scan.msk.f32 $0xffff, v8;
	_ =	sdelay $0x5  }
0x1d4: {  	v8, _, _ =	vpop (xrf0)  }
0x1d5: {  	(v2sf) =	vpush v8, $0xF;
	_ =	sdelay $0xe  }
0x1d6: {  	s18 =	spop (v2sf)  }
0x1d7: {  	p0 =	sgt.f32 s18, $5.000000000e-01  }
.Ltmp4:
0x1d8: {  	_ = 	snop;
	(pc) =	sbr.rel @!p0 .LBB2_22-.Ltmp4, $3  }
0x1d9: {  	_ =	sdelay $0x1  }
0x1da: {  	[sflag:s13] =	ssyncset.done $0x0  }
0x1db: {  	s19 =	simm.s32 $0x0;
	[sflag:s13] =	ssyncadd.s32 $0xFFFEC600  }
0x1dc: {  	v8 =	vbroadcast v8, $0xF;
	_ =	sdelay $0x1  }
0x1dd: {  	vm15 =	veq.f32 v3, v8;
	v3 =	vor.u32 $0x80000000, v2  }
0x1de: {  	v9 =	vnsel vm15, $0x80000010, v3;
	vm15 =	veq.f32 v7, v8  }
0x1df: {  	(xrf0) =	vmin.scan.msk.u32 $0xffff, v9;
	v7 =	vnsel vm15, $0x80000010, v3;
	vm15 =	veq.f32 v6, v8  }
0x1e0: {  	(xrf0) =	vmin.scan.msk.u32 $0xffff, v7;
	v6 =	vnsel vm15, $0x80000010, v3;
	vm15 =	veq.f32 v5, v8  }
0x1e1: {  	(xrf0) =	vmin.scan.msk.u32 $0xffff, v6;
	v5 =	vnsel vm15, $0x80000010, v3;
	vm15 =	veq.f32 v4, v8  }
0x1e2: {  	(xrf0) =	vmin.scan.msk.u32 $0xffff, v5;
	v4 =	vnsel vm15, $0x80000010, v3  }
0x1e3: {  	(xrf0) =	vmin.scan.msk.u32 $0xffff, v4;
	_ =	sdelay $0x1  }
0x1e4: {  	v4, _, _ =	vpop (xrf0)  }
0x1e5: {  	v5, _, _ =	vpop (xrf0);
	(v2sf) =	vpush v4, $0xF  }
0x1e6: {  	v4, _, _ =	vpop (xrf0);
	(v2sf) =	vpush v5, $0xF  }
0x1e7: {  	v5, _, _ =	vpop (xrf0);
	(v2sf) =	vpush v4, $0xF  }
0x1e8: {  	(v2sf) =	vpush v5, $0xF;
	v4, _, _ =	vpop (xrf0)  }
0x1e9: {  	(v2sf) =	vpush v4, $0xF;
	_ =	sdelay $0xa  }
0x1ea: {  	s1 =	spop (v2sf)  }
0x1eb: {  	s9 =	spop (v2sf)  }
0x1ec: {  	s0 =	spop (v2sf)  }
0x1ed: {  	s11 =	spop (v2sf)  }
0x1ee: {  	s14 =	spop (v2sf)  }
0x1ef: {  	p0 =	slt.u32 s11, $0x80000010;
	s11 =	sadd.s32 $0x80000010, s11;
	s14 =	sxor.u32 $0x80000000, s14  }
0x1f0: {  	s11 =	simm.s32 @!p0 $0x0;
	p1 =	slt.s32 s14, $0x10  }
0x1f1: {  	p0 =	por p0, p1;
	s11 =	smov.u32 @p1 s14;
	s14 =	sadd.s32 $0x80000020, s0  }
0x1f2: {  	p2 =	slt.u32 s0, $0x80000010;
	p1 =	sgt.u32 s0, $0x8000000F;
	s14 =	smov.u32 @p0 s11  }
0x1f3: {  	s0 =	sadd.s32 $0x80000030, s9;
	p0 =	por p2, p0;
	s14 =	smov.u32 @p1 s11  }
0x1f4: {  	p1 =	sgt.u32 s9, $0x8000000F;
	s0 =	smov.u32 @p0 s14  }
0x1f5: {  	s9 =	sadd.s32 $0x80000040, s1;
	s0 =	smov.u32 @p1 s14  }
0x1f6: {  	s9 =	smov.u32 @p0 s0;
	s11 =	smov.u32 s0  }
0x1f7: {  	p0 =	slt.u32 s1, $0x80000010;
	s11 =	smov.u32 @p1 s9  }
0x1f8: {  	s0 =	smov.u32 @p0 s11  }
0x1f9: {  	s22 =	sshll.u32 s0, $0x4  }
0x1fa: {  	v4 =	vld [tilespmem:s22+$0x18880];
	_ =	sdelay $0x4  }
0x1fb: {  	vm15 =	veq.f32 v4, v8  }
0x1fc: {  	v5 =	vnsel vm15, $0x80000010, v3  }
0x1fd: {  	(xrf0) =	vmin.scan.msk.u32 $0xffff, v5;
	_ =	sdelay $0x5  }
0x1fe: {  	v5, _, _ =	vpop (xrf0)  }
0x1ff: {  	(v2sf) =	vpush v5, $0xF;
	_ =	sdelay $0xe  }
0x200: {  	s23 =	spop (v2sf)  }
0x201: {  	s24 =	sxor.u32 $0x80000000, s23  }
0x202: {  	s1 =	sadd.s32 s24, s22  }
0x203: {  	s25 =	sshll.u32 s1, $0x4  }
0x204: {  	v5 =	vld [tilespmem:s25+$0x13A00];
	_ =	sdelay $0x4  }
0x205: {  	vm15 =	veq.f32 v5, v8  }
0x206: {  	v59 =	vnsel vm15, $0x80000010, v3  }
0x207: {  	(xrf0) =	vmin.scan.msk.u32 $0xffff, v59;
	_ =	sdelay $0x5  }
0x208: {  	v6, _, _ =	vpop (xrf0)  }
0x209: {  	(v2sf) =	vpush v6, $0xF;
	_ =	sdelay $0xe  }
0x20a: {  	s15 =	spop (v2sf)  }
0x20b: {  	s15 =	sxor.u32 $0x80000000, s15  }
0x20c: {  	v60 =	vmov s15  }
0x20d: {  	vm15 =	veq.s32 v60, v2  }
0x20e: {  	v5 =	vsel vm15, $0xF149F2CA, v5  }
0x20f: {  	s9 =	sand.u32 $0xF, s23;
	(xrf0) =	vmax.scan.msk.f32 $0xffff, v5  }
0x210: {  	p4 =	sne.s32 s9, $0x0;
	s16 =	sshra.s32 s1, $0x1F;
	p3 =	slt.s32 s1, $0x1  }
0x211: {  	s26 =	sshrl.u32 s16, $0x1C;
	p0 =	por !p4, !p3  }
0x212: {  	s16 =	simm.s32 $0x1;
	s9 =	sadd.s32 s26, s1;
	p0 =	por !p0, !p0  }
0x213: {  	s9 =	sshrl.u32 s9, $0x4;
	s16 =	simm.s32 @!p0 $0x0  }
0x214: {  	s9 =	ssub.s32 s9, s16  }
0x215: {  	s9 =	sshll.u32 s9, $0x4;
	[tilespmem:s25+$0x13A00] =	vst v5;
	v61, _, _ =	vpop (xrf0)  }
0x216: {  	s28 =	sand.u32 $0xF, s0;
	v5 =	vmov s24;
	v62 =	vld [tilespmem:s9+$0x18880];
	v6 =	vbroadcast v61, $0xF  }
0x217: {  	s29 =	sshra.s32 s0, $0x1F;
	p5 =	slt.s32 s0, $0x1;
	p6 =	sne.s32 s28, $0x0;
	vm15 =	veq.s32 v5, v2  }
0x218: {  	s30 =	sshrl.u32 s29, $0x1C;
	p0 =	por !p5, !p6;
	s1 =	ssub.s32 s1, s9;
	v4 =	vsel vm15, v6, v4  }
0x219: {  	s11 =	simm.s32 $0x1;
	s31 =	sadd.s32 s30, s0;
	p0 =	por !p0, !p0;
	(xrf0) =	vmax.scan.msk.f32 $0xffff, v4;
	v4 =	vmov s1  }
0x21a: {  	s11 =	simm.s32 @!p0 $0x0;
	s1 =	sshrl.u32 s31, $0x4;
	vm15 =	veq.s32 v4, v2  }
0x21b: {  	s1 =	ssub.s32 s1, s11;
	v4 =	vsel vm15, v6, v62  }
0x21c: {  	s1 =	sshll.u32 s1, $0x4;
	[tilespmem:s9+$0x18880] =	vst v4  }
0x21d: {  	v4 =	vld [tilespmem:s1+$0x18D80];
	_ =	sdelay $0x1  }
.Ltmp5:
0x21e: {  	s0 =	ssub.s32 s0, s1;
	v5, _, _ =	vpop (xrf0);
	(pc) =	sbr.rel .LBB2_6-.Ltmp5, $4  }
0x21f: {  	v63 =	vmov s0;
	v5 =	vbroadcast v5, $0xF  }
0x220: {  	vm15 =	veq.s32 v63, v2  }
0x221: {  	v4 =	vsel vm15, v5, v4  }
0x222: {  	s19 =	simm.s32 $0x0;
	s0 =	sadd.s32 s15, s25;
	[tilespmem:s1+$0x18D80] =	vst v4  }
.LBB2_8:
0x223: {  	v24 =	vimm.f32 $0.0e+00  }
.LBB2_19:
0x224: {  	v18 =	vmax.f32 v11, v18  }
0x225: {  	v20 =	vmax.f32 v10, v20;
	v15 =	vmin.f32 v9, v15;
	v16 =	vmin.f32 v8, v16  }
0x226: {  	v23 =	vmul.f32 @p0 v25, v23;
	v15 =	vsub.f32 v15, v18;
	v16 =	vsub.f32 v16, v20;
	_ =	sdelay $0x1  }
0x227: {  	v18 =	vsub.f32 @p0 v19, v23;
	v15 =	vmax.f32 v15, $0.0e+00;
	v16 =	vmax.f32 v16, $0.0e+00  }
0x228: {  	v14 =	vadd.f32 v14, v12;
	v15 =	vmul.f32 v16, v15  }
0x229: {  	v16 =	vmax.f32 @p0 v18, $9.999999710e-10  }
0x22a: {  	(erf) = vrcp.f32 @p0 v16;
	v14 =	vsub.f32 v14, v15;
	_ =	sdelay $0x1  }
0x22b: {  	v14 =	vmax.f32 v14, $9.999999710e-10;
	_ =	sdelay $0x1  }
0x22c: {  	v20 =	vsel @p3 vm15, $0x3F800000, v0;
	v16 =	vmov @p1 v22  }
0x22d: {  	v18 =	vmov @p0 v23;
	v16 =	vpsel p1, v16, v17;
	(erf) = vrcp.f32 v14;
	v14 =	vpop @p2 (erf)  }
0x22e: {  	v17 =	vpsel p0, v18, v21;
	v18 =	vmax.f32 @p3 v24, v20;
	v14 =	vmul.f32 @p2 v14, v26  }
0x22f: {  	v19 =	vpop @p1 (erf)  }
0x230: {  	vm15 =	vgt.f32 @p2 v14, $6.999999880e-01;
	v14 =	vmul.f32 @p1 v19, v16;
	v16 =	vmov @p0 v17  }
0x231: {  	v17 =	vpsel p3, v18, v13;
	v18 =	vpop @p0 (erf);
	vm15 =	vmmov @p2 vm15;
	v16 =	vpsel p0, v16, v0  }
0x232: {  	v19 =	vsel @p2 vm15, $0x3F800000, v0;
	vm15 =	vgt.f32 @p1 v14, $6.999999880e-01;
	v14 =	vmul.f32 @p0 v18, v16;
	_ =	sdelay $0x2  }
0x233: {  	v16 =	vmax.f32 @p2 v17, v19;
	vm15 =	vmmov @p1 vm15  }
0x234: {  	v16 =	vpsel p2, v16, v13;
	v17 =	vsel @p1 vm15, $0x3F800000, v0;
	vm15 =	vgt.f32 @p0 v14, $6.999999880e-01;
	v14 =	vpop (erf)  }
0x235: {  	v16 =	vmax.f32 @p1 v16, v17;
	vm15 =	vmmov @p0 vm15;
	v14 =	vmul.f32 v14, v15  }
0x236: {  	v15 =	vpsel p1, v16, v13;
	v16 =	vsel @p0 vm15, $0x3F800000, v0  }
0x237: {  	v15 =	vmax.f32 @p0 v15, v16;
	vm15 =	vgt.f32 v14, $6.999999880e-01  }
0x238: {  	v13 =	vpsel p0, v15, v13;
	v14 =	vsel vm15, $0x3F800000, v0  }
0x239: {  	v13 =	vmax.f32 v13, v14  }
.LBB2_20:
0x23a: {  	v14 =	vld [tilespmem:$0x18D80]  }
0x23b: {  	v15 =	vld [tilespmem:$0x18D90]  }
0x23c: {  	v16 =	vld [tilespmem:$0x18DA0]  }
0x23d: {  	v17 =	vld [tilespmem:$0x18DB0]  }
0x23e: {  	v18 =	vld [tilespmem:$0x18DC0];
	_ =	sdelay $0x1  }
0x23f: {  	v19 =	vmax.f32 v14, v15  }
0x240: {  	v19 =	vmax.f32 v19, v16  }
0x241: {  	v19 =	vmax.f32 v19, v17  }
0x242: {  	(xrf0) =	vmax.scan.msk.f32 $0xffff, v13;
	v50 =	vmax.f32 v19, v18  }
0x243: {  	(xrf0) =	vmax.scan.msk.f32 $0xffff, v50;
	_ =	sdelay $0x4  }
0x244: {  	v51, _, _ =	vpop (xrf0)  }
0x245: {  	v52, _, _ =	vpop (xrf0)  }
0x246: {  	v20 =	vbroadcast v52, $0xF;
	_ =	sdelay $0x1  }
0x247: {  	vm15 =	veq.f32 v14, v20  }
0x248: {  	vm0 =	veq.f32 v15, v20;
	v14 =	vnsel vm15, $0x80000010, v3  }
0x249: {  	vm15 =	veq.f32 v16, v20;
	v53 =	vnsel vm0, $0x80000010, v3;
	(xrf0) =	vmin.scan.msk.u32 $0xffff, v14  }
0x24a: {  	v54 =	vnsel vm15, $0x80000010, v3;
	(xrf0) =	vmin.scan.msk.u32 $0xffff, v53  }
0x24b: {  	vm0 =	veq.f32 v17, v20;
	(xrf0) =	vmin.scan.msk.u32 $0xffff, v54  }
0x24c: {  	v55 =	vnsel vm0, $0x80000010, v3  }
0x24d: {  	(xrf0) =	vmin.scan.msk.u32 $0xffff, v55;
	_ =	sdelay $0x1  }
0x24e: {  	(v2sf) =	vpush v51, $0xF;
	vm0 =	veq.f32 v18, v20;
	v56, _, _ =	vpop (xrf0)  }
0x24f: {  	(v2sf) =	vpush v52, $0xF;
	v58 =	vnsel vm0, $0x80000010, v3;
	v57, _, _ =	vpop (xrf0)  }
0x250: {  	(v2sf) =	vpush v56, $0xF;
	v59, _, _ =	vpop (xrf0);
	(xrf0) =	vmin.scan.msk.u32 $0xffff, v58  }
0x251: {  	(v2sf) =	vpush v57, $0xF  }
0x252: {  	(v2sf) =	vpush v59, $0xF;
	v60, _, _ =	vpop (xrf0)  }
0x253: {  	(v2sf) =	vpush v60, $0xF;
	_ =	sdelay $0x2  }
0x254: {  	v61, _, _ =	vpop (xrf0)  }
0x255: {  	(v2sf) =	vpush v61, $0xF;
	_ =	sdelay $0x5  }
0x256: {  	s23 =	spop (v2sf)  }
0x257: {  	s20 =	spop (v2sf)  }
0x258: {  	s0 =	spop (v2sf)  }
0x259: {  	s1 =	spop (v2sf);
	s0 =	sxor.u32 $0x80000000, s0  }
0x25a: {  	s9 =	spop (v2sf);
	p0 =	slt.u32 s1, $0x80000010;
	s1 =	sadd.s32 $0x80000010, s1  }
0x25b: {  	p1 =	slt.s32 s0, $0x10;
	s11 =	spop (v2sf);
	s1 =	simm.s32 @!p0 $0x0  }
0x25c: {  	p0 =	por p0, p1;
	s14 =	sadd.s32 $0x80000020, s9;
	s1 =	smov.u32 @p1 s0  }
0x25d: {  	p4 =	slt.u32 s9, $0x80000010;
	p2 =	sgt.u32 s9, $0x8000000F;
	s14 =	smov.u32 @p0 s1  }
0x25e: {  	s0 =	sadd.s32 $0x80000030, s11;
	p0 =	por p4, p0;
	s14 =	smov.u32 @p2 s1  }
0x25f: {  	p1 =	sgt.u32 s11, $0x8000000F;
	s0 =	smov.u32 @p0 s14;
	s29 =	spop (v2sf)  }
0x260: {  	s0 =	smov.u32 @p1 s14;
	s9 =	sadd.s32 $0x80000040, s29  }
0x261: {  	s11 =	smov.u32 s0;
	s9 =	smov.u32 @p0 s0  }
0x262: {  	p0 =	slt.u32 s29, $0x80000010;
	s11 =	smov.u32 @p1 s9  }
0x263: {  	s0 =	smov.u32 @p0 s11  }
0x264: {  	s30 =	sshll.u32 s0, $0x4  }
0x265: {  	v13 =	vld [tilespmem:s30+$0x18880];
	_ =	sdelay $0x4  }
0x266: {  	vm0 =	veq.f32 v13, v20  }
0x267: {  	v62 =	vnsel vm0, $0x80000010, v3  }
0x268: {  	(xrf0) =	vmin.scan.msk.u32 $0xffff, v62;
	_ =	sdelay $0x5  }
0x269: {  	v14, _, _ =	vpop (xrf0)  }
0x26a: {  	(v2sf) =	vpush v14, $0xF;
	_ =	sdelay $0xe  }
0x26b: {  	s9 =	spop (v2sf)  }
0x26c: {  	s11 =	sxor.u32 $0x80000000, s9  }
0x26d: {  	s1 =	sadd.s32 s11, s30  }
0x26e: {  	s21 =	sshll.u32 s1, $0x4  }
0x26f: {  	v14 =	vld [tilespmem:s21+$0x13A00];
	_ =	sdelay $0x4  }
0x270: {  	vm0 =	veq.f32 v14, v20  }
0x271: {  	v63 =	vnsel vm0, $0x80000010, v3  }
0x272: {  	(xrf0) =	vmin.scan.msk.u32 $0xffff, v63;
	_ =	sdelay $0x5  }
0x273: {  	v15, _, _ =	vpop (xrf0)  }
0x274: {  	(v2sf) =	vpush v15, $0xF;
	_ =	sdelay $0xe  }
0x275: {  	p1 =	sgt.f32 s20, $5.000000000e-01;
	s31 =	spop (v2sf)  }
0x276: {  	s22 =	sxor.u32 $0x80000000, s31  }
0x277: {  	v15 =	vlaneseq.u32 @p1;
	v16 =	vmov @p1 s22  }
0x278: {  	vm0 =	veq.s32 @p1 v16, v15  }
0x279: {  	s9 =	sand.u32 @p1 $0xF, s9;
	v14 =	vsel @p1 vm0, $0xF149F2CA, v14  }
0x27a: {  	p2 =	sne.s32 @p1 s9, $0x0;
	p0 =	slt.s32 @p1 s1, $0x1;
	(xrf0) =	vmax.scan.msk.f32 @p1 $0xffff, v14  }
0x27b: {  	s9 =	sshra.s32 @p1 s1, $0x1F;
	p0 =	por @p1 !p2, !p0  }
0x27c: {  	s9 =	sshrl.u32 @p1 s9, $0x1C;
	p0 =	por @p1 !p0, !p0  }
0x27d: {  	s14 =	simm.s32 @p1 $0x1;
	s9 =	sadd.s32 @p1 s9, s1;
	p0 =	por !p0, !p1  }
0x27e: {  	s9 =	sshrl.u32 @p1 s9, $0x4;
	s14 =	simm.s32 @p0 $0x0  }
0x27f: {  	s9 =	ssub.s32 @p1 s9, s14  }
0x280: {  	s14 =	sand.u32 @p1 $0xF, s0;
	s9 =	sshll.u32 @p1 s9, $0x4;
	[tilespmem:s21+$0x13A00] =	vst @p1 v14;
	v16, _, _ =	vpop @p1 (xrf0)  }
0x281: {  	p0 =	slt.s32 @p1 s0, $0x1;
	p2 =	sne.s32 @p1 s14, $0x0;
	v14 =	vmov @p1 s11;
	v17 =	vld @p1 [tilespmem:s9+$0x18880];
	v16 =	vbroadcast @p1 v16, $0xF  }
0x282: {  	p0 =	por @p1 !p0, !p2;
	s11 =	sshra.s32 @p1 s0, $0x1F;
	vm0 =	veq.s32 @p1 v14, v15  }
0x283: {  	s1 =	ssub.s32 @p1 s1, s9;
	p0 =	por @p1 !p0, !p0;
	s11 =	sshrl.u32 @p1 s11, $0x1C;
	v13 =	vsel @p1 vm0, v16, v13  }
0x284: {  	p0 =	por !p0, !p1;
	s11 =	sadd.s32 @p1 s11, s0;
	(xrf0) =	vmax.scan.msk.f32 @p1 $0xffff, v13;
	v13 =	vmov @p1 s1;
	s1 =	simm.s32 @p1 $0x1  }
0x285: {  	p5 =	sgt.f32 s23, $0.0e+00;
	s11 =	sshrl.u32 @p1 s11, $0x4;
	vm0 =	veq.s32 @p1 v13, v15;
	s1 =	simm.s32 @p0 $0x0  }
0x286: {  	p6 =	sgt.f32 s18, $5.000000000e-01;
	v13 =	vsel @p1 vm0, v16, v17;
	s1 =	ssub.s32 @p1 s11, s1  }
0x287: {  	p0 =	por !p5, !p5;
	[tilespmem:s9+$0x18880] =	vst @p1 v13;
	s1 =	sshll.u32 @p1 s1, $0x4  }
0x288: {  	p0 =	por !p6, !p0;
	v13 =	vld @p1 [tilespmem:s1+$0x18D80]  }
0x289: {  	p0 =	por !p0, !p0  }
0x28a: {  	s0 =	ssub.s32 @p1 s0, s1;
	v14, _, _ =	vpop @p1 (xrf0);
	(xrf0) =	vmax.scan.msk.f32 @p0 $0xffff, v11  }
0x28b: {  	v16 =	vmov @p1 s0;
	v14 =	vbroadcast @p1 v14, $0xF;
	(xrf0) =	vmax.scan.msk.f32 @p0 $0xffff, v10  }
0x28c: {  	vm0 =	veq.s32 @p1 v16, v15  }
0x28d: {  	v10 =	vsel @p1 vm0, v14, v13  }
0x28e: {  	(xrf0) =	vmax.scan.msk.f32 @p0 $0xffff, v9  }
0x28f: {  	s0 =	sand.u32 @p0 $0x7FFFFFF0, s19;
	(xrf0) =	vmax.scan.msk.f32 @p0 $0xffff, v8;
	[tilespmem:s1+$0x18D80] =	vst @p1 v10  }
0x290: {  	(xrf0) =	vmax.scan.msk.f32 @p0 $0xffff, v12;
	v8 =	vld @p0 [tilespmem:s0+$0x18E00];
	v10, _, _ =	vpop @p0 (xrf0)  }
0x291: {  	v9 =	vld @p0 [tilespmem:s0+$0x18E80];
	v12, _, _ =	vpop @p0 (xrf0)  }
0x292: {  	s1 =	sand.u32 @p0 $0xF, s19;
	v11 =	vld @p0 [tilespmem:s0+$0x18F00];
	v12 =	vbroadcast @p0 v12, $0xF  }
0x293: {  	v14 =	vlaneseq.u32 @p0;
	v13 =	vmov @p0 s1;
	v15 =	vld @p0 [tilespmem:s0+$0x18F80];
	v10 =	vbroadcast @p0 v10, $0xF  }
0x294: {  	vm0 =	veq.s32 @p0 v13, v14;
	v13 =	vld @p0 [tilespmem:s0+$0x19000];
	v16, _, _ =	vpop @p0 (xrf0)  }
0x295: {  	v17, _, _ =	vpop @p0 (xrf0);
	v8 =	vsel @p0 vm0, v10, v8;
	v10 =	vbroadcast @p0 v16, $0xF;
	v16 =	vld @p0 [tilespmem:s0+$0x19280]  }
0x296: {  	[tilespmem:s0+$0x18E00] =	vst @p0 v8;
	v8 =	vsel @p0 vm0, v12, v9;
	v9 =	vbroadcast @p0 v17, $0xF;
	v12, _, _ =	vpop @p0 (xrf0)  }
0x297: {  	[tilespmem:s0+$0x18E80] =	vst @p0 v8;
	v8 =	vsel @p0 vm0, v10, v11;
	v10 =	vbroadcast @p0 v12, $0xF  }
0x298: {  	[tilespmem:s0+$0x18F00] =	vst @p0 v8;
	v8 =	vsel @p0 vm0, v9, v15  }
0x299: {  	s1 =	sshrl.u32 @p0 s19, $0x2;
	[tilespmem:s0+$0x18F80] =	vst @p0 v8;
	v8 =	vsel @p0 vm0, v10, v13  }
0x29a: {  	s11 =	simm.s32 $0x1;
	s9 =	sshll.u32 @p0 s1, $0x6;
	[tilespmem:s0+$0x19000] =	vst @p0 v8;
	v8 =	vsel @p0 vm0, s18, v16  }
0x29b: {  	s11 =	simm.s32 @!p0 $0x0;
	s9 =	sshra.s32 @p0 s9, $0x2;
	[tilespmem:s0+$0x19280] =	vst @p0 v8  }
0x29c: {  	s0 =	sshll.u32 @p0 s1, $0x4;
	s1 =	sshll.u32 @p0 s19, $0x2;
	s19 =	sadd.s32 s11, s19;
	v8 =	vld @p0 [tilespmem:s9+$0x19080]  }
0x29d: {  	s0 =	ssub.s32 @p0 s1, s0;
	p1 =	sgt.u32 s19, $0x63  }
0x29e: {  	s1 =	sor.u32 @p0 $0x3, s0;
	p2 =	sgt.f32 @!p1 s18, $5.000000000e-01  }
0x29f: {  	s14 =	sor.u32 @p0 $0x2, s0;
	v9 =	vmov @p0 s1  }
0x2a0: {  	s1 =	sor.u32 @p0 $0x1, s0;
	v10 =	vmov @p0 s14;
	vm0 =	veq.s32 @p0 v9, v14;
	p2 =	por p1, !p2  }
.Ltmp6:
0x2a1: {  	v9 =	vmov @p0 s1;
	vm15 =	veq.s32 @p0 v10, v14;
	v7 =	vsel @p0 vm0, v7, v8;
	(pc) =	sbr.rel @p2 .LBB2_21-.Ltmp6, $4  }
0x2a2: {  	v8 =	vmov @p0 s0;
	vm0 =	veq.s32 @p0 v9, v14;
	v6 =	vsel @p0 vm15, v6, v7  }
0x2a3: {  	vm15 =	veq.s32 @p0 v8, v14;
	v5 =	vsel @p0 vm0, v5, v6  }
0x2a4: {  	v4 =	vsel @p0 vm15, v4, v5  }
0x2a5: {  	s18 =	smov.u32 s20;
	s0 =	sadd.s32 s22, s21;
	[tilespmem:s9+$0x19080] =	vst @p0 v4  }
.LBB2_6:
0x2a6: {  	v4 =	vmov s0  }
0x2a7: {  	v5 =	vshll.u32 v4, $0x2  }
0x2a8: {  	v4 =	vand.u32 $0x7F, v4;
	v5 =	vand.u32 $0xFFFFFE00, v5  }
0x2a9: {  	v4 =	vor.u32 v4, v5  }
0x2aa: {  	v5 =	vor.u32 $0x100, v4  }
0x2ab: {  	v7 =	vor.u32 $0x180, v4;
	_ =	sdelay $0x1  }
0x2ac: {  	v8 =	vor.u32 $0x80, v4;
	_ =	sdelay $0x1  }
0x2ad: {  	v6 =	vld.idx.msk [tilespmem:v5+s2+$0x0], $0xffff  }
0x2ae: {  	v7 =	vld.idx.msk [tilespmem:v7+s2+$0x0], $0xffff  }
0x2af: {  	v4 =	vld.idx.msk [tilespmem:v4+s2+$0x0], $0xffff  }
0x2b0: {  	v5 =	vld.idx.msk [tilespmem:v8+s2+$0x0], $0xffff;
	_ =	sdelay $0x2  }
0x2b1: {  	s31 =	sadd.s32 $0xF, s19;
	v8 =	vmul.f32 $5.000000000e-01, v6;
	v12 =	vmul.f32 $5.000000000e-01, v7  }
0x2b2: {  	s0 =	sshrl.u32 s31, $0x4  }
0x2b3: {  	p0 =	seq.s32 s0, $0x0;
	v11 =	vsub.f32 v4, v8;
	v10 =	vsub.f32 v5, v12  }
.Ltmp7:
0x2b4: {  	v9 =	vadd.f32 v8, v4;
	v8 =	vadd.f32 v12, v5;
	(pc) =	sbr.rel @p0 .LBB2_20-.Ltmp7, $3  }
0x2b5: {  	_ = 	snop  }
0x2b6: {  	v12 =	vsub.f32 v9, v11;
	v13 =	vsub.f32 v8, v10;
	_ =	sdelay $0x1  }
0x2b7: {  	v12 =	vmul.f32 v13, v12;
	v13 =	vimm.f32 $0.0e+00  }
0x2b8: {  	s1 =	simm.s32 $0x18E00  }
0x2b9: {  	s9 =	simm.s32 $0x18E80;
	v18 =	vld [tilespmem:s1+$0x0]  }
0x2ba: {  	s30 =	simm.s32 $0x18F00;
	p4 =	sne.s32 s0, $0x1;
	v20 =	vld [tilespmem:s9+$0x0]  }
.Ltmp8:
0x2bb: {  	s31 =	simm.s32 $0x18F80;
	v15 =	vld [tilespmem:s30+$0x0];
	(pc) =	sbr.rel @!p4 .LBB2_8-.Ltmp8, $4  }
0x2bc: {  	v16 =	vld [tilespmem:s31+$0x0]  }
0x2bd: {  	s11 =	simm.s32 $0x19000  }
0x2be: {  	s0 =	sadd.s32 $0xFFFFFFFF, s0;
	p0 =	por $0x0, $0x0;
	p1 =	por $0x0, $0x0  }
0x2bf: {  	p2 =	por $0x0, $0x0;
	p3 =	por $0x0, $0x0;
	s1 =	simm.s32 $0x18E10;
	v14 =	vld [tilespmem:s11+$0x0]  }
0x2c0: {  	v17 =	vmax.f32 v11, v18;
	s29 =	simm.s32 $0x18F10;
	p4 =	sne.s32 s0, $0x1  }
.Ltmp9:
0x2c1: {  	v18 =	vmax.f32 v10, v20;
	v19 =	vmin.f32 v9, v15;
	s30 =	simm.s32 $0x18F90;
	v16 =	vmin.f32 v8, v16;
	v15 =	vld [tilespmem:s29+$0x0];
	(pc) =	sbr.rel @!p4 .LBB2_10-.Ltmp9, $4  }
0x2c2: {  	v18 =	vsub.f32 v16, v18;
	v16 =	vld [tilespmem:s30+$0x0]  }
0x2c3: {  	v22 =	vld [tilespmem:s1+$0x0];
	s28 =	simm.s32 $0x18E90;
	v17 =	vsub.f32 v19, v17  }
0x2c4: {  	s31 =	simm.s32 $0x19010;
	v21 =	vld [tilespmem:s28+$0x0]  }
0x2c5: {  	s0 =	sadd.s32 $0xFFFFFFFF, s0;
	s1 =	simm.s32 $0x18E20;
	p0 =	por $0x1, $0x1;
	v23 =	vmax.f32 v17, $0.0e+00;
	v19 =	vadd.f32 v14, v12;
	v14 =	vld [tilespmem:s31+$0x0];
	v25 =	vmax.f32 v18, $0.0e+00  }
0x2c6: {  	_ = 	snop  }
0x2c7: {  	v18 =	vld [tilespmem:s1+$0x0];
	s28 =	simm.s32 $0x18EA0  }
0x2c8: {  	v17 =	vmul.f32 v25, v23;
	s29 =	simm.s32 $0x18F20;
	p4 =	sne.s32 s0, $0x1;
	v20 =	vld [tilespmem:s28+$0x0]  }
.Ltmp10:
0x2c9: {  	v23 =	vmin.f32 v9, v15;
	s30 =	simm.s32 $0x18FA0;
	v16 =	vmin.f32 v8, v16;
	v15 =	vld [tilespmem:s29+$0x0];
	v21 =	vmax.f32 v10, v21;
	(pc) =	sbr.rel @!p4 .LBB2_12-.Ltmp10, $4  }
0x2ca: {  	v22 =	vmax.f32 v11, v22;
	v24 =	vsub.f32 v19, v17;
	v21 =	vsub.f32 v16, v21;
	v16 =	vld [tilespmem:s30+$0x0]  }
0x2cb: {  	v22 =	vsub.f32 v23, v22  }
0x2cc: {  	s31 =	simm.s32 $0x19020;
	v19 =	vadd.f32 v14, v12;
	v24 =	vmax.f32 v24, $9.999999710e-10  }
0x2cd: {  	s0 =	sadd.s32 $0xFFFFFFFF, s0;
	s1 =	simm.s32 $0x18E30;
	p1 =	por $0x1, $0x1;
	v14 =	vld [tilespmem:s31+$0x0];
	v23 =	vmax.f32 v22, $0.0e+00;
	(erf) = vrcp.f32 v24;
	v25 =	vmax.f32 v21, $0.0e+00  }
0x2ce: {  	v21 =	vmul.f32 v25, v23;
	_ =	sdelay $0x1  }
0x2cf: {  	v25 =	vsub.f32 v19, v21;
	_ =	sdelay $0x1  }
0x2d0: {  	v26 =	vmax.f32 v25, $9.999999710e-10  }
0x2d1: {  	s28 =	simm.s32 $0x18EB0;
	(erf) = vrcp.f32 v26  }
0x2d2: {  	v23 =	vmax.f32 v10, v20;
	s29 =	simm.s32 $0x18F30;
	p4 =	sne.s32 s0, $0x1;
	v20 =	vld [tilespmem:s28+$0x0]  }
.Ltmp11:
0x2d3: {  	v18 =	vmax.f32 v11, v18;
	v24 =	vmin.f32 v9, v15;
	s30 =	simm.s32 $0x18FB0;
	v16 =	vmin.f32 v8, v16;
	v15 =	vld [tilespmem:s29+$0x0];
	(pc) =	sbr.rel @!p4 .LBB2_14-.Ltmp11, $3  }
0x2d4: {  	v18 =	vsub.f32 v24, v18;
	v24 =	vsub.f32 v16, v23;
	v16 =	vld [tilespmem:s30+$0x0];
	_ =	sdelay $0x1  }
0x2d5: {  	v22 =	vld [tilespmem:s1+$0x0];
	s31 =	simm.s32 $0x19030  }
0x2d6: {  	s21 =	sadd.s32 $0xFFFFFFFF, s0;
	s0 =	simm.s32 $0x18E40;
	p2 =	por $0x1, $0x1;
	v23 =	vmax.f32 v18, $0.0e+00;
	v19 =	vadd.f32 v14, v12;
	v14 =	vld [tilespmem:s31+$0x0];
	v25 =	vmax.f32 v24, $0.0e+00  }
0x2d7: {  	_ =	sdelay $0x2  }
0x2d8: {  	v24 =	vmax.f32 v11, v22;
	v22 =	vmul.f32 v25, v23  }
0x2d9: {  	v15 =	vmin.f32 v9, v15  }
0x2da: {  	v18 =	vld [tilespmem:s0+$0x0];
	s0 =	simm.s32 $0x18EC0;
	v24 =	vsub.f32 v15, v24;
	v25 =	vsub.f32 v19, v22  }
0x2db: {  	s1 =	simm.s32 $0x18F40;
	p4 =	sne.s32 s21, $0x1;
	v16 =	vmin.f32 v8, v16;
	v23 =	vmax.f32 v10, v20;
	v20 =	vld [tilespmem:s0+$0x0]  }
.Ltmp12:
0x2dc: {  	s20 =	simm.s32 $0x18FC0;
	v26 =	vsub.f32 v16, v23;
	v15 =	vld [tilespmem:s1+$0x0];
	v23 =	vmax.f32 v24, $0.0e+00;
	v24 =	vmax.f32 v25, $9.999999710e-10;
	(pc) =	sbr.rel @!p4 .LBB2_16-.Ltmp12, $4  }
0x2dd: {  	v16 =	vld [tilespmem:s20+$0x0];
	v19 =	vpop (erf);
	(erf) = vrcp.f32 v24  }
0x2de: {  	v27 =	vmul.f32 v19, v17  }
0x2df: {  	s11 =	simm.s32 $0x19040;
	v19 =	vadd.f32 v14, v12  }
0x2e0: {  	s21 =	sadd.s32 $0xFFFFFFFF, s21;
	s22 =	simm.s32 $0x18E50;
	p3 =	por $0x1, $0x1;
	v14 =	vld [tilespmem:s11+$0x0];
	v25 =	vmax.f32 v26, $0.0e+00;
	vm15 =	vgt.f32 v27, $6.999999880e-01;
	v24 =	vimm.f32 $0.0e+00;
	v26 =	vmovc v21  }
.LBB2_17:
0x2e1: {  	v27 =	vmax.f32 v11, v18;
	v18 =	vld [tilespmem:s22+$0x0];
	s0 =	sadd.s32 $0x10, s0;
	v23 =	vmul.f32 v25, v23;
	v25 =	vsel vm15, $0x3F800000, v0;
	p4 =	sne.s32 s21, $0x1  }
.Ltmp13:
0x2e2: {  	v28 =	vmax.f32 v10, v20;
	s1 =	sadd.s32 $0x10, s1;
	v20 =	vld [tilespmem:s0+$0x0];
	v29 =	vmin.f32 v9, v15;
	v24 =	vmax.f32 v24, v25;
	(pc) =	sbr.rel @p4 .LBB2_17-.Ltmp13, $4  }
0x2e3: {  	s20 =	sadd.s32 $0x10, s20;
	v15 =	vld [tilespmem:s1+$0x0];
	v25 =	vmin.f32 v8, v16;
	v27 =	vsub.f32 v29, v27;
	v29 =	vsub.f32 v19, v23;
	v19 =	vpop (erf)  }
0x2e4: {  	s21 =	sadd.s32 $0xFFFFFFFF, s21;
	v16 =	vld [tilespmem:s20+$0x0];
	v25 =	vsub.f32 v25, v28;
	v28 =	vmul.f32 v19, v26;
	v26 =	vmovc v22;
	v22 =	vmov v23  }
0x2e5: {  	s11 =	sadd.s32 $0x10, s11;
	v23 =	vmax.f32 v27, $0.0e+00;
	v19 =	vadd.f32 v14, v12;
	v27 =	vmax.f32 v29, $9.999999710e-10  }
0x2e6: {  	s22 =	sadd.s32 $0x10, s22;
	v14 =	vld [tilespmem:s11+$0x0];
	v25 =	vmax.f32 v25, $0.0e+00;
	(erf) = vrcp.f32 v27;
	vm15 =	vgt.f32 v28, $6.999999880e-01  }
.Ltmp14:
0x2e7: {  	(pc) =	sbr.rel .LBB2_19-.Ltmp14, $1  }
0x2e8: {  	_ =	sdelay $0x3  }
.LBB2_10:
.Ltmp15:
0x2e9: {  	(pc) =	sbr.rel .LBB2_19-.Ltmp15, $2  }
0x2ea: {  	_ =	sdelay $0x2  }
0x2eb: {  	v24 =	vimm.f32 $0.0e+00;
	v18 =	vmov v22;
	v20 =	vmov v21  }
.LBB2_12:
.Ltmp16:
0x2ec: {  	(pc) =	sbr.rel .LBB2_19-.Ltmp16, $2  }
0x2ed: {  	_ =	sdelay $0x2  }
0x2ee: {  	v22 =	vmov v17;
	v24 =	vimm.f32 $0.0e+00  }
.LBB2_14:
.Ltmp17:
0x2ef: {  	(pc) =	sbr.rel .LBB2_19-.Ltmp17, $2  }
0x2f0: {  	_ =	sdelay $0x2  }
0x2f1: {  	v24 =	vimm.f32 $0.0e+00;
	v26 =	vmovc v17;
	v18 =	vmov v22;
	v22 =	vmov v21  }
.LBB2_16:
.Ltmp18:
0x2f2: {  	(pc) =	sbr.rel .LBB2_19-.Ltmp18, $2  }
0x2f3: {  	_ =	sdelay $0x2  }
0x2f4: {  	v24 =	vimm.f32 $0.0e+00;
	v26 =	vmov v21  }
.LBB2_23:
0x2f5: {  	_ =	sfence.sel $0x180000  }
0x2f6: {  	[bflag:$0x0] =	sbarrier.arrive $0xFFFF  }
0x2f7: {  	_ =	strace $0x90000047  }
0x2f8: {  	s0 =	stileid.u32;
	[bflag:$0x2] =	sbarrier.arrive $0xFFFF  }
0x2f9: {  	p0 =	sne.s32 s0, $0x0;
	s0 =	rddreg [dreg:$0x5]  }
0x2fa: {  	s0 =	sadd.s32 @!p0 $0x100000, s0  }
0x2fb: {  	[sflag:s0] =	ssyncadd.tile.s32 @!p0 $0x1;
	_ =	shalt  }
.Lfunc_end2:
_tile_overlayer_lowered:
.L_overlay_start_2:
0x2fc: {  	(tag) =	ssettag $0x2  }
0x2fd: {  	s0 =	rddreg [dreg:$0x0];
	s2 =	stileid.u32  }
0x2fe: {  	s1 =	rddreg [dreg:$0x1];
	p0 =	sne.s32 s2, $0x0  }
0x2ff: {  	s3 =	rddreg [dreg:$0x2];
	[bflag:$0x3] =	sbarrier.arrive $0xFFFF;
	s2 =	simm.s32 @!p0 $0x1C02  }
0x300: {  	[timem:s3], [sflag:s2] =	dma.local @!p0 [hbm:s0], s1  }
0x301: {  	s0 =	simm.s32 @!p0 $0x2  }
0x302: {  	_ =	swait.ge @!p0 [sflag:s0], s1  }
0x303: {  	s1 =	ssub.s32 @!p0 $0x0, s1;
	[sflag:s0] =	ssyncset.done @!p0 $0x0  }
0x304: {  	[sflag:s0] =	ssyncadd.s32 @!p0 s1  }
0x305: {  	[bflag:$0x3] =	sbarrier.arrive $0xFFFF  }
0x306: {  	_ =	shalt  }

</sc_bundles>
